<compile_context>
chip_gen: v7x
topology: tpu7x:2x2x1
jax: 0.10.2.dev20260603
libtpu: 0.0.44.dev20260713+nightly
codegen_flags: <defaults>
</compile_context>

<pallas_src>
import functools
from itertools import combinations

import jax
import jax.numpy as jnp
from jax import lax
from jax.experimental import pallas as pl
from jax.experimental.pallas import tpu as pltpu
from jax.experimental.pallas import tpu_sc as plsc

B, F, D = 16384, 5, 128
L = 16
NDC = D // L

_TRIPLES = list(combinations(range(F), 3))
_PAIRS = sorted({(i, j) for (i, j, _k) in _TRIPLES})

_info = plsc.get_sparse_core_info()
NC, NS = _info.num_cores, _info.num_subcores
NW = NC * NS
RPW = B // NW
CC = 64
GPC = CC // L
NG = RPW // CC


@functools.partial(
    pl.kernel,
    mesh=plsc.VectorSubcoreMesh(core_axis_name="c", subcore_axis_name="s"),
    compiler_params=pltpu.CompilerParams(needs_layout_passes=False),
    out_type=jax.ShapeDtypeStruct((B,), jnp.float32),
    scratch_types=[
        pltpu.VMEM((F * CC, D), jnp.float32),
        pltpu.VMEM((F * CC, D), jnp.float32),
        pltpu.VMEM((len(_TRIPLES), L), jnp.float32),
        pltpu.VMEM((L * L,), jnp.float32),
        pltpu.VMEM((RPW,), jnp.float32),
        pltpu.SemaphoreType.DMA,
        pltpu.SemaphoreType.DMA,
    ],
)
def _sc_triple_sum(xt_hbm, wb_hbm, out_hbm, buf0, buf1, wb_v, tbuf, out_v,
                   sem0, sem1):
    wid = lax.axis_index("s") * NC + lax.axis_index("c")
    base = wid * RPW

    pltpu.sync_copy(wb_hbm, wb_v)
    wv = [wb_v[t] for t in range(len(_TRIPLES))]
    col_idx = lax.iota(jnp.int32, L) * L

    def start_chunk(off, buf, sem):
        for f in range(F):
            pltpu.async_copy(xt_hbm.at[f, pl.ds(off, CC)],
                             buf.at[pl.ds(f * CC, CC)], sem)

    def wait_chunk(buf, sem):
        for f in range(F):
            pltpu.make_async_copy(xt_hbm.at[0, pl.ds(0, CC)],
                                  buf.at[pl.ds(f * CC, CC)], sem).wait()

    def compute_chunk(buf, cidx):
        def group_body(g2, _, buf=buf, cidx=cidx):
            @plsc.parallel_loop(0, L, unroll=1)
            def row_body(rr, buf=buf, g2=g2):
                r = g2 * L + rr
                acc = None
                for c in range(NDC):
                    xs = [buf[f * CC + r, pl.ds(c * L, L)] for f in range(F)]
                    pp = {ij: xs[ij[0]] * xs[ij[1]] for ij in _PAIRS}
                    for k in range(2, F):
                        inner = None
                        for t, (i, j, kk) in enumerate(_TRIPLES):
                            if kk != k:
                                continue
                            term = wv[t] * pp[(i, j)]
                            inner = term if inner is None else inner + term
                        contrib = xs[k] * inner
                        acc = contrib if acc is None else acc + contrib
                tbuf[pl.ds(rr * L, L)] = acc
            total = None
            for c in range(L):
                col = plsc.load_gather(tbuf, [col_idx + c])
                total = col if total is None else total + col
            out_v[pl.ds(cidx * CC + g2 * L, L)] = total
            return 0

        lax.fori_loop(0, GPC, group_body, 0)

    slots = ((buf0, sem0), (buf1, sem1))
    NSLOT = len(slots)

    for s_ in range(NSLOT):
        start_chunk(base + s_ * CC, slots[s_][0], slots[s_][1])

    def pair_body(i, _):
        c0 = NSLOT * i
        for s_, (buf, sem) in enumerate(slots):
            cidx = c0 + s_
            wait_chunk(buf, sem)
            compute_chunk(buf, cidx)
            nxt = cidx + NSLOT

            @pl.when(nxt < NG)
            def _prefetch(buf=buf, sem=sem, nxt=nxt):
                start_chunk(base + nxt * CC, buf, sem)
        return 0

    lax.fori_loop(0, NG // NSLOT, pair_body, 0)

    pltpu.sync_copy(out_v, out_hbm.at[pl.ds(base, RPW)])


@jax.jit
def kernel(x, w):
    xt = jnp.transpose(x, (1, 0, 2))
    wb = jnp.broadcast_to(w[:, None], (len(_TRIPLES), L))
    out = _sc_triple_sum(xt, wb)
    return out.reshape(B, 1)

# --- scband reference (transcript-rebuilt; emitter-appended) ---
"""Pipeline reference for scband-level-3-matrix-30502857736459 (READ-ONLY COPY).

The authoritative reference and input builder live on the scoring server;
editing this copy changes nothing except your own understanding.
"""

import jax, jax.numpy as jnp
import numpy as np
from itertools import combinations


def _generate_pairs(n, order):
    res = [[] for _ in range(order)]
    for pair in combinations(range(n), order):
        for j in range(order):
            res[j].append(pair[j])
    return res


def setup_inputs(seed: int = 0) -> dict:
    key = jax.random.key(seed)
    k1, k2 = jax.random.split(key)
    B, F, D = 16384, 5, 128
    x = jax.random.normal(k1, (B, F, D), dtype=jnp.float32)
    # third_edge_weights: length = number of order-2 combinations of num_inputs=5 -> 10
    length = len(list(combinations(range(F), 2)))
    w = jax.random.uniform(k2, (length,), minval=0.6 - 0.001, maxval=0.6 + 0.001, dtype=jnp.float32)
    w = w / jnp.linalg.norm(w)  # F.normalize(p=2, dim=0)
    return {"x": x, "w": w}


def reference(x, w):
    F = x.shape[1]
    first, second, third = _generate_pairs(F, 3)
    fi = jnp.array(first, dtype=jnp.int32)
    si = jnp.array(second, dtype=jnp.int32)
    ti = jnp.array(third, dtype=jnp.int32)
    t = jnp.transpose(x, (1, 0, 2))  # [F, B, D]
    first_embed = jnp.transpose(t[fi], (1, 0, 2))   # [B, T, D]
    second_embed = jnp.transpose(t[si], (1, 0, 2))  # [B, T, D]
    third_embed = jnp.transpose(t[ti], (1, 0, 2))   # [B, T, D]
    level_3 = (first_embed * second_embed * third_embed).sum(-1)  # [B, T]
    level_3 = level_3 * w  # unpruned_mask == initial normalized weights (detached)
    fm_out2 = level_3.sum(-1, keepdims=True)  # [B, 1]
    return fm_out2

if __name__ == "__main__":
    import jax
    _d = setup_inputs()
    print(jax.jit(kernel)(*tuple(_d.values())))

</pallas_src>

<mosaic_0001>
#map = affine_map<(d0, d1) -> (0, 0, 0)>
#map1 = affine_map<(d0, d1) -> (0, 0)>
#map2 = affine_map<(d0, d1) -> (0)>
module attributes {stable_mosaic.version = 14 : i64} {
  func.func @_sc_triple_sum(%arg0: i32, %arg1: i32, %arg2: memref<5x16384x128xf32, #tpu.memory_space<hbm>>, %arg3: memref<10x16xf32, #tpu.memory_space<hbm>>, %arg4: memref<16384xf32, #tpu.memory_space<hbm>>, %arg5: memref<320x128xf32, #tpu.memory_space<vmem>>, %arg6: memref<320x128xf32, #tpu.memory_space<vmem>>, %arg7: memref<10x16xf32, #tpu.memory_space<vmem>>, %arg8: memref<256xf32, #tpu.memory_space<vmem>>, %arg9: memref<512xf32, #tpu.memory_space<vmem>>, %arg10: memref<!tpu.dma_semaphore, #tpu.memory_space<semaphore_mem>>, %arg11: memref<!tpu.dma_semaphore, #tpu.memory_space<semaphore_mem>>) attributes {dimension_semantics = [#tpu.dimension_semantics<core_parallel>, #tpu.dimension_semantics<subcore_parallel>], iteration_bounds = array<i64: 2, 16>, scalar_prefetch = 0 : i64, scratch_operands = 7 : i64, tpu.core_type = #tpu.core_type<sc_vector_subcore>, window_params = [{transform_indices = #map}, {transform_indices = #map1}, {transform_indices = #map2}]} {
    %mul3A = arith.constant 2 : i32
    %mul3A_0 = arith.muli %arg1, %mul3A : i32
    %add3A = arith.addi %mul3A_0, %arg0 : i32
    %mul3A_1 = arith.constant 512 : i32
    %mul3A_2 = arith.muli %add3A, %mul3A_1 : i32
    "tpu.region"() ({
      %run_scoped3A = tpu.sem_alloc : memref<!tpu.dma_semaphore, #tpu.memory_space<semaphore_mem>>
      tpu.enqueue_dma source(%arg3 : memref<10x16xf32, #tpu.memory_space<hbm>>) target(%arg7 : memref<10x16xf32, #tpu.memory_space<vmem>>) target_semaphore(%run_scoped3A : memref<!tpu.dma_semaphore, #tpu.memory_space<semaphore_mem>>)
      tpu.wait_dma2 semaphore(%run_scoped3A : memref<!tpu.dma_semaphore, #tpu.memory_space<semaphore_mem>>) src(%arg3 : memref<10x16xf32, #tpu.memory_space<hbm>>) dst(%arg7 : memref<10x16xf32, #tpu.memory_space<vmem>>)
      tpu.yield
    }) : () -> ()
    %get3A = arith.constant 0 : i32
    %get3A_3 = arith.index_cast %get3A : i32 to index
    %get3A_4 = arith.constant 0 : index
    %get3A_5 = tpu.vector_load %arg7[%get3A_3, %get3A_4] {strides = array<i32>} : memref<10x16xf32, #tpu.memory_space<vmem>>, vector<16xf32>,
    %get3A_6 = arith.constant 1 : i32
    %get3A_7 = arith.index_cast %get3A_6 : i32 to index
    %get3A_8 = arith.constant 0 : index
    %get3A_9 = tpu.vector_load %arg7[%get3A_7, %get3A_8] {strides = array<i32>} : memref<10x16xf32, #tpu.memory_space<vmem>>, vector<16xf32>,
    %get3A_10 = arith.constant 2 : i32
    %get3A_11 = arith.index_cast %get3A_10 : i32 to index
    %get3A_12 = arith.constant 0 : index
    %get3A_13 = tpu.vector_load %arg7[%get3A_11, %get3A_12] {strides = array<i32>} : memref<10x16xf32, #tpu.memory_space<vmem>>, vector<16xf32>,
    %get3A_14 = arith.constant 3 : i32
    %get3A_15 = arith.index_cast %get3A_14 : i32 to index
    %get3A_16 = arith.constant 0 : index
    %get3A_17 = tpu.vector_load %arg7[%get3A_15, %get3A_16] {strides = array<i32>} : memref<10x16xf32, #tpu.memory_space<vmem>>, vector<16xf32>,
    %get3A_18 = arith.constant 4 : i32
    %get3A_19 = arith.index_cast %get3A_18 : i32 to index
    %get3A_20 = arith.constant 0 : index
    %get3A_21 = tpu.vector_load %arg7[%get3A_19, %get3A_20] {strides = array<i32>} : memref<10x16xf32, #tpu.memory_space<vmem>>, vector<16xf32>,
    %get3A_22 = arith.constant 5 : i32
    %get3A_23 = arith.index_cast %get3A_22 : i32 to index
    %get3A_24 = arith.constant 0 : index
    %get3A_25 = tpu.vector_load %arg7[%get3A_23, %get3A_24] {strides = array<i32>} : memref<10x16xf32, #tpu.memory_space<vmem>>, vector<16xf32>,
    %get3A_26 = arith.constant 6 : i32
    %get3A_27 = arith.index_cast %get3A_26 : i32 to index
    %get3A_28 = arith.constant 0 : index
    %get3A_29 = tpu.vector_load %arg7[%get3A_27, %get3A_28] {strides = array<i32>} : memref<10x16xf32, #tpu.memory_space<vmem>>, vector<16xf32>,
    %get3A_30 = arith.constant 7 : i32
    %get3A_31 = arith.index_cast %get3A_30 : i32 to index
    %get3A_32 = arith.constant 0 : index
    %get3A_33 = tpu.vector_load %arg7[%get3A_31, %get3A_32] {strides = array<i32>} : memref<10x16xf32, #tpu.memory_space<vmem>>, vector<16xf32>,
    %get3A_34 = arith.constant 8 : i32
    %get3A_35 = arith.index_cast %get3A_34 : i32 to index
    %get3A_36 = arith.constant 0 : index
    %get3A_37 = tpu.vector_load %arg7[%get3A_35, %get3A_36] {strides = array<i32>} : memref<10x16xf32, #tpu.memory_space<vmem>>, vector<16xf32>,
    %get3A_38 = arith.constant 9 : i32
    %get3A_39 = arith.index_cast %get3A_38 : i32 to index
    %get3A_40 = arith.constant 0 : index
    %get3A_41 = tpu.vector_load %arg7[%get3A_39, %get3A_40] {strides = array<i32>} : memref<10x16xf32, #tpu.memory_space<vmem>>, vector<16xf32>,
    %iota3A = tpu.iota {dimensions = array<i32: 0>} : vector<16xi32>
    %mul3A_42 = arith.constant 16 : i32
    %mul3A_43 = vector.broadcast %mul3A_42 : i32 to vector<16xi32>
    %mul3A_44 = arith.muli %iota3A, %mul3A_43 : vector<16xi32>
    %add3A_45 = arith.constant 0 : i32
    %add3A_46 = arith.addi %mul3A_2, %add3A_45 : i32
    %dma_start3A = arith.constant 0 : i32
    %dma_start3A_47 = arith.constant 0 : i32
    %dma_start3A_48 = arith.constant 0 : i32
    %dma_start3A_49 = tpu.memref_slice %arg5[%dma_start3A_47, %dma_start3A_48] : memref<320x128xf32, #tpu.memory_space<vmem>> -> memref<64x128xf32, #tpu.memory_space<vmem>>
    %dma_start3A_50 = arith.constant 0 : i32
    %dma_start3A_51 = tpu.memref_slice %arg2[%dma_start3A, %add3A_46, %dma_start3A_50] : memref<5x16384x128xf32, #tpu.memory_space<hbm>> -> memref<1x64x128xf32, #tpu.memory_space<hbm>>
    %dma_start3A_52 = tpu.memref_squeeze %dma_start3A_51 : memref<1x64x128xf32, #tpu.memory_space<hbm>> -> memref<64x128xf32, #tpu.memory_space<hbm>>
    %dma_start3A_53 = arith.constant 0 : i32
    %dma_start3A_54 = arith.constant 0 : i32
    %dma_start3A_55 = tpu.memref_slice %arg5[%dma_start3A_53, %dma_start3A_54] : memref<320x128xf32, #tpu.memory_space<vmem>> -> memref<64x128xf32, #tpu.memory_space<vmem>>
    %dma_start3A_56 = arith.constant 0 : i32
    %dma_start3A_57 = tpu.memref_slice %arg2[%dma_start3A, %add3A_46, %dma_start3A_56] : memref<5x16384x128xf32, #tpu.memory_space<hbm>> -> memref<1x64x128xf32, #tpu.memory_space<hbm>>
    %dma_start3A_58 = tpu.memref_squeeze %dma_start3A_57 : memref<1x64x128xf32, #tpu.memory_space<hbm>> -> memref<64x128xf32, #tpu.memory_space<hbm>>
    tpu.enqueue_dma source(%dma_start3A_58 : memref<64x128xf32, #tpu.memory_space<hbm>>) target(%dma_start3A_55 : memref<64x128xf32, #tpu.memory_space<vmem>>) target_semaphore(%arg10 : memref<!tpu.dma_semaphore, #tpu.memory_space<semaphore_mem>>)
    %dma_start3A_59 = arith.constant 1 : i32
    %dma_start3A_60 = arith.constant 64 : i32
    %dma_start3A_61 = arith.constant 0 : i32
    %dma_start3A_62 = tpu.memref_slice %arg5[%dma_start3A_60, %dma_start3A_61] : memref<320x128xf32, #tpu.memory_space<vmem>> -> memref<64x128xf32, #tpu.memory_space<vmem>>
    %dma_start3A_63 = arith.constant 0 : i32
    %dma_start3A_64 = tpu.memref_slice %arg2[%dma_start3A_59, %add3A_46, %dma_start3A_63] : memref<5x16384x128xf32, #tpu.memory_space<hbm>> -> memref<1x64x128xf32, #tpu.memory_space<hbm>>
    %dma_start3A_65 = tpu.memref_squeeze %dma_start3A_64 : memref<1x64x128xf32, #tpu.memory_space<hbm>> -> memref<64x128xf32, #tpu.memory_space<hbm>>
    %dma_start3A_66 = arith.constant 64 : i32
    %dma_start3A_67 = arith.constant 0 : i32
    %dma_start3A_68 = tpu.memref_slice %arg5[%dma_start3A_66, %dma_start3A_67] : memref<320x128xf32, #tpu.memory_space<vmem>> -> memref<64x128xf32, #tpu.memory_space<vmem>>
    %dma_start3A_69 = arith.constant 0 : i32
    %dma_start3A_70 = tpu.memref_slice %arg2[%dma_start3A_59, %add3A_46, %dma_start3A_69] : memref<5x16384x128xf32, #tpu.memory_space<hbm>> -> memref<1x64x128xf32, #tpu.memory_space<hbm>>
    %dma_start3A_71 = tpu.memref_squeeze %dma_start3A_70 : memref<1x64x128xf32, #tpu.memory_space<hbm>> -> memref<64x128xf32, #tpu.memory_space<hbm>>
    tpu.enqueue_dma source(%dma_start3A_71 : memref<64x128xf32, #tpu.memory_space<hbm>>) target(%dma_start3A_68 : memref<64x128xf32, #tpu.memory_space<vmem>>) target_semaphore(%arg10 : memref<!tpu.dma_semaphore, #tpu.memory_space<semaphore_mem>>)
    %dma_start3A_72 = arith.constant 2 : i32
    %dma_start3A_73 = arith.constant 128 : i32
    %dma_start3A_74 = arith.constant 0 : i32
    %dma_start3A_75 = tpu.memref_slice %arg5[%dma_start3A_73, %dma_start3A_74] : memref<320x128xf32, #tpu.memory_space<vmem>> -> memref<64x128xf32, #tpu.memory_space<vmem>>
    %dma_start3A_76 = arith.constant 0 : i32
    %dma_start3A_77 = tpu.memref_slice %arg2[%dma_start3A_72, %add3A_46, %dma_start3A_76] : memref<5x16384x128xf32, #tpu.memory_space<hbm>> -> memref<1x64x128xf32, #tpu.memory_space<hbm>>
    %dma_start3A_78 = tpu.memref_squeeze %dma_start3A_77 : memref<1x64x128xf32, #tpu.memory_space<hbm>> -> memref<64x128xf32, #tpu.memory_space<hbm>>
    %dma_start3A_79 = arith.constant 128 : i32
    %dma_start3A_80 = arith.constant 0 : i32
    %dma_start3A_81 = tpu.memref_slice %arg5[%dma_start3A_79, %dma_start3A_80] : memref<320x128xf32, #tpu.memory_space<vmem>> -> memref<64x128xf32, #tpu.memory_space<vmem>>
    %dma_start3A_82 = arith.constant 0 : i32
    %dma_start3A_83 = tpu.memref_slice %arg2[%dma_start3A_72, %add3A_46, %dma_start3A_82] : memref<5x16384x128xf32, #tpu.memory_space<hbm>> -> memref<1x64x128xf32, #tpu.memory_space<hbm>>
    %dma_start3A_84 = tpu.memref_squeeze %dma_start3A_83 : memref<1x64x128xf32, #tpu.memory_space<hbm>> -> memref<64x128xf32, #tpu.memory_space<hbm>>
    tpu.enqueue_dma source(%dma_start3A_84 : memref<64x128xf32, #tpu.memory_space<hbm>>) target(%dma_start3A_81 : memref<64x128xf32, #tpu.memory_space<vmem>>) target_semaphore(%arg10 : memref<!tpu.dma_semaphore, #tpu.memory_space<semaphore_mem>>)
    %dma_start3A_85 = arith.constant 3 : i32
    %dma_start3A_86 = arith.constant 192 : i32
    %dma_start3A_87 = arith.constant 0 : i32
    %dma_start3A_88 = tpu.memref_slice %arg5[%dma_start3A_86, %dma_start3A_87] : memref<320x128xf32, #tpu.memory_space<vmem>> -> memref<64x128xf32, #tpu.memory_space<vmem>>
    %dma_start3A_89 = arith.constant 0 : i32
    %dma_start3A_90 = tpu.memref_slice %arg2[%dma_start3A_85, %add3A_46, %dma_start3A_89] : memref<5x16384x128xf32, #tpu.memory_space<hbm>> -> memref<1x64x128xf32, #tpu.memory_space<hbm>>
    %dma_start3A_91 = tpu.memref_squeeze %dma_start3A_90 : memref<1x64x128xf32, #tpu.memory_space<hbm>> -> memref<64x128xf32, #tpu.memory_space<hbm>>
    %dma_start3A_92 = arith.constant 192 : i32
    %dma_start3A_93 = arith.constant 0 : i32
    %dma_start3A_94 = tpu.memref_slice %arg5[%dma_start3A_92, %dma_start3A_93] : memref<320x128xf32, #tpu.memory_space<vmem>> -> memref<64x128xf32, #tpu.memory_space<vmem>>
    %dma_start3A_95 = arith.constant 0 : i32
    %dma_start3A_96 = tpu.memref_slice %arg2[%dma_start3A_85, %add3A_46, %dma_start3A_95] : memref<5x16384x128xf32, #tpu.memory_space<hbm>> -> memref<1x64x128xf32, #tpu.memory_space<hbm>>
    %dma_start3A_97 = tpu.memref_squeeze %dma_start3A_96 : memref<1x64x128xf32, #tpu.memory_space<hbm>> -> memref<64x128xf32, #tpu.memory_space<hbm>>
    tpu.enqueue_dma source(%dma_start3A_97 : memref<64x128xf32, #tpu.memory_space<hbm>>) target(%dma_start3A_94 : memref<64x128xf32, #tpu.memory_space<vmem>>) target_semaphore(%arg10 : memref<!tpu.dma_semaphore, #tpu.memory_space<semaphore_mem>>)
    %dma_start3A_98 = arith.constant 4 : i32
    %dma_start3A_99 = arith.constant 256 : i32
    %dma_start3A_100 = arith.constant 0 : i32
    %dma_start3A_101 = tpu.memref_slice %arg5[%dma_start3A_99, %dma_start3A_100] : memref<320x128xf32, #tpu.memory_space<vmem>> -> memref<64x128xf32, #tpu.memory_space<vmem>>
    %dma_start3A_102 = arith.constant 0 : i32
    %dma_start3A_103 = tpu.memref_slice %arg2[%dma_start3A_98, %add3A_46, %dma_start3A_102] : memref<5x16384x128xf32, #tpu.memory_space<hbm>> -> memref<1x64x128xf32, #tpu.memory_space<hbm>>
    %dma_start3A_104 = tpu.memref_squeeze %dma_start3A_103 : memref<1x64x128xf32, #tpu.memory_space<hbm>> -> memref<64x128xf32, #tpu.memory_space<hbm>>
    %dma_start3A_105 = arith.constant 256 : i32
    %dma_start3A_106 = arith.constant 0 : i32
    %dma_start3A_107 = tpu.memref_slice %arg5[%dma_start3A_105, %dma_start3A_106] : memref<320x128xf32, #tpu.memory_space<vmem>> -> memref<64x128xf32, #tpu.memory_space<vmem>>
    %dma_start3A_108 = arith.constant 0 : i32
    %dma_start3A_109 = tpu.memref_slice %arg2[%dma_start3A_98, %add3A_46, %dma_start3A_108] : memref<5x16384x128xf32, #tpu.memory_space<hbm>> -> memref<1x64x128xf32, #tpu.memory_space<hbm>>
    %dma_start3A_110 = tpu.memref_squeeze %dma_start3A_109 : memref<1x64x128xf32, #tpu.memory_space<hbm>> -> memref<64x128xf32, #tpu.memory_space<hbm>>
    tpu.enqueue_dma source(%dma_start3A_110 : memref<64x128xf32, #tpu.memory_space<hbm>>) target(%dma_start3A_107 : memref<64x128xf32, #tpu.memory_space<vmem>>) target_semaphore(%arg10 : memref<!tpu.dma_semaphore, #tpu.memory_space<semaphore_mem>>)
    %add3A_111 = arith.constant 64 : i32
    %add3A_112 = arith.addi %mul3A_2, %add3A_111 : i32
    %dma_start3A_113 = arith.constant 0 : i32
    %dma_start3A_114 = arith.constant 0 : i32
    %dma_start3A_115 = arith.constant 0 : i32
    %dma_start3A_116 = tpu.memref_slice %arg6[%dma_start3A_114, %dma_start3A_115] : memref<320x128xf32, #tpu.memory_space<vmem>> -> memref<64x128xf32, #tpu.memory_space<vmem>>
    %dma_start3A_117 = arith.constant 0 : i32
    %dma_start3A_118 = tpu.memref_slice %arg2[%dma_start3A_113, %add3A_112, %dma_start3A_117] : memref<5x16384x128xf32, #tpu.memory_space<hbm>> -> memref<1x64x128xf32, #tpu.memory_space<hbm>>
    %dma_start3A_119 = tpu.memref_squeeze %dma_start3A_118 : memref<1x64x128xf32, #tpu.memory_space<hbm>> -> memref<64x128xf32, #tpu.memory_space<hbm>>
    %dma_start3A_120 = arith.constant 0 : i32
    %dma_start3A_121 = arith.constant 0 : i32
    %dma_start3A_122 = tpu.memref_slice %arg6[%dma_start3A_120, %dma_start3A_121] : memref<320x128xf32, #tpu.memory_space<vmem>> -> memref<64x128xf32, #tpu.memory_space<vmem>>
    %dma_start3A_123 = arith.constant 0 : i32
    %dma_start3A_124 = tpu.memref_slice %arg2[%dma_start3A_113, %add3A_112, %dma_start3A_123] : memref<5x16384x128xf32, #tpu.memory_space<hbm>> -> memref<1x64x128xf32, #tpu.memory_space<hbm>>
    %dma_start3A_125 = tpu.memref_squeeze %dma_start3A_124 : memref<1x64x128xf32, #tpu.memory_space<hbm>> -> memref<64x128xf32, #tpu.memory_space<hbm>>
    tpu.enqueue_dma source(%dma_start3A_125 : memref<64x128xf32, #tpu.memory_space<hbm>>) target(%dma_start3A_122 : memref<64x128xf32, #tpu.memory_space<vmem>>) target_semaphore(%arg11 : memref<!tpu.dma_semaphore, #tpu.memory_space<semaphore_mem>>)
    %dma_start3A_126 = arith.constant 1 : i32
    %dma_start3A_127 = arith.constant 64 : i32
    %dma_start3A_128 = arith.constant 0 : i32
    %dma_start3A_129 = tpu.memref_slice %arg6[%dma_start3A_127, %dma_start3A_128] : memref<320x128xf32, #tpu.memory_space<vmem>> -> memref<64x128xf32, #tpu.memory_space<vmem>>
    %dma_start3A_130 = arith.constant 0 : i32
    %dma_start3A_131 = tpu.memref_slice %arg2[%dma_start3A_126, %add3A_112, %dma_start3A_130] : memref<5x16384x128xf32, #tpu.memory_space<hbm>> -> memref<1x64x128xf32, #tpu.memory_space<hbm>>
    %dma_start3A_132 = tpu.memref_squeeze %dma_start3A_131 : memref<1x64x128xf32, #tpu.memory_space<hbm>> -> memref<64x128xf32, #tpu.memory_space<hbm>>
    %dma_start3A_133 = arith.constant 64 : i32
    %dma_start3A_134 = arith.constant 0 : i32
    %dma_start3A_135 = tpu.memref_slice %arg6[%dma_start3A_133, %dma_start3A_134] : memref<320x128xf32, #tpu.memory_space<vmem>> -> memref<64x128xf32, #tpu.memory_space<vmem>>
    %dma_start3A_136 = arith.constant 0 : i32
    %dma_start3A_137 = tpu.memref_slice %arg2[%dma_start3A_126, %add3A_112, %dma_start3A_136] : memref<5x16384x128xf32, #tpu.memory_space<hbm>> -> memref<1x64x128xf32, #tpu.memory_space<hbm>>
    %dma_start3A_138 = tpu.memref_squeeze %dma_start3A_137 : memref<1x64x128xf32, #tpu.memory_space<hbm>> -> memref<64x128xf32, #tpu.memory_space<hbm>>
    tpu.enqueue_dma source(%dma_start3A_138 : memref<64x128xf32, #tpu.memory_space<hbm>>) target(%dma_start3A_135 : memref<64x128xf32, #tpu.memory_space<vmem>>) target_semaphore(%arg11 : memref<!tpu.dma_semaphore, #tpu.memory_space<semaphore_mem>>)
    %dma_start3A_139 = arith.constant 2 : i32
    %dma_start3A_140 = arith.constant 128 : i32
    %dma_start3A_141 = arith.constant 0 : i32
    %dma_start3A_142 = tpu.memref_slice %arg6[%dma_start3A_140, %dma_start3A_141] : memref<320x128xf32, #tpu.memory_space<vmem>> -> memref<64x128xf32, #tpu.memory_space<vmem>>
    %dma_start3A_143 = arith.constant 0 : i32
    %dma_start3A_144 = tpu.memref_slice %arg2[%dma_start3A_139, %add3A_112, %dma_start3A_143] : memref<5x16384x128xf32, #tpu.memory_space<hbm>> -> memref<1x64x128xf32, #tpu.memory_space<hbm>>
    %dma_start3A_145 = tpu.memref_squeeze %dma_start3A_144 : memref<1x64x128xf32, #tpu.memory_space<hbm>> -> memref<64x128xf32, #tpu.memory_space<hbm>>
    %dma_start3A_146 = arith.constant 128 : i32
    %dma_start3A_147 = arith.constant 0 : i32
    %dma_start3A_148 = tpu.memref_slice %arg6[%dma_start3A_146, %dma_start3A_147] : memref<320x128xf32, #tpu.memory_space<vmem>> -> memref<64x128xf32, #tpu.memory_space<vmem>>
    %dma_start3A_149 = arith.constant 0 : i32
    %dma_start3A_150 = tpu.memref_slice %arg2[%dma_start3A_139, %add3A_112, %dma_start3A_149] : memref<5x16384x128xf32, #tpu.memory_space<hbm>> -> memref<1x64x128xf32, #tpu.memory_space<hbm>>
    %dma_start3A_151 = tpu.memref_squeeze %dma_start3A_150 : memref<1x64x128xf32, #tpu.memory_space<hbm>> -> memref<64x128xf32, #tpu.memory_space<hbm>>
    tpu.enqueue_dma source(%dma_start3A_151 : memref<64x128xf32, #tpu.memory_space<hbm>>) target(%dma_start3A_148 : memref<64x128xf32, #tpu.memory_space<vmem>>) target_semaphore(%arg11 : memref<!tpu.dma_semaphore, #tpu.memory_space<semaphore_mem>>)
    %dma_start3A_152 = arith.constant 3 : i32
    %dma_start3A_153 = arith.constant 192 : i32
    %dma_start3A_154 = arith.constant 0 : i32
    %dma_start3A_155 = tpu.memref_slice %arg6[%dma_start3A_153, %dma_start3A_154] : memref<320x128xf32, #tpu.memory_space<vmem>> -> memref<64x128xf32, #tpu.memory_space<vmem>>
    %dma_start3A_156 = arith.constant 0 : i32
    %dma_start3A_157 = tpu.memref_slice %arg2[%dma_start3A_152, %add3A_112, %dma_start3A_156] : memref<5x16384x128xf32, #tpu.memory_space<hbm>> -> memref<1x64x128xf32, #tpu.memory_space<hbm>>
    %dma_start3A_158 = tpu.memref_squeeze %dma_start3A_157 : memref<1x64x128xf32, #tpu.memory_space<hbm>> -> memref<64x128xf32, #tpu.memory_space<hbm>>
    %dma_start3A_159 = arith.constant 192 : i32
    %dma_start3A_160 = arith.constant 0 : i32
    %dma_start3A_161 = tpu.memref_slice %arg6[%dma_start3A_159, %dma_start3A_160] : memref<320x128xf32, #tpu.memory_space<vmem>> -> memref<64x128xf32, #tpu.memory_space<vmem>>
    %dma_start3A_162 = arith.constant 0 : i32
    %dma_start3A_163 = tpu.memref_slice %arg2[%dma_start3A_152, %add3A_112, %dma_start3A_162] : memref<5x16384x128xf32, #tpu.memory_space<hbm>> -> memref<1x64x128xf32, #tpu.memory_space<hbm>>
    %dma_start3A_164 = tpu.memref_squeeze %dma_start3A_163 : memref<1x64x128xf32, #tpu.memory_space<hbm>> -> memref<64x128xf32, #tpu.memory_space<hbm>>
    tpu.enqueue_dma source(%dma_start3A_164 : memref<64x128xf32, #tpu.memory_space<hbm>>) target(%dma_start3A_161 : memref<64x128xf32, #tpu.memory_space<vmem>>) target_semaphore(%arg11 : memref<!tpu.dma_semaphore, #tpu.memory_space<semaphore_mem>>)
    %dma_start3A_165 = arith.constant 4 : i32
    %dma_start3A_166 = arith.constant 256 : i32
    %dma_start3A_167 = arith.constant 0 : i32
    %dma_start3A_168 = tpu.memref_slice %arg6[%dma_start3A_166, %dma_start3A_167] : memref<320x128xf32, #tpu.memory_space<vmem>> -> memref<64x128xf32, #tpu.memory_space<vmem>>
    %dma_start3A_169 = arith.constant 0 : i32
    %dma_start3A_170 = tpu.memref_slice %arg2[%dma_start3A_165, %add3A_112, %dma_start3A_169] : memref<5x16384x128xf32, #tpu.memory_space<hbm>> -> memref<1x64x128xf32, #tpu.memory_space<hbm>>
    %dma_start3A_171 = tpu.memref_squeeze %dma_start3A_170 : memref<1x64x128xf32, #tpu.memory_space<hbm>> -> memref<64x128xf32, #tpu.memory_space<hbm>>
    %dma_start3A_172 = arith.constant 256 : i32
    %dma_start3A_173 = arith.constant 0 : i32
    %dma_start3A_174 = tpu.memref_slice %arg6[%dma_start3A_172, %dma_start3A_173] : memref<320x128xf32, #tpu.memory_space<vmem>> -> memref<64x128xf32, #tpu.memory_space<vmem>>
    %dma_start3A_175 = arith.constant 0 : i32
    %dma_start3A_176 = tpu.memref_slice %arg2[%dma_start3A_165, %add3A_112, %dma_start3A_175] : memref<5x16384x128xf32, #tpu.memory_space<hbm>> -> memref<1x64x128xf32, #tpu.memory_space<hbm>>
    %dma_start3A_177 = tpu.memref_squeeze %dma_start3A_176 : memref<1x64x128xf32, #tpu.memory_space<hbm>> -> memref<64x128xf32, #tpu.memory_space<hbm>>
    tpu.enqueue_dma source(%dma_start3A_177 : memref<64x128xf32, #tpu.memory_space<hbm>>) target(%dma_start3A_174 : memref<64x128xf32, #tpu.memory_space<vmem>>) target_semaphore(%arg11 : memref<!tpu.dma_semaphore, #tpu.memory_space<semaphore_mem>>)
    %scan3A = arith.constant 0 : i32
    %scan3A_178 = arith.constant 0 : i32
    %scan3A_179 = arith.constant 4 : i32
    %scan3A_180 = arith.addi %scan3A_178, %scan3A_179 : i32
    %scan3A_181 = arith.constant 1 : i32
    %scan3A_182 = scf.for %scan3A_184 = %scan3A_178 to %scan3A_180 step %scan3A_181 iter_args(%scan3A_185 = %scan3A) -> (i32)  : i32 {
      %mul3A_186 = arith.constant 2 : i32
      %mul3A_187 = arith.muli %mul3A_186, %scan3A_184 : i32
      %add3A_188 = arith.constant 0 : i32
      %add3A_189 = arith.addi %mul3A_187, %add3A_188 : i32
      %dma_wait3A = arith.constant 0 : i32
      %dma_wait3A_190 = arith.constant 0 : i32
      %dma_wait3A_191 = arith.constant 0 : i32
      %dma_wait3A_192 = tpu.memref_slice %arg5[%dma_wait3A_190, %dma_wait3A_191] : memref<320x128xf32, #tpu.memory_space<vmem>> -> memref<64x128xf32, #tpu.memory_space<vmem>>
      %dma_wait3A_193 = arith.constant 0 : i32
      %dma_wait3A_194 = arith.constant 0 : i32
      %dma_wait3A_195 = tpu.memref_slice %arg2[%dma_wait3A, %dma_wait3A_193, %dma_wait3A_194] : memref<5x16384x128xf32, #tpu.memory_space<hbm>> -> memref<1x64x128xf32, #tpu.memory_space<hbm>>
      %dma_wait3A_196 = tpu.memref_squeeze %dma_wait3A_195 : memref<1x64x128xf32, #tpu.memory_space<hbm>> -> memref<64x128xf32, #tpu.memory_space<hbm>>
      %dma_wait3A_197 = arith.constant 0 : i32
      %dma_wait3A_198 = arith.constant 0 : i32
      %dma_wait3A_199 = tpu.memref_slice %arg5[%dma_wait3A_197, %dma_wait3A_198] : memref<320x128xf32, #tpu.memory_space<vmem>> -> memref<64x128xf32, #tpu.memory_space<vmem>>
      %dma_wait3A_200 = arith.constant 0 : i32
      %dma_wait3A_201 = arith.constant 0 : i32
      %dma_wait3A_202 = tpu.memref_slice %arg2[%dma_wait3A, %dma_wait3A_200, %dma_wait3A_201] : memref<5x16384x128xf32, #tpu.memory_space<hbm>> -> memref<1x64x128xf32, #tpu.memory_space<hbm>>
      %dma_wait3A_203 = tpu.memref_squeeze %dma_wait3A_202 : memref<1x64x128xf32, #tpu.memory_space<hbm>> -> memref<64x128xf32, #tpu.memory_space<hbm>>
      tpu.wait_dma2 semaphore(%arg10 : memref<!tpu.dma_semaphore, #tpu.memory_space<semaphore_mem>>) src(%dma_wait3A_203 : memref<64x128xf32, #tpu.memory_space<hbm>>) dst(%dma_wait3A_199 : memref<64x128xf32, #tpu.memory_space<vmem>>)
      %dma_wait3A_204 = arith.constant 0 : i32
      %dma_wait3A_205 = arith.constant 64 : i32
      %dma_wait3A_206 = arith.constant 0 : i32
      %dma_wait3A_207 = tpu.memref_slice %arg5[%dma_wait3A_205, %dma_wait3A_206] : memref<320x128xf32, #tpu.memory_space<vmem>> -> memref<64x128xf32, #tpu.memory_space<vmem>>
      %dma_wait3A_208 = arith.constant 0 : i32
      %dma_wait3A_209 = arith.constant 0 : i32
      %dma_wait3A_210 = tpu.memref_slice %arg2[%dma_wait3A_204, %dma_wait3A_208, %dma_wait3A_209] : memref<5x16384x128xf32, #tpu.memory_space<hbm>> -> memref<1x64x128xf32, #tpu.memory_space<hbm>>
      %dma_wait3A_211 = tpu.memref_squeeze %dma_wait3A_210 : memref<1x64x128xf32, #tpu.memory_space<hbm>> -> memref<64x128xf32, #tpu.memory_space<hbm>>
      %dma_wait3A_212 = arith.constant 64 : i32
      %dma_wait3A_213 = arith.constant 0 : i32
      %dma_wait3A_214 = tpu.memref_slice %arg5[%dma_wait3A_212, %dma_wait3A_213] : memref<320x128xf32, #tpu.memory_space<vmem>> -> memref<64x128xf32, #tpu.memory_space<vmem>>
      %dma_wait3A_215 = arith.constant 0 : i32
      %dma_wait3A_216 = arith.constant 0 : i32
      %dma_wait3A_217 = tpu.memref_slice %arg2[%dma_wait3A_204, %dma_wait3A_215, %dma_wait3A_216] : memref<5x16384x128xf32, #tpu.memory_space<hbm>> -> memref<1x64x128xf32, #tpu.memory_space<hbm>>
      %dma_wait3A_218 = tpu.memref_squeeze %dma_wait3A_217 : memref<1x64x128xf32, #tpu.memory_space<hbm>> -> memref<64x128xf32, #tpu.memory_space<hbm>>
      tpu.wait_dma2 semaphore(%arg10 : memref<!tpu.dma_semaphore, #tpu.memory_space<semaphore_mem>>) src(%dma_wait3A_218 : memref<64x128xf32, #tpu.memory_space<hbm>>) dst(%dma_wait3A_214 : memref<64x128xf32, #tpu.memory_space<vmem>>)
      %dma_wait3A_219 = arith.constant 0 : i32
      %dma_wait3A_220 = arith.constant 128 : i32
      %dma_wait3A_221 = arith.constant 0 : i32
      %dma_wait3A_222 = tpu.memref_slice %arg5[%dma_wait3A_220, %dma_wait3A_221] : memref<320x128xf32, #tpu.memory_space<vmem>> -> memref<64x128xf32, #tpu.memory_space<vmem>>
      %dma_wait3A_223 = arith.constant 0 : i32
      %dma_wait3A_224 = arith.constant 0 : i32
      %dma_wait3A_225 = tpu.memref_slice %arg2[%dma_wait3A_219, %dma_wait3A_223, %dma_wait3A_224] : memref<5x16384x128xf32, #tpu.memory_space<hbm>> -> memref<1x64x128xf32, #tpu.memory_space<hbm>>
      %dma_wait3A_226 = tpu.memref_squeeze %dma_wait3A_225 : memref<1x64x128xf32, #tpu.memory_space<hbm>> -> memref<64x128xf32, #tpu.memory_space<hbm>>
      %dma_wait3A_227 = arith.constant 128 : i32
      %dma_wait3A_228 = arith.constant 0 : i32
      %dma_wait3A_229 = tpu.memref_slice %arg5[%dma_wait3A_227, %dma_wait3A_228] : memref<320x128xf32, #tpu.memory_space<vmem>> -> memref<64x128xf32, #tpu.memory_space<vmem>>
      %dma_wait3A_230 = arith.constant 0 : i32
      %dma_wait3A_231 = arith.constant 0 : i32
      %dma_wait3A_232 = tpu.memref_slice %arg2[%dma_wait3A_219, %dma_wait3A_230, %dma_wait3A_231] : memref<5x16384x128xf32, #tpu.memory_space<hbm>> -> memref<1x64x128xf32, #tpu.memory_space<hbm>>
      %dma_wait3A_233 = tpu.memref_squeeze %dma_wait3A_232 : memref<1x64x128xf32, #tpu.memory_space<hbm>> -> memref<64x128xf32, #tpu.memory_space<hbm>>
      tpu.wait_dma2 semaphore(%arg10 : memref<!tpu.dma_semaphore, #tpu.memory_space<semaphore_mem>>) src(%dma_wait3A_233 : memref<64x128xf32, #tpu.memory_space<hbm>>) dst(%dma_wait3A_229 : memref<64x128xf32, #tpu.memory_space<vmem>>)
      %dma_wait3A_234 = arith.constant 0 : i32
      %dma_wait3A_235 = arith.constant 192 : i32
      %dma_wait3A_236 = arith.constant 0 : i32
      %dma_wait3A_237 = tpu.memref_slice %arg5[%dma_wait3A_235, %dma_wait3A_236] : memref<320x128xf32, #tpu.memory_space<vmem>> -> memref<64x128xf32, #tpu.memory_space<vmem>>
      %dma_wait3A_238 = arith.constant 0 : i32
      %dma_wait3A_239 = arith.constant 0 : i32
      %dma_wait3A_240 = tpu.memref_slice %arg2[%dma_wait3A_234, %dma_wait3A_238, %dma_wait3A_239] : memref<5x16384x128xf32, #tpu.memory_space<hbm>> -> memref<1x64x128xf32, #tpu.memory_space<hbm>>
      %dma_wait3A_241 = tpu.memref_squeeze %dma_wait3A_240 : memref<1x64x128xf32, #tpu.memory_space<hbm>> -> memref<64x128xf32, #tpu.memory_space<hbm>>
      %dma_wait3A_242 = arith.constant 192 : i32
      %dma_wait3A_243 = arith.constant 0 : i32
      %dma_wait3A_244 = tpu.memref_slice %arg5[%dma_wait3A_242, %dma_wait3A_243] : memref<320x128xf32, #tpu.memory_space<vmem>> -> memref<64x128xf32, #tpu.memory_space<vmem>>
      %dma_wait3A_245 = arith.constant 0 : i32
      %dma_wait3A_246 = arith.constant 0 : i32
      %dma_wait3A_247 = tpu.memref_slice %arg2[%dma_wait3A_234, %dma_wait3A_245, %dma_wait3A_246] : memref<5x16384x128xf32, #tpu.memory_space<hbm>> -> memref<1x64x128xf32, #tpu.memory_space<hbm>>
      %dma_wait3A_248 = tpu.memref_squeeze %dma_wait3A_247 : memref<1x64x128xf32, #tpu.memory_space<hbm>> -> memref<64x128xf32, #tpu.memory_space<hbm>>
      tpu.wait_dma2 semaphore(%arg10 : memref<!tpu.dma_semaphore, #tpu.memory_space<semaphore_mem>>) src(%dma_wait3A_248 : memref<64x128xf32, #tpu.memory_space<hbm>>) dst(%dma_wait3A_244 : memref<64x128xf32, #tpu.memory_space<vmem>>)
      %dma_wait3A_249 = arith.constant 0 : i32
      %dma_wait3A_250 = arith.constant 256 : i32
      %dma_wait3A_251 = arith.constant 0 : i32
      %dma_wait3A_252 = tpu.memref_slice %arg5[%dma_wait3A_250, %dma_wait3A_251] : memref<320x128xf32, #tpu.memory_space<vmem>> -> memref<64x128xf32, #tpu.memory_space<vmem>>
      %dma_wait3A_253 = arith.constant 0 : i32
      %dma_wait3A_254 = arith.constant 0 : i32
      %dma_wait3A_255 = tpu.memref_slice %arg2[%dma_wait3A_249, %dma_wait3A_253, %dma_wait3A_254] : memref<5x16384x128xf32, #tpu.memory_space<hbm>> -> memref<1x64x128xf32, #tpu.memory_space<hbm>>
      %dma_wait3A_256 = tpu.memref_squeeze %dma_wait3A_255 : memref<1x64x128xf32, #tpu.memory_space<hbm>> -> memref<64x128xf32, #tpu.memory_space<hbm>>
      %dma_wait3A_257 = arith.constant 256 : i32
      %dma_wait3A_258 = arith.constant 0 : i32
      %dma_wait3A_259 = tpu.memref_slice %arg5[%dma_wait3A_257, %dma_wait3A_258] : memref<320x128xf32, #tpu.memory_space<vmem>> -> memref<64x128xf32, #tpu.memory_space<vmem>>
      %dma_wait3A_260 = arith.constant 0 : i32
      %dma_wait3A_261 = arith.constant 0 : i32
      %dma_wait3A_262 = tpu.memref_slice %arg2[%dma_wait3A_249, %dma_wait3A_260, %dma_wait3A_261] : memref<5x16384x128xf32, #tpu.memory_space<hbm>> -> memref<1x64x128xf32, #tpu.memory_space<hbm>>
      %dma_wait3A_263 = tpu.memref_squeeze %dma_wait3A_262 : memref<1x64x128xf32, #tpu.memory_space<hbm>> -> memref<64x128xf32, #tpu.memory_space<hbm>>
      tpu.wait_dma2 semaphore(%arg10 : memref<!tpu.dma_semaphore, #tpu.memory_space<semaphore_mem>>) src(%dma_wait3A_263 : memref<64x128xf32, #tpu.memory_space<hbm>>) dst(%dma_wait3A_259 : memref<64x128xf32, #tpu.memory_space<vmem>>)
      %scan3A_264 = arith.constant 0 : i32
      %scan3A_265 = arith.constant 0 : i32
      %scan3A_266 = arith.constant 4 : i32
      %scan3A_267 = arith.addi %scan3A_265, %scan3A_266 : i32
      %scan3A_268 = arith.constant 1 : i32
      %scan3A_269 = scf.for %scan3A_367 = %scan3A_265 to %scan3A_267 step %scan3A_268 iter_args(%scan3A_368 = %scan3A_264) -> (i32)  : i32 {
        %parallel_loop3A = arith.constant 0 : i32
        %parallel_loop3A_369 = arith.constant 16 : i32
        %parallel_loop3A_370 = arith.constant 1 : i32
        scf.for %parallel_loop3A_456 = %parallel_loop3A to %parallel_loop3A_369 step %parallel_loop3A_370  : i32 {
          %parallel_loop3A_457 = arith.constant 16 : i32
          %parallel_loop3A_458 = arith.muli %scan3A_367, %parallel_loop3A_457 : i32
          %parallel_loop3A_459 = arith.addi %parallel_loop3A_458, %parallel_loop3A_456 : i32
          %parallel_loop3A_460 = arith.constant 0 : i32
          %parallel_loop3A_461 = arith.addi %parallel_loop3A_460, %parallel_loop3A_459 : i32
          %parallel_loop3A_462 = arith.index_cast %parallel_loop3A_461 : i32 to index
          %parallel_loop3A_463 = arith.constant 0 : index
          %parallel_loop3A_464 = tpu.vector_load %arg5[%parallel_loop3A_462, %parallel_loop3A_463] {strides = array<i32>} : memref<320x128xf32, #tpu.memory_space<vmem>>, vector<16xf32>,
          %parallel_loop3A_465 = arith.constant 64 : i32
          %parallel_loop3A_466 = arith.addi %parallel_loop3A_465, %parallel_loop3A_459 : i32
          %parallel_loop3A_467 = arith.index_cast %parallel_loop3A_466 : i32 to index
          %parallel_loop3A_468 = arith.constant 0 : index
          %parallel_loop3A_469 = tpu.vector_load %arg5[%parallel_loop3A_467, %parallel_loop3A_468] {strides = array<i32>} : memref<320x128xf32, #tpu.memory_space<vmem>>, vector<16xf32>,
          %parallel_loop3A_470 = arith.constant 128 : i32
          %parallel_loop3A_471 = arith.addi %parallel_loop3A_470, %parallel_loop3A_459 : i32
          %parallel_loop3A_472 = arith.index_cast %parallel_loop3A_471 : i32 to index
          %parallel_loop3A_473 = arith.constant 0 : index
          %parallel_loop3A_474 = tpu.vector_load %arg5[%parallel_loop3A_472, %parallel_loop3A_473] {strides = array<i32>} : memref<320x128xf32, #tpu.memory_space<vmem>>, vector<16xf32>,
          %parallel_loop3A_475 = arith.constant 192 : i32
          %parallel_loop3A_476 = arith.addi %parallel_loop3A_475, %parallel_loop3A_459 : i32
          %parallel_loop3A_477 = arith.index_cast %parallel_loop3A_476 : i32 to index
          %parallel_loop3A_478 = arith.constant 0 : index
          %parallel_loop3A_479 = tpu.vector_load %arg5[%parallel_loop3A_477, %parallel_loop3A_478] {strides = array<i32>} : memref<320x128xf32, #tpu.memory_space<vmem>>, vector<16xf32>,
          %parallel_loop3A_480 = arith.constant 256 : i32
          %parallel_loop3A_481 = arith.addi %parallel_loop3A_480, %parallel_loop3A_459 : i32
          %parallel_loop3A_482 = arith.index_cast %parallel_loop3A_481 : i32 to index
          %parallel_loop3A_483 = arith.constant 0 : index
          %parallel_loop3A_484 = tpu.vector_load %arg5[%parallel_loop3A_482, %parallel_loop3A_483] {strides = array<i32>} : memref<320x128xf32, #tpu.memory_space<vmem>>, vector<16xf32>,
          %parallel_loop3A_485 = arith.mulf %parallel_loop3A_464, %parallel_loop3A_469 : vector<16xf32>
          %parallel_loop3A_486 = arith.mulf %parallel_loop3A_464, %parallel_loop3A_474 : vector<16xf32>
          %parallel_loop3A_487 = arith.mulf %parallel_loop3A_464, %parallel_loop3A_479 : vector<16xf32>
          %parallel_loop3A_488 = arith.mulf %parallel_loop3A_469, %parallel_loop3A_474 : vector<16xf32>
          %parallel_loop3A_489 = arith.mulf %parallel_loop3A_469, %parallel_loop3A_479 : vector<16xf32>
          %parallel_loop3A_490 = arith.mulf %parallel_loop3A_474, %parallel_loop3A_479 : vector<16xf32>
          %parallel_loop3A_491 = arith.mulf %get3A_5, %parallel_loop3A_485 : vector<16xf32>
          %parallel_loop3A_492 = arith.mulf %parallel_loop3A_474, %parallel_loop3A_491 : vector<16xf32>
          %parallel_loop3A_493 = arith.mulf %get3A_9, %parallel_loop3A_485 : vector<16xf32>
          %parallel_loop3A_494 = arith.mulf %get3A_17, %parallel_loop3A_486 : vector<16xf32>
          %parallel_loop3A_495 = arith.addf %parallel_loop3A_493, %parallel_loop3A_494 : vector<16xf32>
          %parallel_loop3A_496 = arith.mulf %get3A_29, %parallel_loop3A_488 : vector<16xf32>
          %parallel_loop3A_497 = arith.addf %parallel_loop3A_495, %parallel_loop3A_496 : vector<16xf32>
          %parallel_loop3A_498 = arith.mulf %parallel_loop3A_479, %parallel_loop3A_497 : vector<16xf32>
          %parallel_loop3A_499 = arith.addf %parallel_loop3A_492, %parallel_loop3A_498 : vector<16xf32>
          %parallel_loop3A_500 = arith.mulf %get3A_13, %parallel_loop3A_485 : vector<16xf32>
          %parallel_loop3A_501 = arith.mulf %get3A_21, %parallel_loop3A_486 : vector<16xf32>
          %parallel_loop3A_502 = arith.addf %parallel_loop3A_500, %parallel_loop3A_501 : vector<16xf32>
          %parallel_loop3A_503 = arith.mulf %get3A_25, %parallel_loop3A_487 : vector<16xf32>
          %parallel_loop3A_504 = arith.addf %parallel_loop3A_502, %parallel_loop3A_503 : vector<16xf32>
          %parallel_loop3A_505 = arith.mulf %get3A_33, %parallel_loop3A_488 : vector<16xf32>
          %parallel_loop3A_506 = arith.addf %parallel_loop3A_504, %parallel_loop3A_505 : vector<16xf32>
          %parallel_loop3A_507 = arith.mulf %get3A_37, %parallel_loop3A_489 : vector<16xf32>
          %parallel_loop3A_508 = arith.addf %parallel_loop3A_506, %parallel_loop3A_507 : vector<16xf32>
          %parallel_loop3A_509 = arith.mulf %get3A_41, %parallel_loop3A_490 : vector<16xf32>
          %parallel_loop3A_510 = arith.addf %parallel_loop3A_508, %parallel_loop3A_509 : vector<16xf32>
          %parallel_loop3A_511 = arith.mulf %parallel_loop3A_484, %parallel_loop3A_510 : vector<16xf32>
          %parallel_loop3A_512 = arith.addf %parallel_loop3A_499, %parallel_loop3A_511 : vector<16xf32>
          %parallel_loop3A_513 = arith.constant 0 : i32
          %parallel_loop3A_514 = arith.addi %parallel_loop3A_513, %parallel_loop3A_459 : i32
          %parallel_loop3A_515 = arith.index_cast %parallel_loop3A_514 : i32 to index
          %parallel_loop3A_516 = arith.constant 16 : index
          %parallel_loop3A_517 = tpu.vector_load %arg5[%parallel_loop3A_515, %parallel_loop3A_516] {strides = array<i32>} : memref<320x128xf32, #tpu.memory_space<vmem>>, vector<16xf32>,
          %parallel_loop3A_518 = arith.constant 64 : i32
          %parallel_loop3A_519 = arith.addi %parallel_loop3A_518, %parallel_loop3A_459 : i32
          %parallel_loop3A_520 = arith.index_cast %parallel_loop3A_519 : i32 to index
          %parallel_loop3A_521 = arith.constant 16 : index
          %parallel_loop3A_522 = tpu.vector_load %arg5[%parallel_loop3A_520, %parallel_loop3A_521] {strides = array<i32>} : memref<320x128xf32, #tpu.memory_space<vmem>>, vector<16xf32>,
          %parallel_loop3A_523 = arith.constant 128 : i32
          %parallel_loop3A_524 = arith.addi %parallel_loop3A_523, %parallel_loop3A_459 : i32
          %parallel_loop3A_525 = arith.index_cast %parallel_loop3A_524 : i32 to index
          %parallel_loop3A_526 = arith.constant 16 : index
          %parallel_loop3A_527 = tpu.vector_load %arg5[%parallel_loop3A_525, %parallel_loop3A_526] {strides = array<i32>} : memref<320x128xf32, #tpu.memory_space<vmem>>, vector<16xf32>,
          %parallel_loop3A_528 = arith.constant 192 : i32
          %parallel_loop3A_529 = arith.addi %parallel_loop3A_528, %parallel_loop3A_459 : i32
          %parallel_loop3A_530 = arith.index_cast %parallel_loop3A_529 : i32 to index
          %parallel_loop3A_531 = arith.constant 16 : index
          %parallel_loop3A_532 = tpu.vector_load %arg5[%parallel_loop3A_530, %parallel_loop3A_531] {strides = array<i32>} : memref<320x128xf32, #tpu.memory_space<vmem>>, vector<16xf32>,
          %parallel_loop3A_533 = arith.constant 256 : i32
          %parallel_loop3A_534 = arith.addi %parallel_loop3A_533, %parallel_loop3A_459 : i32
          %parallel_loop3A_535 = arith.index_cast %parallel_loop3A_534 : i32 to index
          %parallel_loop3A_536 = arith.constant 16 : index
          %parallel_loop3A_537 = tpu.vector_load %arg5[%parallel_loop3A_535, %parallel_loop3A_536] {strides = array<i32>} : memref<320x128xf32, #tpu.memory_space<vmem>>, vector<16xf32>,
          %parallel_loop3A_538 = arith.mulf %parallel_loop3A_517, %parallel_loop3A_522 : vector<16xf32>
          %parallel_loop3A_539 = arith.mulf %parallel_loop3A_517, %parallel_loop3A_527 : vector<16xf32>
          %parallel_loop3A_540 = arith.mulf %parallel_loop3A_517, %parallel_loop3A_532 : vector<16xf32>
          %parallel_loop3A_541 = arith.mulf %parallel_loop3A_522, %parallel_loop3A_527 : vector<16xf32>
          %parallel_loop3A_542 = arith.mulf %parallel_loop3A_522, %parallel_loop3A_532 : vector<16xf32>
          %parallel_loop3A_543 = arith.mulf %parallel_loop3A_527, %parallel_loop3A_532 : vector<16xf32>
          %parallel_loop3A_544 = arith.mulf %get3A_5, %parallel_loop3A_538 : vector<16xf32>
          %parallel_loop3A_545 = arith.mulf %parallel_loop3A_527, %parallel_loop3A_544 : vector<16xf32>
          %parallel_loop3A_546 = arith.addf %parallel_loop3A_512, %parallel_loop3A_545 : vector<16xf32>
          %parallel_loop3A_547 = arith.mulf %get3A_9, %parallel_loop3A_538 : vector<16xf32>
          %parallel_loop3A_548 = arith.mulf %get3A_17, %parallel_loop3A_539 : vector<16xf32>
          %parallel_loop3A_549 = arith.addf %parallel_loop3A_547, %parallel_loop3A_548 : vector<16xf32>
          %parallel_loop3A_550 = arith.mulf %get3A_29, %parallel_loop3A_541 : vector<16xf32>
          %parallel_loop3A_551 = arith.addf %parallel_loop3A_549, %parallel_loop3A_550 : vector<16xf32>
          %parallel_loop3A_552 = arith.mulf %parallel_loop3A_532, %parallel_loop3A_551 : vector<16xf32>
          %parallel_loop3A_553 = arith.addf %parallel_loop3A_546, %parallel_loop3A_552 : vector<16xf32>
          %parallel_loop3A_554 = arith.mulf %get3A_13, %parallel_loop3A_538 : vector<16xf32>
          %parallel_loop3A_555 = arith.mulf %get3A_21, %parallel_loop3A_539 : vector<16xf32>
          %parallel_loop3A_556 = arith.addf %parallel_loop3A_554, %parallel_loop3A_555 : vector<16xf32>
          %parallel_loop3A_557 = arith.mulf %get3A_25, %parallel_loop3A_540 : vector<16xf32>
          %parallel_loop3A_558 = arith.addf %parallel_loop3A_556, %parallel_loop3A_557 : vector<16xf32>
          %parallel_loop3A_559 = arith.mulf %get3A_33, %parallel_loop3A_541 : vector<16xf32>
          %parallel_loop3A_560 = arith.addf %parallel_loop3A_558, %parallel_loop3A_559 : vector<16xf32>
          %parallel_loop3A_561 = arith.mulf %get3A_37, %parallel_loop3A_542 : vector<16xf32>
          %parallel_loop3A_562 = arith.addf %parallel_loop3A_560, %parallel_loop3A_561 : vector<16xf32>
          %parallel_loop3A_563 = arith.mulf %get3A_41, %parallel_loop3A_543 : vector<16xf32>
          %parallel_loop3A_564 = arith.addf %parallel_loop3A_562, %parallel_loop3A_563 : vector<16xf32>
          %parallel_loop3A_565 = arith.mulf %parallel_loop3A_537, %parallel_loop3A_564 : vector<16xf32>
          %parallel_loop3A_566 = arith.addf %parallel_loop3A_553, %parallel_loop3A_565 : vector<16xf32>
          %parallel_loop3A_567 = arith.constant 0 : i32
          %parallel_loop3A_568 = arith.addi %parallel_loop3A_567, %parallel_loop3A_459 : i32
          %parallel_loop3A_569 = arith.index_cast %parallel_loop3A_568 : i32 to index
          %parallel_loop3A_570 = arith.constant 32 : index
          %parallel_loop3A_571 = tpu.vector_load %arg5[%parallel_loop3A_569, %parallel_loop3A_570] {strides = array<i32>} : memref<320x128xf32, #tpu.memory_space<vmem>>, vector<16xf32>,
          %parallel_loop3A_572 = arith.constant 64 : i32
          %parallel_loop3A_573 = arith.addi %parallel_loop3A_572, %parallel_loop3A_459 : i32
          %parallel_loop3A_574 = arith.index_cast %parallel_loop3A_573 : i32 to index
          %parallel_loop3A_575 = arith.constant 32 : index
          %parallel_loop3A_576 = tpu.vector_load %arg5[%parallel_loop3A_574, %parallel_loop3A_575] {strides = array<i32>} : memref<320x128xf32, #tpu.memory_space<vmem>>, vector<16xf32>,
          %parallel_loop3A_577 = arith.constant 128 : i32
          %parallel_loop3A_578 = arith.addi %parallel_loop3A_577, %parallel_loop3A_459 : i32
          %parallel_loop3A_579 = arith.index_cast %parallel_loop3A_578 : i32 to index
          %parallel_loop3A_580 = arith.constant 32 : index
          %parallel_loop3A_581 = tpu.vector_load %arg5[%parallel_loop3A_579, %parallel_loop3A_580] {strides = array<i32>} : memref<320x128xf32, #tpu.memory_space<vmem>>, vector<16xf32>,
          %parallel_loop3A_582 = arith.constant 192 : i32
          %parallel_loop3A_583 = arith.addi %parallel_loop3A_582, %parallel_loop3A_459 : i32
          %parallel_loop3A_584 = arith.index_cast %parallel_loop3A_583 : i32 to index
          %parallel_loop3A_585 = arith.constant 32 : index
          %parallel_loop3A_586 = tpu.vector_load %arg5[%parallel_loop3A_584, %parallel_loop3A_585] {strides = array<i32>} : memref<320x128xf32, #tpu.memory_space<vmem>>, vector<16xf32>,
          %parallel_loop3A_587 = arith.constant 256 : i32
          %parallel_loop3A_588 = arith.addi %parallel_loop3A_587, %parallel_loop3A_459 : i32
          %parallel_loop3A_589 = arith.index_cast %parallel_loop3A_588 : i32 to index
          %parallel_loop3A_590 = arith.constant 32 : index
          %parallel_loop3A_591 = tpu.vector_load %arg5[%parallel_loop3A_589, %parallel_loop3A_590] {strides = array<i32>} : memref<320x128xf32, #tpu.memory_space<vmem>>, vector<16xf32>,
          %parallel_loop3A_592 = arith.mulf %parallel_loop3A_571, %parallel_loop3A_576 : vector<16xf32>
          %parallel_loop3A_593 = arith.mulf %parallel_loop3A_571, %parallel_loop3A_581 : vector<16xf32>
          %parallel_loop3A_594 = arith.mulf %parallel_loop3A_571, %parallel_loop3A_586 : vector<16xf32>
          %parallel_loop3A_595 = arith.mulf %parallel_loop3A_576, %parallel_loop3A_581 : vector<16xf32>
          %parallel_loop3A_596 = arith.mulf %parallel_loop3A_576, %parallel_loop3A_586 : vector<16xf32>
          %parallel_loop3A_597 = arith.mulf %parallel_loop3A_581, %parallel_loop3A_586 : vector<16xf32>
          %parallel_loop3A_598 = arith.mulf %get3A_5, %parallel_loop3A_592 : vector<16xf32>
          %parallel_loop3A_599 = arith.mulf %parallel_loop3A_581, %parallel_loop3A_598 : vector<16xf32>
          %parallel_loop3A_600 = arith.addf %parallel_loop3A_566, %parallel_loop3A_599 : vector<16xf32>
          %parallel_loop3A_601 = arith.mulf %get3A_9, %parallel_loop3A_592 : vector<16xf32>
          %parallel_loop3A_602 = arith.mulf %get3A_17, %parallel_loop3A_593 : vector<16xf32>
          %parallel_loop3A_603 = arith.addf %parallel_loop3A_601, %parallel_loop3A_602 : vector<16xf32>
          %parallel_loop3A_604 = arith.mulf %get3A_29, %parallel_loop3A_595 : vector<16xf32>
          %parallel_loop3A_605 = arith.addf %parallel_loop3A_603, %parallel_loop3A_604 : vector<16xf32>
          %parallel_loop3A_606 = arith.mulf %parallel_loop3A_586, %parallel_loop3A_605 : vector<16xf32>
          %parallel_loop3A_607 = arith.addf %parallel_loop3A_600, %parallel_loop3A_606 : vector<16xf32>
          %parallel_loop3A_608 = arith.mulf %get3A_13, %parallel_loop3A_592 : vector<16xf32>
          %parallel_loop3A_609 = arith.mulf %get3A_21, %parallel_loop3A_593 : vector<16xf32>
          %parallel_loop3A_610 = arith.addf %parallel_loop3A_608, %parallel_loop3A_609 : vector<16xf32>
          %parallel_loop3A_611 = arith.mulf %get3A_25, %parallel_loop3A_594 : vector<16xf32>
          %parallel_loop3A_612 = arith.addf %parallel_loop3A_610, %parallel_loop3A_611 : vector<16xf32>
          %parallel_loop3A_613 = arith.mulf %get3A_33, %parallel_loop3A_595 : vector<16xf32>
          %parallel_loop3A_614 = arith.addf %parallel_loop3A_612, %parallel_loop3A_613 : vector<16xf32>
          %parallel_loop3A_615 = arith.mulf %get3A_37, %parallel_loop3A_596 : vector<16xf32>
          %parallel_loop3A_616 = arith.addf %parallel_loop3A_614, %parallel_loop3A_615 : vector<16xf32>
          %parallel_loop3A_617 = arith.mulf %get3A_41, %parallel_loop3A_597 : vector<16xf32>
          %parallel_loop3A_618 = arith.addf %parallel_loop3A_616, %parallel_loop3A_617 : vector<16xf32>
          %parallel_loop3A_619 = arith.mulf %parallel_loop3A_591, %parallel_loop3A_618 : vector<16xf32>
          %parallel_loop3A_620 = arith.addf %parallel_loop3A_607, %parallel_loop3A_619 : vector<16xf32>
          %parallel_loop3A_621 = arith.constant 0 : i32
          %parallel_loop3A_622 = arith.addi %parallel_loop3A_621, %parallel_loop3A_459 : i32
          %parallel_loop3A_623 = arith.index_cast %parallel_loop3A_622 : i32 to index
          %parallel_loop3A_624 = arith.constant 48 : index
          %parallel_loop3A_625 = tpu.vector_load %arg5[%parallel_loop3A_623, %parallel_loop3A_624] {strides = array<i32>} : memref<320x128xf32, #tpu.memory_space<vmem>>, vector<16xf32>,
          %parallel_loop3A_626 = arith.constant 64 : i32
          %parallel_loop3A_627 = arith.addi %parallel_loop3A_626, %parallel_loop3A_459 : i32
          %parallel_loop3A_628 = arith.index_cast %parallel_loop3A_627 : i32 to index
          %parallel_loop3A_629 = arith.constant 48 : index
          %parallel_loop3A_630 = tpu.vector_load %arg5[%parallel_loop3A_628, %parallel_loop3A_629] {strides = array<i32>} : memref<320x128xf32, #tpu.memory_space<vmem>>, vector<16xf32>,
          %parallel_loop3A_631 = arith.constant 128 : i32
          %parallel_loop3A_632 = arith.addi %parallel_loop3A_631, %parallel_loop3A_459 : i32
          %parallel_loop3A_633 = arith.index_cast %parallel_loop3A_632 : i32 to index
          %parallel_loop3A_634 = arith.constant 48 : index
          %parallel_loop3A_635 = tpu.vector_load %arg5[%parallel_loop3A_633, %parallel_loop3A_634] {strides = array<i32>} : memref<320x128xf32, #tpu.memory_space<vmem>>, vector<16xf32>,
          %parallel_loop3A_636 = arith.constant 192 : i32
          %parallel_loop3A_637 = arith.addi %parallel_loop3A_636, %parallel_loop3A_459 : i32
          %parallel_loop3A_638 = arith.index_cast %parallel_loop3A_637 : i32 to index
          %parallel_loop3A_639 = arith.constant 48 : index
          %parallel_loop3A_640 = tpu.vector_load %arg5[%parallel_loop3A_638, %parallel_loop3A_639] {strides = array<i32>} : memref<320x128xf32, #tpu.memory_space<vmem>>, vector<16xf32>,
          %parallel_loop3A_641 = arith.constant 256 : i32
          %parallel_loop3A_642 = arith.addi %parallel_loop3A_641, %parallel_loop3A_459 : i32
          %parallel_loop3A_643 = arith.index_cast %parallel_loop3A_642 : i32 to index
          %parallel_loop3A_644 = arith.constant 48 : index
          %parallel_loop3A_645 = tpu.vector_load %arg5[%parallel_loop3A_643, %parallel_loop3A_644] {strides = array<i32>} : memref<320x128xf32, #tpu.memory_space<vmem>>, vector<16xf32>,
          %parallel_loop3A_646 = arith.mulf %parallel_loop3A_625, %parallel_loop3A_630 : vector<16xf32>
          %parallel_loop3A_647 = arith.mulf %parallel_loop3A_625, %parallel_loop3A_635 : vector<16xf32>
          %parallel_loop3A_648 = arith.mulf %parallel_loop3A_625, %parallel_loop3A_640 : vector<16xf32>
          %parallel_loop3A_649 = arith.mulf %parallel_loop3A_630, %parallel_loop3A_635 : vector<16xf32>
          %parallel_loop3A_650 = arith.mulf %parallel_loop3A_630, %parallel_loop3A_640 : vector<16xf32>
          %parallel_loop3A_651 = arith.mulf %parallel_loop3A_635, %parallel_loop3A_640 : vector<16xf32>
          %parallel_loop3A_652 = arith.mulf %get3A_5, %parallel_loop3A_646 : vector<16xf32>
          %parallel_loop3A_653 = arith.mulf %parallel_loop3A_635, %parallel_loop3A_652 : vector<16xf32>
          %parallel_loop3A_654 = arith.addf %parallel_loop3A_620, %parallel_loop3A_653 : vector<16xf32>
          %parallel_loop3A_655 = arith.mulf %get3A_9, %parallel_loop3A_646 : vector<16xf32>
          %parallel_loop3A_656 = arith.mulf %get3A_17, %parallel_loop3A_647 : vector<16xf32>
          %parallel_loop3A_657 = arith.addf %parallel_loop3A_655, %parallel_loop3A_656 : vector<16xf32>
          %parallel_loop3A_658 = arith.mulf %get3A_29, %parallel_loop3A_649 : vector<16xf32>
          %parallel_loop3A_659 = arith.addf %parallel_loop3A_657, %parallel_loop3A_658 : vector<16xf32>
          %parallel_loop3A_660 = arith.mulf %parallel_loop3A_640, %parallel_loop3A_659 : vector<16xf32>
          %parallel_loop3A_661 = arith.addf %parallel_loop3A_654, %parallel_loop3A_660 : vector<16xf32>
          %parallel_loop3A_662 = arith.mulf %get3A_13, %parallel_loop3A_646 : vector<16xf32>
          %parallel_loop3A_663 = arith.mulf %get3A_21, %parallel_loop3A_647 : vector<16xf32>
          %parallel_loop3A_664 = arith.addf %parallel_loop3A_662, %parallel_loop3A_663 : vector<16xf32>
          %parallel_loop3A_665 = arith.mulf %get3A_25, %parallel_loop3A_648 : vector<16xf32>
          %parallel_loop3A_666 = arith.addf %parallel_loop3A_664, %parallel_loop3A_665 : vector<16xf32>
          %parallel_loop3A_667 = arith.mulf %get3A_33, %parallel_loop3A_649 : vector<16xf32>
          %parallel_loop3A_668 = arith.addf %parallel_loop3A_666, %parallel_loop3A_667 : vector<16xf32>
          %parallel_loop3A_669 = arith.mulf %get3A_37, %parallel_loop3A_650 : vector<16xf32>
          %parallel_loop3A_670 = arith.addf %parallel_loop3A_668, %parallel_loop3A_669 : vector<16xf32>
          %parallel_loop3A_671 = arith.mulf %get3A_41, %parallel_loop3A_651 : vector<16xf32>
          %parallel_loop3A_672 = arith.addf %parallel_loop3A_670, %parallel_loop3A_671 : vector<16xf32>
          %parallel_loop3A_673 = arith.mulf %parallel_loop3A_645, %parallel_loop3A_672 : vector<16xf32>
          %parallel_loop3A_674 = arith.addf %parallel_loop3A_661, %parallel_loop3A_673 : vector<16xf32>
          %parallel_loop3A_675 = arith.constant 0 : i32
          %parallel_loop3A_676 = arith.addi %parallel_loop3A_675, %parallel_loop3A_459 : i32
          %parallel_loop3A_677 = arith.index_cast %parallel_loop3A_676 : i32 to index
          %parallel_loop3A_678 = arith.constant 64 : index
          %parallel_loop3A_679 = tpu.vector_load %arg5[%parallel_loop3A_677, %parallel_loop3A_678] {strides = array<i32>} : memref<320x128xf32, #tpu.memory_space<vmem>>, vector<16xf32>,
          %parallel_loop3A_680 = arith.constant 64 : i32
          %parallel_loop3A_681 = arith.addi %parallel_loop3A_680, %parallel_loop3A_459 : i32
          %parallel_loop3A_682 = arith.index_cast %parallel_loop3A_681 : i32 to index
          %parallel_loop3A_683 = arith.constant 64 : index
          %parallel_loop3A_684 = tpu.vector_load %arg5[%parallel_loop3A_682, %parallel_loop3A_683] {strides = array<i32>} : memref<320x128xf32, #tpu.memory_space<vmem>>, vector<16xf32>,
          %parallel_loop3A_685 = arith.constant 128 : i32
          %parallel_loop3A_686 = arith.addi %parallel_loop3A_685, %parallel_loop3A_459 : i32
          %parallel_loop3A_687 = arith.index_cast %parallel_loop3A_686 : i32 to index
          %parallel_loop3A_688 = arith.constant 64 : index
          %parallel_loop3A_689 = tpu.vector_load %arg5[%parallel_loop3A_687, %parallel_loop3A_688] {strides = array<i32>} : memref<320x128xf32, #tpu.memory_space<vmem>>, vector<16xf32>,
          %parallel_loop3A_690 = arith.constant 192 : i32
          %parallel_loop3A_691 = arith.addi %parallel_loop3A_690, %parallel_loop3A_459 : i32
          %parallel_loop3A_692 = arith.index_cast %parallel_loop3A_691 : i32 to index
          %parallel_loop3A_693 = arith.constant 64 : index
          %parallel_loop3A_694 = tpu.vector_load %arg5[%parallel_loop3A_692, %parallel_loop3A_693] {strides = array<i32>} : memref<320x128xf32, #tpu.memory_space<vmem>>, vector<16xf32>,
          %parallel_loop3A_695 = arith.constant 256 : i32
          %parallel_loop3A_696 = arith.addi %parallel_loop3A_695, %parallel_loop3A_459 : i32
          %parallel_loop3A_697 = arith.index_cast %parallel_loop3A_696 : i32 to index
          %parallel_loop3A_698 = arith.constant 64 : index
          %parallel_loop3A_699 = tpu.vector_load %arg5[%parallel_loop3A_697, %parallel_loop3A_698] {strides = array<i32>} : memref<320x128xf32, #tpu.memory_space<vmem>>, vector<16xf32>,
          %parallel_loop3A_700 = arith.mulf %parallel_loop3A_679, %parallel_loop3A_684 : vector<16xf32>
          %parallel_loop3A_701 = arith.mulf %parallel_loop3A_679, %parallel_loop3A_689 : vector<16xf32>
          %parallel_loop3A_702 = arith.mulf %parallel_loop3A_679, %parallel_loop3A_694 : vector<16xf32>
          %parallel_loop3A_703 = arith.mulf %parallel_loop3A_684, %parallel_loop3A_689 : vector<16xf32>
          %parallel_loop3A_704 = arith.mulf %parallel_loop3A_684, %parallel_loop3A_694 : vector<16xf32>
          %parallel_loop3A_705 = arith.mulf %parallel_loop3A_689, %parallel_loop3A_694 : vector<16xf32>
          %parallel_loop3A_706 = arith.mulf %get3A_5, %parallel_loop3A_700 : vector<16xf32>
          %parallel_loop3A_707 = arith.mulf %parallel_loop3A_689, %parallel_loop3A_706 : vector<16xf32>
          %parallel_loop3A_708 = arith.addf %parallel_loop3A_674, %parallel_loop3A_707 : vector<16xf32>
          %parallel_loop3A_709 = arith.mulf %get3A_9, %parallel_loop3A_700 : vector<16xf32>
          %parallel_loop3A_710 = arith.mulf %get3A_17, %parallel_loop3A_701 : vector<16xf32>
          %parallel_loop3A_711 = arith.addf %parallel_loop3A_709, %parallel_loop3A_710 : vector<16xf32>
          %parallel_loop3A_712 = arith.mulf %get3A_29, %parallel_loop3A_703 : vector<16xf32>
          %parallel_loop3A_713 = arith.addf %parallel_loop3A_711, %parallel_loop3A_712 : vector<16xf32>
          %parallel_loop3A_714 = arith.mulf %parallel_loop3A_694, %parallel_loop3A_713 : vector<16xf32>
          %parallel_loop3A_715 = arith.addf %parallel_loop3A_708, %parallel_loop3A_714 : vector<16xf32>
          %parallel_loop3A_716 = arith.mulf %get3A_13, %parallel_loop3A_700 : vector<16xf32>
          %parallel_loop3A_717 = arith.mulf %get3A_21, %parallel_loop3A_701 : vector<16xf32>
          %parallel_loop3A_718 = arith.addf %parallel_loop3A_716, %parallel_loop3A_717 : vector<16xf32>
          %parallel_loop3A_719 = arith.mulf %get3A_25, %parallel_loop3A_702 : vector<16xf32>
          %parallel_loop3A_720 = arith.addf %parallel_loop3A_718, %parallel_loop3A_719 : vector<16xf32>
          %parallel_loop3A_721 = arith.mulf %get3A_33, %parallel_loop3A_703 : vector<16xf32>
          %parallel_loop3A_722 = arith.addf %parallel_loop3A_720, %parallel_loop3A_721 : vector<16xf32>
          %parallel_loop3A_723 = arith.mulf %get3A_37, %parallel_loop3A_704 : vector<16xf32>
          %parallel_loop3A_724 = arith.addf %parallel_loop3A_722, %parallel_loop3A_723 : vector<16xf32>
          %parallel_loop3A_725 = arith.mulf %get3A_41, %parallel_loop3A_705 : vector<16xf32>
          %parallel_loop3A_726 = arith.addf %parallel_loop3A_724, %parallel_loop3A_725 : vector<16xf32>
          %parallel_loop3A_727 = arith.mulf %parallel_loop3A_699, %parallel_loop3A_726 : vector<16xf32>
          %parallel_loop3A_728 = arith.addf %parallel_loop3A_715, %parallel_loop3A_727 : vector<16xf32>
          %parallel_loop3A_729 = arith.constant 0 : i32
          %parallel_loop3A_730 = arith.addi %parallel_loop3A_729, %parallel_loop3A_459 : i32
          %parallel_loop3A_731 = arith.index_cast %parallel_loop3A_730 : i32 to index
          %parallel_loop3A_732 = arith.constant 80 : index
          %parallel_loop3A_733 = tpu.vector_load %arg5[%parallel_loop3A_731, %parallel_loop3A_732] {strides = array<i32>} : memref<320x128xf32, #tpu.memory_space<vmem>>, vector<16xf32>,
          %parallel_loop3A_734 = arith.constant 64 : i32
          %parallel_loop3A_735 = arith.addi %parallel_loop3A_734, %parallel_loop3A_459 : i32
          %parallel_loop3A_736 = arith.index_cast %parallel_loop3A_735 : i32 to index
          %parallel_loop3A_737 = arith.constant 80 : index
          %parallel_loop3A_738 = tpu.vector_load %arg5[%parallel_loop3A_736, %parallel_loop3A_737] {strides = array<i32>} : memref<320x128xf32, #tpu.memory_space<vmem>>, vector<16xf32>,
          %parallel_loop3A_739 = arith.constant 128 : i32
          %parallel_loop3A_740 = arith.addi %parallel_loop3A_739, %parallel_loop3A_459 : i32
          %parallel_loop3A_741 = arith.index_cast %parallel_loop3A_740 : i32 to index
          %parallel_loop3A_742 = arith.constant 80 : index
          %parallel_loop3A_743 = tpu.vector_load %arg5[%parallel_loop3A_741, %parallel_loop3A_742] {strides = array<i32>} : memref<320x128xf32, #tpu.memory_space<vmem>>, vector<16xf32>,
          %parallel_loop3A_744 = arith.constant 192 : i32
          %parallel_loop3A_745 = arith.addi %parallel_loop3A_744, %parallel_loop3A_459 : i32
          %parallel_loop3A_746 = arith.index_cast %parallel_loop3A_745 : i32 to index
          %parallel_loop3A_747 = arith.constant 80 : index
          %parallel_loop3A_748 = tpu.vector_load %arg5[%parallel_loop3A_746, %parallel_loop3A_747] {strides = array<i32>} : memref<320x128xf32, #tpu.memory_space<vmem>>, vector<16xf32>,
          %parallel_loop3A_749 = arith.constant 256 : i32
          %parallel_loop3A_750 = arith.addi %parallel_loop3A_749, %parallel_loop3A_459 : i32
          %parallel_loop3A_751 = arith.index_cast %parallel_loop3A_750 : i32 to index
          %parallel_loop3A_752 = arith.constant 80 : index
          %parallel_loop3A_753 = tpu.vector_load %arg5[%parallel_loop3A_751, %parallel_loop3A_752] {strides = array<i32>} : memref<320x128xf32, #tpu.memory_space<vmem>>, vector<16xf32>,
          %parallel_loop3A_754 = arith.mulf %parallel_loop3A_733, %parallel_loop3A_738 : vector<16xf32>
          %parallel_loop3A_755 = arith.mulf %parallel_loop3A_733, %parallel_loop3A_743 : vector<16xf32>
          %parallel_loop3A_756 = arith.mulf %parallel_loop3A_733, %parallel_loop3A_748 : vector<16xf32>
          %parallel_loop3A_757 = arith.mulf %parallel_loop3A_738, %parallel_loop3A_743 : vector<16xf32>
          %parallel_loop3A_758 = arith.mulf %parallel_loop3A_738, %parallel_loop3A_748 : vector<16xf32>
          %parallel_loop3A_759 = arith.mulf %parallel_loop3A_743, %parallel_loop3A_748 : vector<16xf32>
          %parallel_loop3A_760 = arith.mulf %get3A_5, %parallel_loop3A_754 : vector<16xf32>
          %parallel_loop3A_761 = arith.mulf %parallel_loop3A_743, %parallel_loop3A_760 : vector<16xf32>
          %parallel_loop3A_762 = arith.addf %parallel_loop3A_728, %parallel_loop3A_761 : vector<16xf32>
          %parallel_loop3A_763 = arith.mulf %get3A_9, %parallel_loop3A_754 : vector<16xf32>
          %parallel_loop3A_764 = arith.mulf %get3A_17, %parallel_loop3A_755 : vector<16xf32>
          %parallel_loop3A_765 = arith.addf %parallel_loop3A_763, %parallel_loop3A_764 : vector<16xf32>
          %parallel_loop3A_766 = arith.mulf %get3A_29, %parallel_loop3A_757 : vector<16xf32>
          %parallel_loop3A_767 = arith.addf %parallel_loop3A_765, %parallel_loop3A_766 : vector<16xf32>
          %parallel_loop3A_768 = arith.mulf %parallel_loop3A_748, %parallel_loop3A_767 : vector<16xf32>
          %parallel_loop3A_769 = arith.addf %parallel_loop3A_762, %parallel_loop3A_768 : vector<16xf32>
          %parallel_loop3A_770 = arith.mulf %get3A_13, %parallel_loop3A_754 : vector<16xf32>
          %parallel_loop3A_771 = arith.mulf %get3A_21, %parallel_loop3A_755 : vector<16xf32>
          %parallel_loop3A_772 = arith.addf %parallel_loop3A_770, %parallel_loop3A_771 : vector<16xf32>
          %parallel_loop3A_773 = arith.mulf %get3A_25, %parallel_loop3A_756 : vector<16xf32>
          %parallel_loop3A_774 = arith.addf %parallel_loop3A_772, %parallel_loop3A_773 : vector<16xf32>
          %parallel_loop3A_775 = arith.mulf %get3A_33, %parallel_loop3A_757 : vector<16xf32>
          %parallel_loop3A_776 = arith.addf %parallel_loop3A_774, %parallel_loop3A_775 : vector<16xf32>
          %parallel_loop3A_777 = arith.mulf %get3A_37, %parallel_loop3A_758 : vector<16xf32>
          %parallel_loop3A_778 = arith.addf %parallel_loop3A_776, %parallel_loop3A_777 : vector<16xf32>
          %parallel_loop3A_779 = arith.mulf %get3A_41, %parallel_loop3A_759 : vector<16xf32>
          %parallel_loop3A_780 = arith.addf %parallel_loop3A_778, %parallel_loop3A_779 : vector<16xf32>
          %parallel_loop3A_781 = arith.mulf %parallel_loop3A_753, %parallel_loop3A_780 : vector<16xf32>
          %parallel_loop3A_782 = arith.addf %parallel_loop3A_769, %parallel_loop3A_781 : vector<16xf32>
          %parallel_loop3A_783 = arith.constant 0 : i32
          %parallel_loop3A_784 = arith.addi %parallel_loop3A_783, %parallel_loop3A_459 : i32
          %parallel_loop3A_785 = arith.index_cast %parallel_loop3A_784 : i32 to index
          %parallel_loop3A_786 = arith.constant 96 : index
          %parallel_loop3A_787 = tpu.vector_load %arg5[%parallel_loop3A_785, %parallel_loop3A_786] {strides = array<i32>} : memref<320x128xf32, #tpu.memory_space<vmem>>, vector<16xf32>,
          %parallel_loop3A_788 = arith.constant 64 : i32
          %parallel_loop3A_789 = arith.addi %parallel_loop3A_788, %parallel_loop3A_459 : i32
          %parallel_loop3A_790 = arith.index_cast %parallel_loop3A_789 : i32 to index
          %parallel_loop3A_791 = arith.constant 96 : index
          %parallel_loop3A_792 = tpu.vector_load %arg5[%parallel_loop3A_790, %parallel_loop3A_791] {strides = array<i32>} : memref<320x128xf32, #tpu.memory_space<vmem>>, vector<16xf32>,
          %parallel_loop3A_793 = arith.constant 128 : i32
          %parallel_loop3A_794 = arith.addi %parallel_loop3A_793, %parallel_loop3A_459 : i32
          %parallel_loop3A_795 = arith.index_cast %parallel_loop3A_794 : i32 to index
          %parallel_loop3A_796 = arith.constant 96 : index
          %parallel_loop3A_797 = tpu.vector_load %arg5[%parallel_loop3A_795, %parallel_loop3A_796] {strides = array<i32>} : memref<320x128xf32, #tpu.memory_space<vmem>>, vector<16xf32>,
          %parallel_loop3A_798 = arith.constant 192 : i32
          %parallel_loop3A_799 = arith.addi %parallel_loop3A_798, %parallel_loop3A_459 : i32
          %parallel_loop3A_800 = arith.index_cast %parallel_loop3A_799 : i32 to index
          %parallel_loop3A_801 = arith.constant 96 : index
          %parallel_loop3A_802 = tpu.vector_load %arg5[%parallel_loop3A_800, %parallel_loop3A_801] {strides = array<i32>} : memref<320x128xf32, #tpu.memory_space<vmem>>, vector<16xf32>,
          %parallel_loop3A_803 = arith.constant 256 : i32
          %parallel_loop3A_804 = arith.addi %parallel_loop3A_803, %parallel_loop3A_459 : i32
          %parallel_loop3A_805 = arith.index_cast %parallel_loop3A_804 : i32 to index
          %parallel_loop3A_806 = arith.constant 96 : index
          %parallel_loop3A_807 = tpu.vector_load %arg5[%parallel_loop3A_805, %parallel_loop3A_806] {strides = array<i32>} : memref<320x128xf32, #tpu.memory_space<vmem>>, vector<16xf32>,
          %parallel_loop3A_808 = arith.mulf %parallel_loop3A_787, %parallel_loop3A_792 : vector<16xf32>
          %parallel_loop3A_809 = arith.mulf %parallel_loop3A_787, %parallel_loop3A_797 : vector<16xf32>
          %parallel_loop3A_810 = arith.mulf %parallel_loop3A_787, %parallel_loop3A_802 : vector<16xf32>
          %parallel_loop3A_811 = arith.mulf %parallel_loop3A_792, %parallel_loop3A_797 : vector<16xf32>
          %parallel_loop3A_812 = arith.mulf %parallel_loop3A_792, %parallel_loop3A_802 : vector<16xf32>
          %parallel_loop3A_813 = arith.mulf %parallel_loop3A_797, %parallel_loop3A_802 : vector<16xf32>
          %parallel_loop3A_814 = arith.mulf %get3A_5, %parallel_loop3A_808 : vector<16xf32>
          %parallel_loop3A_815 = arith.mulf %parallel_loop3A_797, %parallel_loop3A_814 : vector<16xf32>
          %parallel_loop3A_816 = arith.addf %parallel_loop3A_782, %parallel_loop3A_815 : vector<16xf32>
          %parallel_loop3A_817 = arith.mulf %get3A_9, %parallel_loop3A_808 : vector<16xf32>
          %parallel_loop3A_818 = arith.mulf %get3A_17, %parallel_loop3A_809 : vector<16xf32>
          %parallel_loop3A_819 = arith.addf %parallel_loop3A_817, %parallel_loop3A_818 : vector<16xf32>
          %parallel_loop3A_820 = arith.mulf %get3A_29, %parallel_loop3A_811 : vector<16xf32>
          %parallel_loop3A_821 = arith.addf %parallel_loop3A_819, %parallel_loop3A_820 : vector<16xf32>
          %parallel_loop3A_822 = arith.mulf %parallel_loop3A_802, %parallel_loop3A_821 : vector<16xf32>
          %parallel_loop3A_823 = arith.addf %parallel_loop3A_816, %parallel_loop3A_822 : vector<16xf32>
          %parallel_loop3A_824 = arith.mulf %get3A_13, %parallel_loop3A_808 : vector<16xf32>
          %parallel_loop3A_825 = arith.mulf %get3A_21, %parallel_loop3A_809 : vector<16xf32>
          %parallel_loop3A_826 = arith.addf %parallel_loop3A_824, %parallel_loop3A_825 : vector<16xf32>
          %parallel_loop3A_827 = arith.mulf %get3A_25, %parallel_loop3A_810 : vector<16xf32>
          %parallel_loop3A_828 = arith.addf %parallel_loop3A_826, %parallel_loop3A_827 : vector<16xf32>
          %parallel_loop3A_829 = arith.mulf %get3A_33, %parallel_loop3A_811 : vector<16xf32>
          %parallel_loop3A_830 = arith.addf %parallel_loop3A_828, %parallel_loop3A_829 : vector<16xf32>
          %parallel_loop3A_831 = arith.mulf %get3A_37, %parallel_loop3A_812 : vector<16xf32>
          %parallel_loop3A_832 = arith.addf %parallel_loop3A_830, %parallel_loop3A_831 : vector<16xf32>
          %parallel_loop3A_833 = arith.mulf %get3A_41, %parallel_loop3A_813 : vector<16xf32>
          %parallel_loop3A_834 = arith.addf %parallel_loop3A_832, %parallel_loop3A_833 : vector<16xf32>
          %parallel_loop3A_835 = arith.mulf %parallel_loop3A_807, %parallel_loop3A_834 : vector<16xf32>
          %parallel_loop3A_836 = arith.addf %parallel_loop3A_823, %parallel_loop3A_835 : vector<16xf32>
          %parallel_loop3A_837 = arith.constant 0 : i32
          %parallel_loop3A_838 = arith.addi %parallel_loop3A_837, %parallel_loop3A_459 : i32
          %parallel_loop3A_839 = arith.index_cast %parallel_loop3A_838 : i32 to index
          %parallel_loop3A_840 = arith.constant 112 : index
          %parallel_loop3A_841 = tpu.vector_load %arg5[%parallel_loop3A_839, %parallel_loop3A_840] {strides = array<i32>} : memref<320x128xf32, #tpu.memory_space<vmem>>, vector<16xf32>,
          %parallel_loop3A_842 = arith.constant 64 : i32
          %parallel_loop3A_843 = arith.addi %parallel_loop3A_842, %parallel_loop3A_459 : i32
          %parallel_loop3A_844 = arith.index_cast %parallel_loop3A_843 : i32 to index
          %parallel_loop3A_845 = arith.constant 112 : index
          %parallel_loop3A_846 = tpu.vector_load %arg5[%parallel_loop3A_844, %parallel_loop3A_845] {strides = array<i32>} : memref<320x128xf32, #tpu.memory_space<vmem>>, vector<16xf32>,
          %parallel_loop3A_847 = arith.constant 128 : i32
          %parallel_loop3A_848 = arith.addi %parallel_loop3A_847, %parallel_loop3A_459 : i32
          %parallel_loop3A_849 = arith.index_cast %parallel_loop3A_848 : i32 to index
          %parallel_loop3A_850 = arith.constant 112 : index
          %parallel_loop3A_851 = tpu.vector_load %arg5[%parallel_loop3A_849, %parallel_loop3A_850] {strides = array<i32>} : memref<320x128xf32, #tpu.memory_space<vmem>>, vector<16xf32>,
          %parallel_loop3A_852 = arith.constant 192 : i32
          %parallel_loop3A_853 = arith.addi %parallel_loop3A_852, %parallel_loop3A_459 : i32
          %parallel_loop3A_854 = arith.index_cast %parallel_loop3A_853 : i32 to index
          %parallel_loop3A_855 = arith.constant 112 : index
          %parallel_loop3A_856 = tpu.vector_load %arg5[%parallel_loop3A_854, %parallel_loop3A_855] {strides = array<i32>} : memref<320x128xf32, #tpu.memory_space<vmem>>, vector<16xf32>,
          %parallel_loop3A_857 = arith.constant 256 : i32
          %parallel_loop3A_858 = arith.addi %parallel_loop3A_857, %parallel_loop3A_459 : i32
          %parallel_loop3A_859 = arith.index_cast %parallel_loop3A_858 : i32 to index
          %parallel_loop3A_860 = arith.constant 112 : index
          %parallel_loop3A_861 = tpu.vector_load %arg5[%parallel_loop3A_859, %parallel_loop3A_860] {strides = array<i32>} : memref<320x128xf32, #tpu.memory_space<vmem>>, vector<16xf32>,
          %parallel_loop3A_862 = arith.mulf %parallel_loop3A_841, %parallel_loop3A_846 : vector<16xf32>
          %parallel_loop3A_863 = arith.mulf %parallel_loop3A_841, %parallel_loop3A_851 : vector<16xf32>
          %parallel_loop3A_864 = arith.mulf %parallel_loop3A_841, %parallel_loop3A_856 : vector<16xf32>
          %parallel_loop3A_865 = arith.mulf %parallel_loop3A_846, %parallel_loop3A_851 : vector<16xf32>
          %parallel_loop3A_866 = arith.mulf %parallel_loop3A_846, %parallel_loop3A_856 : vector<16xf32>
          %parallel_loop3A_867 = arith.mulf %parallel_loop3A_851, %parallel_loop3A_856 : vector<16xf32>
          %parallel_loop3A_868 = arith.mulf %get3A_5, %parallel_loop3A_862 : vector<16xf32>
          %parallel_loop3A_869 = arith.mulf %parallel_loop3A_851, %parallel_loop3A_868 : vector<16xf32>
          %parallel_loop3A_870 = arith.addf %parallel_loop3A_836, %parallel_loop3A_869 : vector<16xf32>
          %parallel_loop3A_871 = arith.mulf %get3A_9, %parallel_loop3A_862 : vector<16xf32>
          %parallel_loop3A_872 = arith.mulf %get3A_17, %parallel_loop3A_863 : vector<16xf32>
          %parallel_loop3A_873 = arith.addf %parallel_loop3A_871, %parallel_loop3A_872 : vector<16xf32>
          %parallel_loop3A_874 = arith.mulf %get3A_29, %parallel_loop3A_865 : vector<16xf32>
          %parallel_loop3A_875 = arith.addf %parallel_loop3A_873, %parallel_loop3A_874 : vector<16xf32>
          %parallel_loop3A_876 = arith.mulf %parallel_loop3A_856, %parallel_loop3A_875 : vector<16xf32>
          %parallel_loop3A_877 = arith.addf %parallel_loop3A_870, %parallel_loop3A_876 : vector<16xf32>
          %parallel_loop3A_878 = arith.mulf %get3A_13, %parallel_loop3A_862 : vector<16xf32>
          %parallel_loop3A_879 = arith.mulf %get3A_21, %parallel_loop3A_863 : vector<16xf32>
          %parallel_loop3A_880 = arith.addf %parallel_loop3A_878, %parallel_loop3A_879 : vector<16xf32>
          %parallel_loop3A_881 = arith.mulf %get3A_25, %parallel_loop3A_864 : vector<16xf32>
          %parallel_loop3A_882 = arith.addf %parallel_loop3A_880, %parallel_loop3A_881 : vector<16xf32>
          %parallel_loop3A_883 = arith.mulf %get3A_33, %parallel_loop3A_865 : vector<16xf32>
          %parallel_loop3A_884 = arith.addf %parallel_loop3A_882, %parallel_loop3A_883 : vector<16xf32>
          %parallel_loop3A_885 = arith.mulf %get3A_37, %parallel_loop3A_866 : vector<16xf32>
          %parallel_loop3A_886 = arith.addf %parallel_loop3A_884, %parallel_loop3A_885 : vector<16xf32>
          %parallel_loop3A_887 = arith.mulf %get3A_41, %parallel_loop3A_867 : vector<16xf32>
          %parallel_loop3A_888 = arith.addf %parallel_loop3A_886, %parallel_loop3A_887 : vector<16xf32>
          %parallel_loop3A_889 = arith.mulf %parallel_loop3A_861, %parallel_loop3A_888 : vector<16xf32>
          %parallel_loop3A_890 = arith.addf %parallel_loop3A_877, %parallel_loop3A_889 : vector<16xf32>
          %parallel_loop3A_891 = arith.constant 16 : i32
          %parallel_loop3A_892 = arith.muli %parallel_loop3A_456, %parallel_loop3A_891 : i32
          %parallel_loop3A_893 = arith.index_cast %parallel_loop3A_892 : i32 to index
          %parallel_loop3A_894 = tpu.vector_load %arg8[%parallel_loop3A_893] {strides = array<i32>} : memref<256xf32, #tpu.memory_space<vmem>>, vector<16xf32>,
          tpu.vector_store %arg8[%parallel_loop3A_893], %parallel_loop3A_890 {strides = array<i32>} : memref<256xf32, #tpu.memory_space<vmem>>, vector<16xf32>,
        } {sc.loop_unroll_factor = 1 : i64, sc.parallel_access}
        %add3A_371 = arith.constant 0 : i32
        %add3A_372 = vector.broadcast %add3A_371 : i32 to vector<16xi32>
        %add3A_373 = arith.addi %mul3A_44, %add3A_372 : vector<16xi32>
        %gather3A = tpu.vector_load_idx %arg8[%add3A_373] : memref<256xf32, #tpu.memory_space<vmem>>[vector<16xi32>], vector<16xf32>,
        %add3A_374 = arith.constant 1 : i32
        %add3A_375 = vector.broadcast %add3A_374 : i32 to vector<16xi32>
        %add3A_376 = arith.addi %mul3A_44, %add3A_375 : vector<16xi32>
        %gather3A_377 = tpu.vector_load_idx %arg8[%add3A_376] : memref<256xf32, #tpu.memory_space<vmem>>[vector<16xi32>], vector<16xf32>,
        %add3A_378 = arith.addf %gather3A, %gather3A_377 : vector<16xf32>
        %add3A_379 = arith.constant 2 : i32
        %add3A_380 = vector.broadcast %add3A_379 : i32 to vector<16xi32>
        %add3A_381 = arith.addi %mul3A_44, %add3A_380 : vector<16xi32>
        %gather3A_382 = tpu.vector_load_idx %arg8[%add3A_381] : memref<256xf32, #tpu.memory_space<vmem>>[vector<16xi32>], vector<16xf32>,
        %add3A_383 = arith.addf %add3A_378, %gather3A_382 : vector<16xf32>
        %add3A_384 = arith.constant 3 : i32
        %add3A_385 = vector.broadcast %add3A_384 : i32 to vector<16xi32>
        %add3A_386 = arith.addi %mul3A_44, %add3A_385 : vector<16xi32>
        %gather3A_387 = tpu.vector_load_idx %arg8[%add3A_386] : memref<256xf32, #tpu.memory_space<vmem>>[vector<16xi32>], vector<16xf32>,
        %add3A_388 = arith.addf %add3A_383, %gather3A_387 : vector<16xf32>
        %add3A_389 = arith.constant 4 : i32
        %add3A_390 = vector.broadcast %add3A_389 : i32 to vector<16xi32>
        %add3A_391 = arith.addi %mul3A_44, %add3A_390 : vector<16xi32>
        %gather3A_392 = tpu.vector_load_idx %arg8[%add3A_391] : memref<256xf32, #tpu.memory_space<vmem>>[vector<16xi32>], vector<16xf32>,
        %add3A_393 = arith.addf %add3A_388, %gather3A_392 : vector<16xf32>
        %add3A_394 = arith.constant 5 : i32
        %add3A_395 = vector.broadcast %add3A_394 : i32 to vector<16xi32>
        %add3A_396 = arith.addi %mul3A_44, %add3A_395 : vector<16xi32>
        %gather3A_397 = tpu.vector_load_idx %arg8[%add3A_396] : memref<256xf32, #tpu.memory_space<vmem>>[vector<16xi32>], vector<16xf32>,
        %add3A_398 = arith.addf %add3A_393, %gather3A_397 : vector<16xf32>
        %add3A_399 = arith.constant 6 : i32
        %add3A_400 = vector.broadcast %add3A_399 : i32 to vector<16xi32>
        %add3A_401 = arith.addi %mul3A_44, %add3A_400 : vector<16xi32>
        %gather3A_402 = tpu.vector_load_idx %arg8[%add3A_401] : memref<256xf32, #tpu.memory_space<vmem>>[vector<16xi32>], vector<16xf32>,
        %add3A_403 = arith.addf %add3A_398, %gather3A_402 : vector<16xf32>
        %add3A_404 = arith.constant 7 : i32
        %add3A_405 = vector.broadcast %add3A_404 : i32 to vector<16xi32>
        %add3A_406 = arith.addi %mul3A_44, %add3A_405 : vector<16xi32>
        %gather3A_407 = tpu.vector_load_idx %arg8[%add3A_406] : memref<256xf32, #tpu.memory_space<vmem>>[vector<16xi32>], vector<16xf32>,
        %add3A_408 = arith.addf %add3A_403, %gather3A_407 : vector<16xf32>
        %add3A_409 = arith.constant 8 : i32
        %add3A_410 = vector.broadcast %add3A_409 : i32 to vector<16xi32>
        %add3A_411 = arith.addi %mul3A_44, %add3A_410 : vector<16xi32>
        %gather3A_412 = tpu.vector_load_idx %arg8[%add3A_411] : memref<256xf32, #tpu.memory_space<vmem>>[vector<16xi32>], vector<16xf32>,
        %add3A_413 = arith.addf %add3A_408, %gather3A_412 : vector<16xf32>
        %add3A_414 = arith.constant 9 : i32
        %add3A_415 = vector.broadcast %add3A_414 : i32 to vector<16xi32>
        %add3A_416 = arith.addi %mul3A_44, %add3A_415 : vector<16xi32>
        %gather3A_417 = tpu.vector_load_idx %arg8[%add3A_416] : memref<256xf32, #tpu.memory_space<vmem>>[vector<16xi32>], vector<16xf32>,
        %add3A_418 = arith.addf %add3A_413, %gather3A_417 : vector<16xf32>
        %add3A_419 = arith.constant 10 : i32
        %add3A_420 = vector.broadcast %add3A_419 : i32 to vector<16xi32>
        %add3A_421 = arith.addi %mul3A_44, %add3A_420 : vector<16xi32>
        %gather3A_422 = tpu.vector_load_idx %arg8[%add3A_421] : memref<256xf32, #tpu.memory_space<vmem>>[vector<16xi32>], vector<16xf32>,
        %add3A_423 = arith.addf %add3A_418, %gather3A_422 : vector<16xf32>
        %add3A_424 = arith.constant 11 : i32
        %add3A_425 = vector.broadcast %add3A_424 : i32 to vector<16xi32>
        %add3A_426 = arith.addi %mul3A_44, %add3A_425 : vector<16xi32>
        %gather3A_427 = tpu.vector_load_idx %arg8[%add3A_426] : memref<256xf32, #tpu.memory_space<vmem>>[vector<16xi32>], vector<16xf32>,
        %add3A_428 = arith.addf %add3A_423, %gather3A_427 : vector<16xf32>
        %add3A_429 = arith.constant 12 : i32
        %add3A_430 = vector.broadcast %add3A_429 : i32 to vector<16xi32>
        %add3A_431 = arith.addi %mul3A_44, %add3A_430 : vector<16xi32>
        %gather3A_432 = tpu.vector_load_idx %arg8[%add3A_431] : memref<256xf32, #tpu.memory_space<vmem>>[vector<16xi32>], vector<16xf32>,
        %add3A_433 = arith.addf %add3A_428, %gather3A_432 : vector<16xf32>
        %add3A_434 = arith.constant 13 : i32
        %add3A_435 = vector.broadcast %add3A_434 : i32 to vector<16xi32>
        %add3A_436 = arith.addi %mul3A_44, %add3A_435 : vector<16xi32>
        %gather3A_437 = tpu.vector_load_idx %arg8[%add3A_436] : memref<256xf32, #tpu.memory_space<vmem>>[vector<16xi32>], vector<16xf32>,
        %add3A_438 = arith.addf %add3A_433, %gather3A_437 : vector<16xf32>
        %add3A_439 = arith.constant 14 : i32
        %add3A_440 = vector.broadcast %add3A_439 : i32 to vector<16xi32>
        %add3A_441 = arith.addi %mul3A_44, %add3A_440 : vector<16xi32>
        %gather3A_442 = tpu.vector_load_idx %arg8[%add3A_441] : memref<256xf32, #tpu.memory_space<vmem>>[vector<16xi32>], vector<16xf32>,
        %add3A_443 = arith.addf %add3A_438, %gather3A_442 : vector<16xf32>
        %add3A_444 = arith.constant 15 : i32
        %add3A_445 = vector.broadcast %add3A_444 : i32 to vector<16xi32>
        %add3A_446 = arith.addi %mul3A_44, %add3A_445 : vector<16xi32>
        %gather3A_447 = tpu.vector_load_idx %arg8[%add3A_446] : memref<256xf32, #tpu.memory_space<vmem>>[vector<16xi32>], vector<16xf32>,
        %add3A_448 = arith.addf %add3A_443, %gather3A_447 : vector<16xf32>
        %mul3A_449 = arith.constant 64 : i32
        %mul3A_450 = arith.muli %add3A_189, %mul3A_449 : i32
        %mul3A_451 = arith.constant 16 : i32
        %mul3A_452 = arith.muli %scan3A_367, %mul3A_451 : i32
        %add3A_453 = arith.addi %mul3A_450, %mul3A_452 : i32
        %swap3A = arith.index_cast %add3A_453 : i32 to index
        %swap3A_454 = tpu.vector_load %arg9[%swap3A] {strides = array<i32>} : memref<512xf32, #tpu.memory_space<vmem>>, vector<16xf32>,
        tpu.vector_store %arg9[%swap3A], %add3A_448 {strides = array<i32>} : memref<512xf32, #tpu.memory_space<vmem>>, vector<16xf32>,
        %scan3A_455 = arith.constant 0 : i32
        scf.yield %scan3A_455 : i32
      }
      %scan3A_270 = arith.constant 4 : i32
      %add3A_271 = arith.constant 2 : i32
      %add3A_272 = arith.addi %add3A_189, %add3A_271 : i32
      %lt3A = arith.constant 8 : i32
      %lt3A_273 = arith.cmpi slt, %add3A_272, %lt3A : i32
      %convert_element_type3A = arith.extui %lt3A_273 : i1 to i32
      %cond3A = arith.constant 0 : i32
      %cond3A_274 = arith.cmpi ne, %convert_element_type3A, %cond3A : i32
      scf.if %cond3A_274 {
        %mul3A_367 = arith.constant 64 : i32
        %mul3A_368 = arith.muli %add3A_272, %mul3A_367 : i32
        %add3A_369 = arith.addi %mul3A_2, %mul3A_368 : i32
        %dma_start3A_370 = arith.constant 0 : i32
        %dma_start3A_371 = arith.constant 0 : i32
        %dma_start3A_372 = arith.constant 0 : i32
        %dma_start3A_373 = tpu.memref_slice %arg5[%dma_start3A_371, %dma_start3A_372] : memref<320x128xf32, #tpu.memory_space<vmem>> -> memref<64x128xf32, #tpu.memory_space<vmem>>
        %dma_start3A_374 = arith.constant 0 : i32
        %dma_start3A_375 = tpu.memref_slice %arg2[%dma_start3A_370, %add3A_369, %dma_start3A_374] : memref<5x16384x128xf32, #tpu.memory_space<hbm>> -> memref<1x64x128xf32, #tpu.memory_space<hbm>>
        %dma_start3A_376 = tpu.memref_squeeze %dma_start3A_375 : memref<1x64x128xf32, #tpu.memory_space<hbm>> -> memref<64x128xf32, #tpu.memory_space<hbm>>
        %dma_start3A_377 = arith.constant 0 : i32
        %dma_start3A_378 = arith.constant 0 : i32
        %dma_start3A_379 = tpu.memref_slice %arg5[%dma_start3A_377, %dma_start3A_378] : memref<320x128xf32, #tpu.memory_space<vmem>> -> memref<64x128xf32, #tpu.memory_space<vmem>>
        %dma_start3A_380 = arith.constant 0 : i32
        %dma_start3A_381 = tpu.memref_slice %arg2[%dma_start3A_370, %add3A_369, %dma_start3A_380] : memref<5x16384x128xf32, #tpu.memory_space<hbm>> -> memref<1x64x128xf32, #tpu.memory_space<hbm>>
        %dma_start3A_382 = tpu.memref_squeeze %dma_start3A_381 : memref<1x64x128xf32, #tpu.memory_space<hbm>> -> memref<64x128xf32, #tpu.memory_space<hbm>>
        tpu.enqueue_dma source(%dma_start3A_382 : memref<64x128xf32, #tpu.memory_space<hbm>>) target(%dma_start3A_379 : memref<64x128xf32, #tpu.memory_space<vmem>>) target_semaphore(%arg10 : memref<!tpu.dma_semaphore, #tpu.memory_space<semaphore_mem>>)
        %dma_start3A_383 = arith.constant 1 : i32
        %dma_start3A_384 = arith.constant 64 : i32
        %dma_start3A_385 = arith.constant 0 : i32
        %dma_start3A_386 = tpu.memref_slice %arg5[%dma_start3A_384, %dma_start3A_385] : memref<320x128xf32, #tpu.memory_space<vmem>> -> memref<64x128xf32, #tpu.memory_space<vmem>>
        %dma_start3A_387 = arith.constant 0 : i32
        %dma_start3A_388 = tpu.memref_slice %arg2[%dma_start3A_383, %add3A_369, %dma_start3A_387] : memref<5x16384x128xf32, #tpu.memory_space<hbm>> -> memref<1x64x128xf32, #tpu.memory_space<hbm>>
        %dma_start3A_389 = tpu.memref_squeeze %dma_start3A_388 : memref<1x64x128xf32, #tpu.memory_space<hbm>> -> memref<64x128xf32, #tpu.memory_space<hbm>>
        %dma_start3A_390 = arith.constant 64 : i32
        %dma_start3A_391 = arith.constant 0 : i32
        %dma_start3A_392 = tpu.memref_slice %arg5[%dma_start3A_390, %dma_start3A_391] : memref<320x128xf32, #tpu.memory_space<vmem>> -> memref<64x128xf32, #tpu.memory_space<vmem>>
        %dma_start3A_393 = arith.constant 0 : i32
        %dma_start3A_394 = tpu.memref_slice %arg2[%dma_start3A_383, %add3A_369, %dma_start3A_393] : memref<5x16384x128xf32, #tpu.memory_space<hbm>> -> memref<1x64x128xf32, #tpu.memory_space<hbm>>
        %dma_start3A_395 = tpu.memref_squeeze %dma_start3A_394 : memref<1x64x128xf32, #tpu.memory_space<hbm>> -> memref<64x128xf32, #tpu.memory_space<hbm>>
        tpu.enqueue_dma source(%dma_start3A_395 : memref<64x128xf32, #tpu.memory_space<hbm>>) target(%dma_start3A_392 : memref<64x128xf32, #tpu.memory_space<vmem>>) target_semaphore(%arg10 : memref<!tpu.dma_semaphore, #tpu.memory_space<semaphore_mem>>)
        %dma_start3A_396 = arith.constant 2 : i32
        %dma_start3A_397 = arith.constant 128 : i32
        %dma_start3A_398 = arith.constant 0 : i32
        %dma_start3A_399 = tpu.memref_slice %arg5[%dma_start3A_397, %dma_start3A_398] : memref<320x128xf32, #tpu.memory_space<vmem>> -> memref<64x128xf32, #tpu.memory_space<vmem>>
        %dma_start3A_400 = arith.constant 0 : i32
        %dma_start3A_401 = tpu.memref_slice %arg2[%dma_start3A_396, %add3A_369, %dma_start3A_400] : memref<5x16384x128xf32, #tpu.memory_space<hbm>> -> memref<1x64x128xf32, #tpu.memory_space<hbm>>
        %dma_start3A_402 = tpu.memref_squeeze %dma_start3A_401 : memref<1x64x128xf32, #tpu.memory_space<hbm>> -> memref<64x128xf32, #tpu.memory_space<hbm>>
        %dma_start3A_403 = arith.constant 128 : i32
        %dma_start3A_404 = arith.constant 0 : i32
        %dma_start3A_405 = tpu.memref_slice %arg5[%dma_start3A_403, %dma_start3A_404] : memref<320x128xf32, #tpu.memory_space<vmem>> -> memref<64x128xf32, #tpu.memory_space<vmem>>
        %dma_start3A_406 = arith.constant 0 : i32
        %dma_start3A_407 = tpu.memref_slice %arg2[%dma_start3A_396, %add3A_369, %dma_start3A_406] : memref<5x16384x128xf32, #tpu.memory_space<hbm>> -> memref<1x64x128xf32, #tpu.memory_space<hbm>>
        %dma_start3A_408 = tpu.memref_squeeze %dma_start3A_407 : memref<1x64x128xf32, #tpu.memory_space<hbm>> -> memref<64x128xf32, #tpu.memory_space<hbm>>
        tpu.enqueue_dma source(%dma_start3A_408 : memref<64x128xf32, #tpu.memory_space<hbm>>) target(%dma_start3A_405 : memref<64x128xf32, #tpu.memory_space<vmem>>) target_semaphore(%arg10 : memref<!tpu.dma_semaphore, #tpu.memory_space<semaphore_mem>>)
        %dma_start3A_409 = arith.constant 3 : i32
        %dma_start3A_410 = arith.constant 192 : i32
        %dma_start3A_411 = arith.constant 0 : i32
        %dma_start3A_412 = tpu.memref_slice %arg5[%dma_start3A_410, %dma_start3A_411] : memref<320x128xf32, #tpu.memory_space<vmem>> -> memref<64x128xf32, #tpu.memory_space<vmem>>
        %dma_start3A_413 = arith.constant 0 : i32
        %dma_start3A_414 = tpu.memref_slice %arg2[%dma_start3A_409, %add3A_369, %dma_start3A_413] : memref<5x16384x128xf32, #tpu.memory_space<hbm>> -> memref<1x64x128xf32, #tpu.memory_space<hbm>>
        %dma_start3A_415 = tpu.memref_squeeze %dma_start3A_414 : memref<1x64x128xf32, #tpu.memory_space<hbm>> -> memref<64x128xf32, #tpu.memory_space<hbm>>
        %dma_start3A_416 = arith.constant 192 : i32
        %dma_start3A_417 = arith.constant 0 : i32
        %dma_start3A_418 = tpu.memref_slice %arg5[%dma_start3A_416, %dma_start3A_417] : memref<320x128xf32, #tpu.memory_space<vmem>> -> memref<64x128xf32, #tpu.memory_space<vmem>>
        %dma_start3A_419 = arith.constant 0 : i32
        %dma_start3A_420 = tpu.memref_slice %arg2[%dma_start3A_409, %add3A_369, %dma_start3A_419] : memref<5x16384x128xf32, #tpu.memory_space<hbm>> -> memref<1x64x128xf32, #tpu.memory_space<hbm>>
        %dma_start3A_421 = tpu.memref_squeeze %dma_start3A_420 : memref<1x64x128xf32, #tpu.memory_space<hbm>> -> memref<64x128xf32, #tpu.memory_space<hbm>>
        tpu.enqueue_dma source(%dma_start3A_421 : memref<64x128xf32, #tpu.memory_space<hbm>>) target(%dma_start3A_418 : memref<64x128xf32, #tpu.memory_space<vmem>>) target_semaphore(%arg10 : memref<!tpu.dma_semaphore, #tpu.memory_space<semaphore_mem>>)
        %dma_start3A_422 = arith.constant 4 : i32
        %dma_start3A_423 = arith.constant 256 : i32
        %dma_start3A_424 = arith.constant 0 : i32
        %dma_start3A_425 = tpu.memref_slice %arg5[%dma_start3A_423, %dma_start3A_424] : memref<320x128xf32, #tpu.memory_space<vmem>> -> memref<64x128xf32, #tpu.memory_space<vmem>>
        %dma_start3A_426 = arith.constant 0 : i32
        %dma_start3A_427 = tpu.memref_slice %arg2[%dma_start3A_422, %add3A_369, %dma_start3A_426] : memref<5x16384x128xf32, #tpu.memory_space<hbm>> -> memref<1x64x128xf32, #tpu.memory_space<hbm>>
        %dma_start3A_428 = tpu.memref_squeeze %dma_start3A_427 : memref<1x64x128xf32, #tpu.memory_space<hbm>> -> memref<64x128xf32, #tpu.memory_space<hbm>>
        %dma_start3A_429 = arith.constant 256 : i32
        %dma_start3A_430 = arith.constant 0 : i32
        %dma_start3A_431 = tpu.memref_slice %arg5[%dma_start3A_429, %dma_start3A_430] : memref<320x128xf32, #tpu.memory_space<vmem>> -> memref<64x128xf32, #tpu.memory_space<vmem>>
        %dma_start3A_432 = arith.constant 0 : i32
        %dma_start3A_433 = tpu.memref_slice %arg2[%dma_start3A_422, %add3A_369, %dma_start3A_432] : memref<5x16384x128xf32, #tpu.memory_space<hbm>> -> memref<1x64x128xf32, #tpu.memory_space<hbm>>
        %dma_start3A_434 = tpu.memref_squeeze %dma_start3A_433 : memref<1x64x128xf32, #tpu.memory_space<hbm>> -> memref<64x128xf32, #tpu.memory_space<hbm>>
        tpu.enqueue_dma source(%dma_start3A_434 : memref<64x128xf32, #tpu.memory_space<hbm>>) target(%dma_start3A_431 : memref<64x128xf32, #tpu.memory_space<vmem>>) target_semaphore(%arg10 : memref<!tpu.dma_semaphore, #tpu.memory_space<semaphore_mem>>)
      } else {
      }
      %add3A_275 = arith.constant 1 : i32
      %add3A_276 = arith.addi %mul3A_187, %add3A_275 : i32
      %dma_wait3A_277 = arith.constant 0 : i32
      %dma_wait3A_278 = arith.constant 0 : i32
      %dma_wait3A_279 = arith.constant 0 : i32
      %dma_wait3A_280 = tpu.memref_slice %arg6[%dma_wait3A_278, %dma_wait3A_279] : memref<320x128xf32, #tpu.memory_space<vmem>> -> memref<64x128xf32, #tpu.memory_space<vmem>>
      %dma_wait3A_281 = arith.constant 0 : i32
      %dma_wait3A_282 = arith.constant 0 : i32
      %dma_wait3A_283 = tpu.memref_slice %arg2[%dma_wait3A_277, %dma_wait3A_281, %dma_wait3A_282] : memref<5x16384x128xf32, #tpu.memory_space<hbm>> -> memref<1x64x128xf32, #tpu.memory_space<hbm>>
      %dma_wait3A_284 = tpu.memref_squeeze %dma_wait3A_283 : memref<1x64x128xf32, #tpu.memory_space<hbm>> -> memref<64x128xf32, #tpu.memory_space<hbm>>
      %dma_wait3A_285 = arith.constant 0 : i32
      %dma_wait3A_286 = arith.constant 0 : i32
      %dma_wait3A_287 = tpu.memref_slice %arg6[%dma_wait3A_285, %dma_wait3A_286] : memref<320x128xf32, #tpu.memory_space<vmem>> -> memref<64x128xf32, #tpu.memory_space<vmem>>
      %dma_wait3A_288 = arith.constant 0 : i32
      %dma_wait3A_289 = arith.constant 0 : i32
      %dma_wait3A_290 = tpu.memref_slice %arg2[%dma_wait3A_277, %dma_wait3A_288, %dma_wait3A_289] : memref<5x16384x128xf32, #tpu.memory_space<hbm>> -> memref<1x64x128xf32, #tpu.memory_space<hbm>>
      %dma_wait3A_291 = tpu.memref_squeeze %dma_wait3A_290 : memref<1x64x128xf32, #tpu.memory_space<hbm>> -> memref<64x128xf32, #tpu.memory_space<hbm>>
      tpu.wait_dma2 semaphore(%arg11 : memref<!tpu.dma_semaphore, #tpu.memory_space<semaphore_mem>>) src(%dma_wait3A_291 : memref<64x128xf32, #tpu.memory_space<hbm>>) dst(%dma_wait3A_287 : memref<64x128xf32, #tpu.memory_space<vmem>>)
      %dma_wait3A_292 = arith.constant 0 : i32
      %dma_wait3A_293 = arith.constant 64 : i32
      %dma_wait3A_294 = arith.constant 0 : i32
      %dma_wait3A_295 = tpu.memref_slice %arg6[%dma_wait3A_293, %dma_wait3A_294] : memref<320x128xf32, #tpu.memory_space<vmem>> -> memref<64x128xf32, #tpu.memory_space<vmem>>
      %dma_wait3A_296 = arith.constant 0 : i32
      %dma_wait3A_297 = arith.constant 0 : i32
      %dma_wait3A_298 = tpu.memref_slice %arg2[%dma_wait3A_292, %dma_wait3A_296, %dma_wait3A_297] : memref<5x16384x128xf32, #tpu.memory_space<hbm>> -> memref<1x64x128xf32, #tpu.memory_space<hbm>>
      %dma_wait3A_299 = tpu.memref_squeeze %dma_wait3A_298 : memref<1x64x128xf32, #tpu.memory_space<hbm>> -> memref<64x128xf32, #tpu.memory_space<hbm>>
      %dma_wait3A_300 = arith.constant 64 : i32
      %dma_wait3A_301 = arith.constant 0 : i32
      %dma_wait3A_302 = tpu.memref_slice %arg6[%dma_wait3A_300, %dma_wait3A_301] : memref<320x128xf32, #tpu.memory_space<vmem>> -> memref<64x128xf32, #tpu.memory_space<vmem>>
      %dma_wait3A_303 = arith.constant 0 : i32
      %dma_wait3A_304 = arith.constant 0 : i32
      %dma_wait3A_305 = tpu.memref_slice %arg2[%dma_wait3A_292, %dma_wait3A_303, %dma_wait3A_304] : memref<5x16384x128xf32, #tpu.memory_space<hbm>> -> memref<1x64x128xf32, #tpu.memory_space<hbm>>
      %dma_wait3A_306 = tpu.memref_squeeze %dma_wait3A_305 : memref<1x64x128xf32, #tpu.memory_space<hbm>> -> memref<64x128xf32, #tpu.memory_space<hbm>>
      tpu.wait_dma2 semaphore(%arg11 : memref<!tpu.dma_semaphore, #tpu.memory_space<semaphore_mem>>) src(%dma_wait3A_306 : memref<64x128xf32, #tpu.memory_space<hbm>>) dst(%dma_wait3A_302 : memref<64x128xf32, #tpu.memory_space<vmem>>)
      %dma_wait3A_307 = arith.constant 0 : i32
      %dma_wait3A_308 = arith.constant 128 : i32
      %dma_wait3A_309 = arith.constant 0 : i32
      %dma_wait3A_310 = tpu.memref_slice %arg6[%dma_wait3A_308, %dma_wait3A_309] : memref<320x128xf32, #tpu.memory_space<vmem>> -> memref<64x128xf32, #tpu.memory_space<vmem>>
      %dma_wait3A_311 = arith.constant 0 : i32
      %dma_wait3A_312 = arith.constant 0 : i32
      %dma_wait3A_313 = tpu.memref_slice %arg2[%dma_wait3A_307, %dma_wait3A_311, %dma_wait3A_312] : memref<5x16384x128xf32, #tpu.memory_space<hbm>> -> memref<1x64x128xf32, #tpu.memory_space<hbm>>
      %dma_wait3A_314 = tpu.memref_squeeze %dma_wait3A_313 : memref<1x64x128xf32, #tpu.memory_space<hbm>> -> memref<64x128xf32, #tpu.memory_space<hbm>>
      %dma_wait3A_315 = arith.constant 128 : i32
      %dma_wait3A_316 = arith.constant 0 : i32
      %dma_wait3A_317 = tpu.memref_slice %arg6[%dma_wait3A_315, %dma_wait3A_316] : memref<320x128xf32, #tpu.memory_space<vmem>> -> memref<64x128xf32, #tpu.memory_space<vmem>>
      %dma_wait3A_318 = arith.constant 0 : i32
      %dma_wait3A_319 = arith.constant 0 : i32
      %dma_wait3A_320 = tpu.memref_slice %arg2[%dma_wait3A_307, %dma_wait3A_318, %dma_wait3A_319] : memref<5x16384x128xf32, #tpu.memory_space<hbm>> -> memref<1x64x128xf32, #tpu.memory_space<hbm>>
      %dma_wait3A_321 = tpu.memref_squeeze %dma_wait3A_320 : memref<1x64x128xf32, #tpu.memory_space<hbm>> -> memref<64x128xf32, #tpu.memory_space<hbm>>
      tpu.wait_dma2 semaphore(%arg11 : memref<!tpu.dma_semaphore, #tpu.memory_space<semaphore_mem>>) src(%dma_wait3A_321 : memref<64x128xf32, #tpu.memory_space<hbm>>) dst(%dma_wait3A_317 : memref<64x128xf32, #tpu.memory_space<vmem>>)
      %dma_wait3A_322 = arith.constant 0 : i32
      %dma_wait3A_323 = arith.constant 192 : i32
      %dma_wait3A_324 = arith.constant 0 : i32
      %dma_wait3A_325 = tpu.memref_slice %arg6[%dma_wait3A_323, %dma_wait3A_324] : memref<320x128xf32, #tpu.memory_space<vmem>> -> memref<64x128xf32, #tpu.memory_space<vmem>>
      %dma_wait3A_326 = arith.constant 0 : i32
      %dma_wait3A_327 = arith.constant 0 : i32
      %dma_wait3A_328 = tpu.memref_slice %arg2[%dma_wait3A_322, %dma_wait3A_326, %dma_wait3A_327] : memref<5x16384x128xf32, #tpu.memory_space<hbm>> -> memref<1x64x128xf32, #tpu.memory_space<hbm>>
      %dma_wait3A_329 = tpu.memref_squeeze %dma_wait3A_328 : memref<1x64x128xf32, #tpu.memory_space<hbm>> -> memref<64x128xf32, #tpu.memory_space<hbm>>
      %dma_wait3A_330 = arith.constant 192 : i32
      %dma_wait3A_331 = arith.constant 0 : i32
      %dma_wait3A_332 = tpu.memref_slice %arg6[%dma_wait3A_330, %dma_wait3A_331] : memref<320x128xf32, #tpu.memory_space<vmem>> -> memref<64x128xf32, #tpu.memory_space<vmem>>
      %dma_wait3A_333 = arith.constant 0 : i32
      %dma_wait3A_334 = arith.constant 0 : i32
      %dma_wait3A_335 = tpu.memref_slice %arg2[%dma_wait3A_322, %dma_wait3A_333, %dma_wait3A_334] : memref<5x16384x128xf32, #tpu.memory_space<hbm>> -> memref<1x64x128xf32, #tpu.memory_space<hbm>>
      %dma_wait3A_336 = tpu.memref_squeeze %dma_wait3A_335 : memref<1x64x128xf32, #tpu.memory_space<hbm>> -> memref<64x128xf32, #tpu.memory_space<hbm>>
      tpu.wait_dma2 semaphore(%arg11 : memref<!tpu.dma_semaphore, #tpu.memory_space<semaphore_mem>>) src(%dma_wait3A_336 : memref<64x128xf32, #tpu.memory_space<hbm>>) dst(%dma_wait3A_332 : memref<64x128xf32, #tpu.memory_space<vmem>>)
      %dma_wait3A_337 = arith.constant 0 : i32
      %dma_wait3A_338 = arith.constant 256 : i32
      %dma_wait3A_339 = arith.constant 0 : i32
      %dma_wait3A_340 = tpu.memref_slice %arg6[%dma_wait3A_338, %dma_wait3A_339] : memref<320x128xf32, #tpu.memory_space<vmem>> -> memref<64x128xf32, #tpu.memory_space<vmem>>
      %dma_wait3A_341 = arith.constant 0 : i32
      %dma_wait3A_342 = arith.constant 0 : i32
      %dma_wait3A_343 = tpu.memref_slice %arg2[%dma_wait3A_337, %dma_wait3A_341, %dma_wait3A_342] : memref<5x16384x128xf32, #tpu.memory_space<hbm>> -> memref<1x64x128xf32, #tpu.memory_space<hbm>>
      %dma_wait3A_344 = tpu.memref_squeeze %dma_wait3A_343 : memref<1x64x128xf32, #tpu.memory_space<hbm>> -> memref<64x128xf32, #tpu.memory_space<hbm>>
      %dma_wait3A_345 = arith.constant 256 : i32
      %dma_wait3A_346 = arith.constant 0 : i32
      %dma_wait3A_347 = tpu.memref_slice %arg6[%dma_wait3A_345, %dma_wait3A_346] : memref<320x128xf32, #tpu.memory_space<vmem>> -> memref<64x128xf32, #tpu.memory_space<vmem>>
      %dma_wait3A_348 = arith.constant 0 : i32
      %dma_wait3A_349 = arith.constant 0 : i32
      %dma_wait3A_350 = tpu.memref_slice %arg2[%dma_wait3A_337, %dma_wait3A_348, %dma_wait3A_349] : memref<5x16384x128xf32, #tpu.memory_space<hbm>> -> memref<1x64x128xf32, #tpu.memory_space<hbm>>
      %dma_wait3A_351 = tpu.memref_squeeze %dma_wait3A_350 : memref<1x64x128xf32, #tpu.memory_space<hbm>> -> memref<64x128xf32, #tpu.memory_space<hbm>>
      tpu.wait_dma2 semaphore(%arg11 : memref<!tpu.dma_semaphore, #tpu.memory_space<semaphore_mem>>) src(%dma_wait3A_351 : memref<64x128xf32, #tpu.memory_space<hbm>>) dst(%dma_wait3A_347 : memref<64x128xf32, #tpu.memory_space<vmem>>)
      %scan3A_352 = arith.constant 0 : i32
      %scan3A_353 = arith.constant 0 : i32
      %scan3A_354 = arith.constant 4 : i32
      %scan3A_355 = arith.addi %scan3A_353, %scan3A_354 : i32
      %scan3A_356 = arith.constant 1 : i32
      %scan3A_357 = scf.for %scan3A_367 = %scan3A_353 to %scan3A_355 step %scan3A_356 iter_args(%scan3A_368 = %scan3A_352) -> (i32)  : i32 {
        %parallel_loop3A = arith.constant 0 : i32
        %parallel_loop3A_369 = arith.constant 16 : i32
        %parallel_loop3A_370 = arith.constant 1 : i32
        scf.for %parallel_loop3A_456 = %parallel_loop3A to %parallel_loop3A_369 step %parallel_loop3A_370  : i32 {
          %parallel_loop3A_457 = arith.constant 16 : i32
          %parallel_loop3A_458 = arith.muli %scan3A_367, %parallel_loop3A_457 : i32
          %parallel_loop3A_459 = arith.addi %parallel_loop3A_458, %parallel_loop3A_456 : i32
          %parallel_loop3A_460 = arith.constant 0 : i32
          %parallel_loop3A_461 = arith.addi %parallel_loop3A_460, %parallel_loop3A_459 : i32
          %parallel_loop3A_462 = arith.index_cast %parallel_loop3A_461 : i32 to index
          %parallel_loop3A_463 = arith.constant 0 : index
          %parallel_loop3A_464 = tpu.vector_load %arg6[%parallel_loop3A_462, %parallel_loop3A_463] {strides = array<i32>} : memref<320x128xf32, #tpu.memory_space<vmem>>, vector<16xf32>,
          %parallel_loop3A_465 = arith.constant 64 : i32
          %parallel_loop3A_466 = arith.addi %parallel_loop3A_465, %parallel_loop3A_459 : i32
          %parallel_loop3A_467 = arith.index_cast %parallel_loop3A_466 : i32 to index
          %parallel_loop3A_468 = arith.constant 0 : index
          %parallel_loop3A_469 = tpu.vector_load %arg6[%parallel_loop3A_467, %parallel_loop3A_468] {strides = array<i32>} : memref<320x128xf32, #tpu.memory_space<vmem>>, vector<16xf32>,
          %parallel_loop3A_470 = arith.constant 128 : i32
          %parallel_loop3A_471 = arith.addi %parallel_loop3A_470, %parallel_loop3A_459 : i32
          %parallel_loop3A_472 = arith.index_cast %parallel_loop3A_471 : i32 to index
          %parallel_loop3A_473 = arith.constant 0 : index
          %parallel_loop3A_474 = tpu.vector_load %arg6[%parallel_loop3A_472, %parallel_loop3A_473] {strides = array<i32>} : memref<320x128xf32, #tpu.memory_space<vmem>>, vector<16xf32>,
          %parallel_loop3A_475 = arith.constant 192 : i32
          %parallel_loop3A_476 = arith.addi %parallel_loop3A_475, %parallel_loop3A_459 : i32
          %parallel_loop3A_477 = arith.index_cast %parallel_loop3A_476 : i32 to index
          %parallel_loop3A_478 = arith.constant 0 : index
          %parallel_loop3A_479 = tpu.vector_load %arg6[%parallel_loop3A_477, %parallel_loop3A_478] {strides = array<i32>} : memref<320x128xf32, #tpu.memory_space<vmem>>, vector<16xf32>,
          %parallel_loop3A_480 = arith.constant 256 : i32
          %parallel_loop3A_481 = arith.addi %parallel_loop3A_480, %parallel_loop3A_459 : i32
          %parallel_loop3A_482 = arith.index_cast %parallel_loop3A_481 : i32 to index
          %parallel_loop3A_483 = arith.constant 0 : index
          %parallel_loop3A_484 = tpu.vector_load %arg6[%parallel_loop3A_482, %parallel_loop3A_483] {strides = array<i32>} : memref<320x128xf32, #tpu.memory_space<vmem>>, vector<16xf32>,
          %parallel_loop3A_485 = arith.mulf %parallel_loop3A_464, %parallel_loop3A_469 : vector<16xf32>
          %parallel_loop3A_486 = arith.mulf %parallel_loop3A_464, %parallel_loop3A_474 : vector<16xf32>
          %parallel_loop3A_487 = arith.mulf %parallel_loop3A_464, %parallel_loop3A_479 : vector<16xf32>
          %parallel_loop3A_488 = arith.mulf %parallel_loop3A_469, %parallel_loop3A_474 : vector<16xf32>
          %parallel_loop3A_489 = arith.mulf %parallel_loop3A_469, %parallel_loop3A_479 : vector<16xf32>
          %parallel_loop3A_490 = arith.mulf %parallel_loop3A_474, %parallel_loop3A_479 : vector<16xf32>
          %parallel_loop3A_491 = arith.mulf %get3A_5, %parallel_loop3A_485 : vector<16xf32>
          %parallel_loop3A_492 = arith.mulf %parallel_loop3A_474, %parallel_loop3A_491 : vector<16xf32>
          %parallel_loop3A_493 = arith.mulf %get3A_9, %parallel_loop3A_485 : vector<16xf32>
          %parallel_loop3A_494 = arith.mulf %get3A_17, %parallel_loop3A_486 : vector<16xf32>
          %parallel_loop3A_495 = arith.addf %parallel_loop3A_493, %parallel_loop3A_494 : vector<16xf32>
          %parallel_loop3A_496 = arith.mulf %get3A_29, %parallel_loop3A_488 : vector<16xf32>
          %parallel_loop3A_497 = arith.addf %parallel_loop3A_495, %parallel_loop3A_496 : vector<16xf32>
          %parallel_loop3A_498 = arith.mulf %parallel_loop3A_479, %parallel_loop3A_497 : vector<16xf32>
          %parallel_loop3A_499 = arith.addf %parallel_loop3A_492, %parallel_loop3A_498 : vector<16xf32>
          %parallel_loop3A_500 = arith.mulf %get3A_13, %parallel_loop3A_485 : vector<16xf32>
          %parallel_loop3A_501 = arith.mulf %get3A_21, %parallel_loop3A_486 : vector<16xf32>
          %parallel_loop3A_502 = arith.addf %parallel_loop3A_500, %parallel_loop3A_501 : vector<16xf32>
          %parallel_loop3A_503 = arith.mulf %get3A_25, %parallel_loop3A_487 : vector<16xf32>
          %parallel_loop3A_504 = arith.addf %parallel_loop3A_502, %parallel_loop3A_503 : vector<16xf32>
          %parallel_loop3A_505 = arith.mulf %get3A_33, %parallel_loop3A_488 : vector<16xf32>
          %parallel_loop3A_506 = arith.addf %parallel_loop3A_504, %parallel_loop3A_505 : vector<16xf32>
          %parallel_loop3A_507 = arith.mulf %get3A_37, %parallel_loop3A_489 : vector<16xf32>
          %parallel_loop3A_508 = arith.addf %parallel_loop3A_506, %parallel_loop3A_507 : vector<16xf32>
          %parallel_loop3A_509 = arith.mulf %get3A_41, %parallel_loop3A_490 : vector<16xf32>
          %parallel_loop3A_510 = arith.addf %parallel_loop3A_508, %parallel_loop3A_509 : vector<16xf32>
          %parallel_loop3A_511 = arith.mulf %parallel_loop3A_484, %parallel_loop3A_510 : vector<16xf32>
          %parallel_loop3A_512 = arith.addf %parallel_loop3A_499, %parallel_loop3A_511 : vector<16xf32>
          %parallel_loop3A_513 = arith.constant 0 : i32
          %parallel_loop3A_514 = arith.addi %parallel_loop3A_513, %parallel_loop3A_459 : i32
          %parallel_loop3A_515 = arith.index_cast %parallel_loop3A_514 : i32 to index
          %parallel_loop3A_516 = arith.constant 16 : index
          %parallel_loop3A_517 = tpu.vector_load %arg6[%parallel_loop3A_515, %parallel_loop3A_516] {strides = array<i32>} : memref<320x128xf32, #tpu.memory_space<vmem>>, vector<16xf32>,
          %parallel_loop3A_518 = arith.constant 64 : i32
          %parallel_loop3A_519 = arith.addi %parallel_loop3A_518, %parallel_loop3A_459 : i32
          %parallel_loop3A_520 = arith.index_cast %parallel_loop3A_519 : i32 to index
          %parallel_loop3A_521 = arith.constant 16 : index
          %parallel_loop3A_522 = tpu.vector_load %arg6[%parallel_loop3A_520, %parallel_loop3A_521] {strides = array<i32>} : memref<320x128xf32, #tpu.memory_space<vmem>>, vector<16xf32>,
          %parallel_loop3A_523 = arith.constant 128 : i32
          %parallel_loop3A_524 = arith.addi %parallel_loop3A_523, %parallel_loop3A_459 : i32
          %parallel_loop3A_525 = arith.index_cast %parallel_loop3A_524 : i32 to index
          %parallel_loop3A_526 = arith.constant 16 : index
          %parallel_loop3A_527 = tpu.vector_load %arg6[%parallel_loop3A_525, %parallel_loop3A_526] {strides = array<i32>} : memref<320x128xf32, #tpu.memory_space<vmem>>, vector<16xf32>,
          %parallel_loop3A_528 = arith.constant 192 : i32
          %parallel_loop3A_529 = arith.addi %parallel_loop3A_528, %parallel_loop3A_459 : i32
          %parallel_loop3A_530 = arith.index_cast %parallel_loop3A_529 : i32 to index
          %parallel_loop3A_531 = arith.constant 16 : index
          %parallel_loop3A_532 = tpu.vector_load %arg6[%parallel_loop3A_530, %parallel_loop3A_531] {strides = array<i32>} : memref<320x128xf32, #tpu.memory_space<vmem>>, vector<16xf32>,
          %parallel_loop3A_533 = arith.constant 256 : i32
          %parallel_loop3A_534 = arith.addi %parallel_loop3A_533, %parallel_loop3A_459 : i32
          %parallel_loop3A_535 = arith.index_cast %parallel_loop3A_534 : i32 to index
          %parallel_loop3A_536 = arith.constant 16 : index
          %parallel_loop3A_537 = tpu.vector_load %arg6[%parallel_loop3A_535, %parallel_loop3A_536] {strides = array<i32>} : memref<320x128xf32, #tpu.memory_space<vmem>>, vector<16xf32>,
          %parallel_loop3A_538 = arith.mulf %parallel_loop3A_517, %parallel_loop3A_522 : vector<16xf32>
          %parallel_loop3A_539 = arith.mulf %parallel_loop3A_517, %parallel_loop3A_527 : vector<16xf32>
          %parallel_loop3A_540 = arith.mulf %parallel_loop3A_517, %parallel_loop3A_532 : vector<16xf32>
          %parallel_loop3A_541 = arith.mulf %parallel_loop3A_522, %parallel_loop3A_527 : vector<16xf32>
          %parallel_loop3A_542 = arith.mulf %parallel_loop3A_522, %parallel_loop3A_532 : vector<16xf32>
          %parallel_loop3A_543 = arith.mulf %parallel_loop3A_527, %parallel_loop3A_532 : vector<16xf32>
          %parallel_loop3A_544 = arith.mulf %get3A_5, %parallel_loop3A_538 : vector<16xf32>
          %parallel_loop3A_545 = arith.mulf %parallel_loop3A_527, %parallel_loop3A_544 : vector<16xf32>
          %parallel_loop3A_546 = arith.addf %parallel_loop3A_512, %parallel_loop3A_545 : vector<16xf32>
          %parallel_loop3A_547 = arith.mulf %get3A_9, %parallel_loop3A_538 : vector<16xf32>
          %parallel_loop3A_548 = arith.mulf %get3A_17, %parallel_loop3A_539 : vector<16xf32>
          %parallel_loop3A_549 = arith.addf %parallel_loop3A_547, %parallel_loop3A_548 : vector<16xf32>
          %parallel_loop3A_550 = arith.mulf %get3A_29, %parallel_loop3A_541 : vector<16xf32>
          %parallel_loop3A_551 = arith.addf %parallel_loop3A_549, %parallel_loop3A_550 : vector<16xf32>
          %parallel_loop3A_552 = arith.mulf %parallel_loop3A_532, %parallel_loop3A_551 : vector<16xf32>
          %parallel_loop3A_553 = arith.addf %parallel_loop3A_546, %parallel_loop3A_552 : vector<16xf32>
          %parallel_loop3A_554 = arith.mulf %get3A_13, %parallel_loop3A_538 : vector<16xf32>
          %parallel_loop3A_555 = arith.mulf %get3A_21, %parallel_loop3A_539 : vector<16xf32>
          %parallel_loop3A_556 = arith.addf %parallel_loop3A_554, %parallel_loop3A_555 : vector<16xf32>
          %parallel_loop3A_557 = arith.mulf %get3A_25, %parallel_loop3A_540 : vector<16xf32>
          %parallel_loop3A_558 = arith.addf %parallel_loop3A_556, %parallel_loop3A_557 : vector<16xf32>
          %parallel_loop3A_559 = arith.mulf %get3A_33, %parallel_loop3A_541 : vector<16xf32>
          %parallel_loop3A_560 = arith.addf %parallel_loop3A_558, %parallel_loop3A_559 : vector<16xf32>
          %parallel_loop3A_561 = arith.mulf %get3A_37, %parallel_loop3A_542 : vector<16xf32>
          %parallel_loop3A_562 = arith.addf %parallel_loop3A_560, %parallel_loop3A_561 : vector<16xf32>
          %parallel_loop3A_563 = arith.mulf %get3A_41, %parallel_loop3A_543 : vector<16xf32>
          %parallel_loop3A_564 = arith.addf %parallel_loop3A_562, %parallel_loop3A_563 : vector<16xf32>
          %parallel_loop3A_565 = arith.mulf %parallel_loop3A_537, %parallel_loop3A_564 : vector<16xf32>
          %parallel_loop3A_566 = arith.addf %parallel_loop3A_553, %parallel_loop3A_565 : vector<16xf32>
          %parallel_loop3A_567 = arith.constant 0 : i32
          %parallel_loop3A_568 = arith.addi %parallel_loop3A_567, %parallel_loop3A_459 : i32
          %parallel_loop3A_569 = arith.index_cast %parallel_loop3A_568 : i32 to index
          %parallel_loop3A_570 = arith.constant 32 : index
          %parallel_loop3A_571 = tpu.vector_load %arg6[%parallel_loop3A_569, %parallel_loop3A_570] {strides = array<i32>} : memref<320x128xf32, #tpu.memory_space<vmem>>, vector<16xf32>,
          %parallel_loop3A_572 = arith.constant 64 : i32
          %parallel_loop3A_573 = arith.addi %parallel_loop3A_572, %parallel_loop3A_459 : i32
          %parallel_loop3A_574 = arith.index_cast %parallel_loop3A_573 : i32 to index
          %parallel_loop3A_575 = arith.constant 32 : index
          %parallel_loop3A_576 = tpu.vector_load %arg6[%parallel_loop3A_574, %parallel_loop3A_575] {strides = array<i32>} : memref<320x128xf32, #tpu.memory_space<vmem>>, vector<16xf32>,
          %parallel_loop3A_577 = arith.constant 128 : i32
          %parallel_loop3A_578 = arith.addi %parallel_loop3A_577, %parallel_loop3A_459 : i32
          %parallel_loop3A_579 = arith.index_cast %parallel_loop3A_578 : i32 to index
          %parallel_loop3A_580 = arith.constant 32 : index
          %parallel_loop3A_581 = tpu.vector_load %arg6[%parallel_loop3A_579, %parallel_loop3A_580] {strides = array<i32>} : memref<320x128xf32, #tpu.memory_space<vmem>>, vector<16xf32>,
          %parallel_loop3A_582 = arith.constant 192 : i32
          %parallel_loop3A_583 = arith.addi %parallel_loop3A_582, %parallel_loop3A_459 : i32
          %parallel_loop3A_584 = arith.index_cast %parallel_loop3A_583 : i32 to index
          %parallel_loop3A_585 = arith.constant 32 : index
          %parallel_loop3A_586 = tpu.vector_load %arg6[%parallel_loop3A_584, %parallel_loop3A_585] {strides = array<i32>} : memref<320x128xf32, #tpu.memory_space<vmem>>, vector<16xf32>,
          %parallel_loop3A_587 = arith.constant 256 : i32
          %parallel_loop3A_588 = arith.addi %parallel_loop3A_587, %parallel_loop3A_459 : i32
          %parallel_loop3A_589 = arith.index_cast %parallel_loop3A_588 : i32 to index
          %parallel_loop3A_590 = arith.constant 32 : index
          %parallel_loop3A_591 = tpu.vector_load %arg6[%parallel_loop3A_589, %parallel_loop3A_590] {strides = array<i32>} : memref<320x128xf32, #tpu.memory_space<vmem>>, vector<16xf32>,
          %parallel_loop3A_592 = arith.mulf %parallel_loop3A_571, %parallel_loop3A_576 : vector<16xf32>
          %parallel_loop3A_593 = arith.mulf %parallel_loop3A_571, %parallel_loop3A_581 : vector<16xf32>
          %parallel_loop3A_594 = arith.mulf %parallel_loop3A_571, %parallel_loop3A_586 : vector<16xf32>
          %parallel_loop3A_595 = arith.mulf %parallel_loop3A_576, %parallel_loop3A_581 : vector<16xf32>
          %parallel_loop3A_596 = arith.mulf %parallel_loop3A_576, %parallel_loop3A_586 : vector<16xf32>
          %parallel_loop3A_597 = arith.mulf %parallel_loop3A_581, %parallel_loop3A_586 : vector<16xf32>
          %parallel_loop3A_598 = arith.mulf %get3A_5, %parallel_loop3A_592 : vector<16xf32>
          %parallel_loop3A_599 = arith.mulf %parallel_loop3A_581, %parallel_loop3A_598 : vector<16xf32>
          %parallel_loop3A_600 = arith.addf %parallel_loop3A_566, %parallel_loop3A_599 : vector<16xf32>
          %parallel_loop3A_601 = arith.mulf %get3A_9, %parallel_loop3A_592 : vector<16xf32>
          %parallel_loop3A_602 = arith.mulf %get3A_17, %parallel_loop3A_593 : vector<16xf32>
          %parallel_loop3A_603 = arith.addf %parallel_loop3A_601, %parallel_loop3A_602 : vector<16xf32>
          %parallel_loop3A_604 = arith.mulf %get3A_29, %parallel_loop3A_595 : vector<16xf32>
          %parallel_loop3A_605 = arith.addf %parallel_loop3A_603, %parallel_loop3A_604 : vector<16xf32>
          %parallel_loop3A_606 = arith.mulf %parallel_loop3A_586, %parallel_loop3A_605 : vector<16xf32>
          %parallel_loop3A_607 = arith.addf %parallel_loop3A_600, %parallel_loop3A_606 : vector<16xf32>
          %parallel_loop3A_608 = arith.mulf %get3A_13, %parallel_loop3A_592 : vector<16xf32>
          %parallel_loop3A_609 = arith.mulf %get3A_21, %parallel_loop3A_593 : vector<16xf32>
          %parallel_loop3A_610 = arith.addf %parallel_loop3A_608, %parallel_loop3A_609 : vector<16xf32>
          %parallel_loop3A_611 = arith.mulf %get3A_25, %parallel_loop3A_594 : vector<16xf32>
          %parallel_loop3A_612 = arith.addf %parallel_loop3A_610, %parallel_loop3A_611 : vector<16xf32>
          %parallel_loop3A_613 = arith.mulf %get3A_33, %parallel_loop3A_595 : vector<16xf32>
          %parallel_loop3A_614 = arith.addf %parallel_loop3A_612, %parallel_loop3A_613 : vector<16xf32>
          %parallel_loop3A_615 = arith.mulf %get3A_37, %parallel_loop3A_596 : vector<16xf32>
          %parallel_loop3A_616 = arith.addf %parallel_loop3A_614, %parallel_loop3A_615 : vector<16xf32>
          %parallel_loop3A_617 = arith.mulf %get3A_41, %parallel_loop3A_597 : vector<16xf32>
          %parallel_loop3A_618 = arith.addf %parallel_loop3A_616, %parallel_loop3A_617 : vector<16xf32>
          %parallel_loop3A_619 = arith.mulf %parallel_loop3A_591, %parallel_loop3A_618 : vector<16xf32>
          %parallel_loop3A_620 = arith.addf %parallel_loop3A_607, %parallel_loop3A_619 : vector<16xf32>
          %parallel_loop3A_621 = arith.constant 0 : i32
          %parallel_loop3A_622 = arith.addi %parallel_loop3A_621, %parallel_loop3A_459 : i32
          %parallel_loop3A_623 = arith.index_cast %parallel_loop3A_622 : i32 to index
          %parallel_loop3A_624 = arith.constant 48 : index
          %parallel_loop3A_625 = tpu.vector_load %arg6[%parallel_loop3A_623, %parallel_loop3A_624] {strides = array<i32>} : memref<320x128xf32, #tpu.memory_space<vmem>>, vector<16xf32>,
          %parallel_loop3A_626 = arith.constant 64 : i32
          %parallel_loop3A_627 = arith.addi %parallel_loop3A_626, %parallel_loop3A_459 : i32
          %parallel_loop3A_628 = arith.index_cast %parallel_loop3A_627 : i32 to index
          %parallel_loop3A_629 = arith.constant 48 : index
          %parallel_loop3A_630 = tpu.vector_load %arg6[%parallel_loop3A_628, %parallel_loop3A_629] {strides = array<i32>} : memref<320x128xf32, #tpu.memory_space<vmem>>, vector<16xf32>,
          %parallel_loop3A_631 = arith.constant 128 : i32
          %parallel_loop3A_632 = arith.addi %parallel_loop3A_631, %parallel_loop3A_459 : i32
          %parallel_loop3A_633 = arith.index_cast %parallel_loop3A_632 : i32 to index
          %parallel_loop3A_634 = arith.constant 48 : index
          %parallel_loop3A_635 = tpu.vector_load %arg6[%parallel_loop3A_633, %parallel_loop3A_634] {strides = array<i32>} : memref<320x128xf32, #tpu.memory_space<vmem>>, vector<16xf32>,
          %parallel_loop3A_636 = arith.constant 192 : i32
          %parallel_loop3A_637 = arith.addi %parallel_loop3A_636, %parallel_loop3A_459 : i32
          %parallel_loop3A_638 = arith.index_cast %parallel_loop3A_637 : i32 to index
          %parallel_loop3A_639 = arith.constant 48 : index
          %parallel_loop3A_640 = tpu.vector_load %arg6[%parallel_loop3A_638, %parallel_loop3A_639] {strides = array<i32>} : memref<320x128xf32, #tpu.memory_space<vmem>>, vector<16xf32>,
          %parallel_loop3A_641 = arith.constant 256 : i32
          %parallel_loop3A_642 = arith.addi %parallel_loop3A_641, %parallel_loop3A_459 : i32
          %parallel_loop3A_643 = arith.index_cast %parallel_loop3A_642 : i32 to index
          %parallel_loop3A_644 = arith.constant 48 : index
          %parallel_loop3A_645 = tpu.vector_load %arg6[%parallel_loop3A_643, %parallel_loop3A_644] {strides = array<i32>} : memref<320x128xf32, #tpu.memory_space<vmem>>, vector<16xf32>,
          %parallel_loop3A_646 = arith.mulf %parallel_loop3A_625, %parallel_loop3A_630 : vector<16xf32>
          %parallel_loop3A_647 = arith.mulf %parallel_loop3A_625, %parallel_loop3A_635 : vector<16xf32>
          %parallel_loop3A_648 = arith.mulf %parallel_loop3A_625, %parallel_loop3A_640 : vector<16xf32>
          %parallel_loop3A_649 = arith.mulf %parallel_loop3A_630, %parallel_loop3A_635 : vector<16xf32>
          %parallel_loop3A_650 = arith.mulf %parallel_loop3A_630, %parallel_loop3A_640 : vector<16xf32>
          %parallel_loop3A_651 = arith.mulf %parallel_loop3A_635, %parallel_loop3A_640 : vector<16xf32>
          %parallel_loop3A_652 = arith.mulf %get3A_5, %parallel_loop3A_646 : vector<16xf32>
          %parallel_loop3A_653 = arith.mulf %parallel_loop3A_635, %parallel_loop3A_652 : vector<16xf32>
          %parallel_loop3A_654 = arith.addf %parallel_loop3A_620, %parallel_loop3A_653 : vector<16xf32>
          %parallel_loop3A_655 = arith.mulf %get3A_9, %parallel_loop3A_646 : vector<16xf32>
          %parallel_loop3A_656 = arith.mulf %get3A_17, %parallel_loop3A_647 : vector<16xf32>
          %parallel_loop3A_657 = arith.addf %parallel_loop3A_655, %parallel_loop3A_656 : vector<16xf32>
          %parallel_loop3A_658 = arith.mulf %get3A_29, %parallel_loop3A_649 : vector<16xf32>
          %parallel_loop3A_659 = arith.addf %parallel_loop3A_657, %parallel_loop3A_658 : vector<16xf32>
          %parallel_loop3A_660 = arith.mulf %parallel_loop3A_640, %parallel_loop3A_659 : vector<16xf32>
          %parallel_loop3A_661 = arith.addf %parallel_loop3A_654, %parallel_loop3A_660 : vector<16xf32>
          %parallel_loop3A_662 = arith.mulf %get3A_13, %parallel_loop3A_646 : vector<16xf32>
          %parallel_loop3A_663 = arith.mulf %get3A_21, %parallel_loop3A_647 : vector<16xf32>
          %parallel_loop3A_664 = arith.addf %parallel_loop3A_662, %parallel_loop3A_663 : vector<16xf32>
          %parallel_loop3A_665 = arith.mulf %get3A_25, %parallel_loop3A_648 : vector<16xf32>
          %parallel_loop3A_666 = arith.addf %parallel_loop3A_664, %parallel_loop3A_665 : vector<16xf32>
          %parallel_loop3A_667 = arith.mulf %get3A_33, %parallel_loop3A_649 : vector<16xf32>
          %parallel_loop3A_668 = arith.addf %parallel_loop3A_666, %parallel_loop3A_667 : vector<16xf32>
          %parallel_loop3A_669 = arith.mulf %get3A_37, %parallel_loop3A_650 : vector<16xf32>
          %parallel_loop3A_670 = arith.addf %parallel_loop3A_668, %parallel_loop3A_669 : vector<16xf32>
          %parallel_loop3A_671 = arith.mulf %get3A_41, %parallel_loop3A_651 : vector<16xf32>
          %parallel_loop3A_672 = arith.addf %parallel_loop3A_670, %parallel_loop3A_671 : vector<16xf32>
          %parallel_loop3A_673 = arith.mulf %parallel_loop3A_645, %parallel_loop3A_672 : vector<16xf32>
          %parallel_loop3A_674 = arith.addf %parallel_loop3A_661, %parallel_loop3A_673 : vector<16xf32>
          %parallel_loop3A_675 = arith.constant 0 : i32
          %parallel_loop3A_676 = arith.addi %parallel_loop3A_675, %parallel_loop3A_459 : i32
          %parallel_loop3A_677 = arith.index_cast %parallel_loop3A_676 : i32 to index
          %parallel_loop3A_678 = arith.constant 64 : index
          %parallel_loop3A_679 = tpu.vector_load %arg6[%parallel_loop3A_677, %parallel_loop3A_678] {strides = array<i32>} : memref<320x128xf32, #tpu.memory_space<vmem>>, vector<16xf32>,
          %parallel_loop3A_680 = arith.constant 64 : i32
          %parallel_loop3A_681 = arith.addi %parallel_loop3A_680, %parallel_loop3A_459 : i32
          %parallel_loop3A_682 = arith.index_cast %parallel_loop3A_681 : i32 to index
          %parallel_loop3A_683 = arith.constant 64 : index
          %parallel_loop3A_684 = tpu.vector_load %arg6[%parallel_loop3A_682, %parallel_loop3A_683] {strides = array<i32>} : memref<320x128xf32, #tpu.memory_space<vmem>>, vector<16xf32>,
          %parallel_loop3A_685 = arith.constant 128 : i32
          %parallel_loop3A_686 = arith.addi %parallel_loop3A_685, %parallel_loop3A_459 : i32
          %parallel_loop3A_687 = arith.index_cast %parallel_loop3A_686 : i32 to index
          %parallel_loop3A_688 = arith.constant 64 : index
          %parallel_loop3A_689 = tpu.vector_load %arg6[%parallel_loop3A_687, %parallel_loop3A_688] {strides = array<i32>} : memref<320x128xf32, #tpu.memory_space<vmem>>, vector<16xf32>,
          %parallel_loop3A_690 = arith.constant 192 : i32
          %parallel_loop3A_691 = arith.addi %parallel_loop3A_690, %parallel_loop3A_459 : i32
          %parallel_loop3A_692 = arith.index_cast %parallel_loop3A_691 : i32 to index
          %parallel_loop3A_693 = arith.constant 64 : index
          %parallel_loop3A_694 = tpu.vector_load %arg6[%parallel_loop3A_692, %parallel_loop3A_693] {strides = array<i32>} : memref<320x128xf32, #tpu.memory_space<vmem>>, vector<16xf32>,
          %parallel_loop3A_695 = arith.constant 256 : i32
          %parallel_loop3A_696 = arith.addi %parallel_loop3A_695, %parallel_loop3A_459 : i32
          %parallel_loop3A_697 = arith.index_cast %parallel_loop3A_696 : i32 to index
          %parallel_loop3A_698 = arith.constant 64 : index
          %parallel_loop3A_699 = tpu.vector_load %arg6[%parallel_loop3A_697, %parallel_loop3A_698] {strides = array<i32>} : memref<320x128xf32, #tpu.memory_space<vmem>>, vector<16xf32>,
          %parallel_loop3A_700 = arith.mulf %parallel_loop3A_679, %parallel_loop3A_684 : vector<16xf32>
          %parallel_loop3A_701 = arith.mulf %parallel_loop3A_679, %parallel_loop3A_689 : vector<16xf32>
          %parallel_loop3A_702 = arith.mulf %parallel_loop3A_679, %parallel_loop3A_694 : vector<16xf32>
          %parallel_loop3A_703 = arith.mulf %parallel_loop3A_684, %parallel_loop3A_689 : vector<16xf32>
          %parallel_loop3A_704 = arith.mulf %parallel_loop3A_684, %parallel_loop3A_694 : vector<16xf32>
          %parallel_loop3A_705 = arith.mulf %parallel_loop3A_689, %parallel_loop3A_694 : vector<16xf32>
          %parallel_loop3A_706 = arith.mulf %get3A_5, %parallel_loop3A_700 : vector<16xf32>
          %parallel_loop3A_707 = arith.mulf %parallel_loop3A_689, %parallel_loop3A_706 : vector<16xf32>
          %parallel_loop3A_708 = arith.addf %parallel_loop3A_674, %parallel_loop3A_707 : vector<16xf32>
          %parallel_loop3A_709 = arith.mulf %get3A_9, %parallel_loop3A_700 : vector<16xf32>
          %parallel_loop3A_710 = arith.mulf %get3A_17, %parallel_loop3A_701 : vector<16xf32>
          %parallel_loop3A_711 = arith.addf %parallel_loop3A_709, %parallel_loop3A_710 : vector<16xf32>
          %parallel_loop3A_712 = arith.mulf %get3A_29, %parallel_loop3A_703 : vector<16xf32>
          %parallel_loop3A_713 = arith.addf %parallel_loop3A_711, %parallel_loop3A_712 : vector<16xf32>
          %parallel_loop3A_714 = arith.mulf %parallel_loop3A_694, %parallel_loop3A_713 : vector<16xf32>
          %parallel_loop3A_715 = arith.addf %parallel_loop3A_708, %parallel_loop3A_714 : vector<16xf32>
          %parallel_loop3A_716 = arith.mulf %get3A_13, %parallel_loop3A_700 : vector<16xf32>
          %parallel_loop3A_717 = arith.mulf %get3A_21, %parallel_loop3A_701 : vector<16xf32>
          %parallel_loop3A_718 = arith.addf %parallel_loop3A_716, %parallel_loop3A_717 : vector<16xf32>
          %parallel_loop3A_719 = arith.mulf %get3A_25, %parallel_loop3A_702 : vector<16xf32>
          %parallel_loop3A_720 = arith.addf %parallel_loop3A_718, %parallel_loop3A_719 : vector<16xf32>
          %parallel_loop3A_721 = arith.mulf %get3A_33, %parallel_loop3A_703 : vector<16xf32>
          %parallel_loop3A_722 = arith.addf %parallel_loop3A_720, %parallel_loop3A_721 : vector<16xf32>
          %parallel_loop3A_723 = arith.mulf %get3A_37, %parallel_loop3A_704 : vector<16xf32>
          %parallel_loop3A_724 = arith.addf %parallel_loop3A_722, %parallel_loop3A_723 : vector<16xf32>
          %parallel_loop3A_725 = arith.mulf %get3A_41, %parallel_loop3A_705 : vector<16xf32>
          %parallel_loop3A_726 = arith.addf %parallel_loop3A_724, %parallel_loop3A_725 : vector<16xf32>
          %parallel_loop3A_727 = arith.mulf %parallel_loop3A_699, %parallel_loop3A_726 : vector<16xf32>
          %parallel_loop3A_728 = arith.addf %parallel_loop3A_715, %parallel_loop3A_727 : vector<16xf32>
          %parallel_loop3A_729 = arith.constant 0 : i32
          %parallel_loop3A_730 = arith.addi %parallel_loop3A_729, %parallel_loop3A_459 : i32
          %parallel_loop3A_731 = arith.index_cast %parallel_loop3A_730 : i32 to index
          %parallel_loop3A_732 = arith.constant 80 : index
          %parallel_loop3A_733 = tpu.vector_load %arg6[%parallel_loop3A_731, %parallel_loop3A_732] {strides = array<i32>} : memref<320x128xf32, #tpu.memory_space<vmem>>, vector<16xf32>,
          %parallel_loop3A_734 = arith.constant 64 : i32
          %parallel_loop3A_735 = arith.addi %parallel_loop3A_734, %parallel_loop3A_459 : i32
          %parallel_loop3A_736 = arith.index_cast %parallel_loop3A_735 : i32 to index
          %parallel_loop3A_737 = arith.constant 80 : index
          %parallel_loop3A_738 = tpu.vector_load %arg6[%parallel_loop3A_736, %parallel_loop3A_737] {strides = array<i32>} : memref<320x128xf32, #tpu.memory_space<vmem>>, vector<16xf32>,
          %parallel_loop3A_739 = arith.constant 128 : i32
          %parallel_loop3A_740 = arith.addi %parallel_loop3A_739, %parallel_loop3A_459 : i32
          %parallel_loop3A_741 = arith.index_cast %parallel_loop3A_740 : i32 to index
          %parallel_loop3A_742 = arith.constant 80 : index
          %parallel_loop3A_743 = tpu.vector_load %arg6[%parallel_loop3A_741, %parallel_loop3A_742] {strides = array<i32>} : memref<320x128xf32, #tpu.memory_space<vmem>>, vector<16xf32>,
          %parallel_loop3A_744 = arith.constant 192 : i32
          %parallel_loop3A_745 = arith.addi %parallel_loop3A_744, %parallel_loop3A_459 : i32
          %parallel_loop3A_746 = arith.index_cast %parallel_loop3A_745 : i32 to index
          %parallel_loop3A_747 = arith.constant 80 : index
          %parallel_loop3A_748 = tpu.vector_load %arg6[%parallel_loop3A_746, %parallel_loop3A_747] {strides = array<i32>} : memref<320x128xf32, #tpu.memory_space<vmem>>, vector<16xf32>,
          %parallel_loop3A_749 = arith.constant 256 : i32
          %parallel_loop3A_750 = arith.addi %parallel_loop3A_749, %parallel_loop3A_459 : i32
          %parallel_loop3A_751 = arith.index_cast %parallel_loop3A_750 : i32 to index
          %parallel_loop3A_752 = arith.constant 80 : index
          %parallel_loop3A_753 = tpu.vector_load %arg6[%parallel_loop3A_751, %parallel_loop3A_752] {strides = array<i32>} : memref<320x128xf32, #tpu.memory_space<vmem>>, vector<16xf32>,
          %parallel_loop3A_754 = arith.mulf %parallel_loop3A_733, %parallel_loop3A_738 : vector<16xf32>
          %parallel_loop3A_755 = arith.mulf %parallel_loop3A_733, %parallel_loop3A_743 : vector<16xf32>
          %parallel_loop3A_756 = arith.mulf %parallel_loop3A_733, %parallel_loop3A_748 : vector<16xf32>
          %parallel_loop3A_757 = arith.mulf %parallel_loop3A_738, %parallel_loop3A_743 : vector<16xf32>
          %parallel_loop3A_758 = arith.mulf %parallel_loop3A_738, %parallel_loop3A_748 : vector<16xf32>
          %parallel_loop3A_759 = arith.mulf %parallel_loop3A_743, %parallel_loop3A_748 : vector<16xf32>
          %parallel_loop3A_760 = arith.mulf %get3A_5, %parallel_loop3A_754 : vector<16xf32>
          %parallel_loop3A_761 = arith.mulf %parallel_loop3A_743, %parallel_loop3A_760 : vector<16xf32>
          %parallel_loop3A_762 = arith.addf %parallel_loop3A_728, %parallel_loop3A_761 : vector<16xf32>
          %parallel_loop3A_763 = arith.mulf %get3A_9, %parallel_loop3A_754 : vector<16xf32>
          %parallel_loop3A_764 = arith.mulf %get3A_17, %parallel_loop3A_755 : vector<16xf32>
          %parallel_loop3A_765 = arith.addf %parallel_loop3A_763, %parallel_loop3A_764 : vector<16xf32>
          %parallel_loop3A_766 = arith.mulf %get3A_29, %parallel_loop3A_757 : vector<16xf32>
          %parallel_loop3A_767 = arith.addf %parallel_loop3A_765, %parallel_loop3A_766 : vector<16xf32>
          %parallel_loop3A_768 = arith.mulf %parallel_loop3A_748, %parallel_loop3A_767 : vector<16xf32>
          %parallel_loop3A_769 = arith.addf %parallel_loop3A_762, %parallel_loop3A_768 : vector<16xf32>
          %parallel_loop3A_770 = arith.mulf %get3A_13, %parallel_loop3A_754 : vector<16xf32>
          %parallel_loop3A_771 = arith.mulf %get3A_21, %parallel_loop3A_755 : vector<16xf32>
          %parallel_loop3A_772 = arith.addf %parallel_loop3A_770, %parallel_loop3A_771 : vector<16xf32>
          %parallel_loop3A_773 = arith.mulf %get3A_25, %parallel_loop3A_756 : vector<16xf32>
          %parallel_loop3A_774 = arith.addf %parallel_loop3A_772, %parallel_loop3A_773 : vector<16xf32>
          %parallel_loop3A_775 = arith.mulf %get3A_33, %parallel_loop3A_757 : vector<16xf32>
          %parallel_loop3A_776 = arith.addf %parallel_loop3A_774, %parallel_loop3A_775 : vector<16xf32>
          %parallel_loop3A_777 = arith.mulf %get3A_37, %parallel_loop3A_758 : vector<16xf32>
          %parallel_loop3A_778 = arith.addf %parallel_loop3A_776, %parallel_loop3A_777 : vector<16xf32>
          %parallel_loop3A_779 = arith.mulf %get3A_41, %parallel_loop3A_759 : vector<16xf32>
          %parallel_loop3A_780 = arith.addf %parallel_loop3A_778, %parallel_loop3A_779 : vector<16xf32>
          %parallel_loop3A_781 = arith.mulf %parallel_loop3A_753, %parallel_loop3A_780 : vector<16xf32>
          %parallel_loop3A_782 = arith.addf %parallel_loop3A_769, %parallel_loop3A_781 : vector<16xf32>
          %parallel_loop3A_783 = arith.constant 0 : i32
          %parallel_loop3A_784 = arith.addi %parallel_loop3A_783, %parallel_loop3A_459 : i32
          %parallel_loop3A_785 = arith.index_cast %parallel_loop3A_784 : i32 to index
          %parallel_loop3A_786 = arith.constant 96 : index
          %parallel_loop3A_787 = tpu.vector_load %arg6[%parallel_loop3A_785, %parallel_loop3A_786] {strides = array<i32>} : memref<320x128xf32, #tpu.memory_space<vmem>>, vector<16xf32>,
          %parallel_loop3A_788 = arith.constant 64 : i32
          %parallel_loop3A_789 = arith.addi %parallel_loop3A_788, %parallel_loop3A_459 : i32
          %parallel_loop3A_790 = arith.index_cast %parallel_loop3A_789 : i32 to index
          %parallel_loop3A_791 = arith.constant 96 : index
          %parallel_loop3A_792 = tpu.vector_load %arg6[%parallel_loop3A_790, %parallel_loop3A_791] {strides = array<i32>} : memref<320x128xf32, #tpu.memory_space<vmem>>, vector<16xf32>,
          %parallel_loop3A_793 = arith.constant 128 : i32
          %parallel_loop3A_794 = arith.addi %parallel_loop3A_793, %parallel_loop3A_459 : i32
          %parallel_loop3A_795 = arith.index_cast %parallel_loop3A_794 : i32 to index
          %parallel_loop3A_796 = arith.constant 96 : index
          %parallel_loop3A_797 = tpu.vector_load %arg6[%parallel_loop3A_795, %parallel_loop3A_796] {strides = array<i32>} : memref<320x128xf32, #tpu.memory_space<vmem>>, vector<16xf32>,
          %parallel_loop3A_798 = arith.constant 192 : i32
          %parallel_loop3A_799 = arith.addi %parallel_loop3A_798, %parallel_loop3A_459 : i32
          %parallel_loop3A_800 = arith.index_cast %parallel_loop3A_799 : i32 to index
          %parallel_loop3A_801 = arith.constant 96 : index
          %parallel_loop3A_802 = tpu.vector_load %arg6[%parallel_loop3A_800, %parallel_loop3A_801] {strides = array<i32>} : memref<320x128xf32, #tpu.memory_space<vmem>>, vector<16xf32>,
          %parallel_loop3A_803 = arith.constant 256 : i32
          %parallel_loop3A_804 = arith.addi %parallel_loop3A_803, %parallel_loop3A_459 : i32
          %parallel_loop3A_805 = arith.index_cast %parallel_loop3A_804 : i32 to index
          %parallel_loop3A_806 = arith.constant 96 : index
          %parallel_loop3A_807 = tpu.vector_load %arg6[%parallel_loop3A_805, %parallel_loop3A_806] {strides = array<i32>} : memref<320x128xf32, #tpu.memory_space<vmem>>, vector<16xf32>,
          %parallel_loop3A_808 = arith.mulf %parallel_loop3A_787, %parallel_loop3A_792 : vector<16xf32>
          %parallel_loop3A_809 = arith.mulf %parallel_loop3A_787, %parallel_loop3A_797 : vector<16xf32>
          %parallel_loop3A_810 = arith.mulf %parallel_loop3A_787, %parallel_loop3A_802 : vector<16xf32>
          %parallel_loop3A_811 = arith.mulf %parallel_loop3A_792, %parallel_loop3A_797 : vector<16xf32>
          %parallel_loop3A_812 = arith.mulf %parallel_loop3A_792, %parallel_loop3A_802 : vector<16xf32>
          %parallel_loop3A_813 = arith.mulf %parallel_loop3A_797, %parallel_loop3A_802 : vector<16xf32>
          %parallel_loop3A_814 = arith.mulf %get3A_5, %parallel_loop3A_808 : vector<16xf32>
          %parallel_loop3A_815 = arith.mulf %parallel_loop3A_797, %parallel_loop3A_814 : vector<16xf32>
          %parallel_loop3A_816 = arith.addf %parallel_loop3A_782, %parallel_loop3A_815 : vector<16xf32>
          %parallel_loop3A_817 = arith.mulf %get3A_9, %parallel_loop3A_808 : vector<16xf32>
          %parallel_loop3A_818 = arith.mulf %get3A_17, %parallel_loop3A_809 : vector<16xf32>
          %parallel_loop3A_819 = arith.addf %parallel_loop3A_817, %parallel_loop3A_818 : vector<16xf32>
          %parallel_loop3A_820 = arith.mulf %get3A_29, %parallel_loop3A_811 : vector<16xf32>
          %parallel_loop3A_821 = arith.addf %parallel_loop3A_819, %parallel_loop3A_820 : vector<16xf32>
          %parallel_loop3A_822 = arith.mulf %parallel_loop3A_802, %parallel_loop3A_821 : vector<16xf32>
          %parallel_loop3A_823 = arith.addf %parallel_loop3A_816, %parallel_loop3A_822 : vector<16xf32>
          %parallel_loop3A_824 = arith.mulf %get3A_13, %parallel_loop3A_808 : vector<16xf32>
          %parallel_loop3A_825 = arith.mulf %get3A_21, %parallel_loop3A_809 : vector<16xf32>
          %parallel_loop3A_826 = arith.addf %parallel_loop3A_824, %parallel_loop3A_825 : vector<16xf32>
          %parallel_loop3A_827 = arith.mulf %get3A_25, %parallel_loop3A_810 : vector<16xf32>
          %parallel_loop3A_828 = arith.addf %parallel_loop3A_826, %parallel_loop3A_827 : vector<16xf32>
          %parallel_loop3A_829 = arith.mulf %get3A_33, %parallel_loop3A_811 : vector<16xf32>
          %parallel_loop3A_830 = arith.addf %parallel_loop3A_828, %parallel_loop3A_829 : vector<16xf32>
          %parallel_loop3A_831 = arith.mulf %get3A_37, %parallel_loop3A_812 : vector<16xf32>
          %parallel_loop3A_832 = arith.addf %parallel_loop3A_830, %parallel_loop3A_831 : vector<16xf32>
          %parallel_loop3A_833 = arith.mulf %get3A_41, %parallel_loop3A_813 : vector<16xf32>
          %parallel_loop3A_834 = arith.addf %parallel_loop3A_832, %parallel_loop3A_833 : vector<16xf32>
          %parallel_loop3A_835 = arith.mulf %parallel_loop3A_807, %parallel_loop3A_834 : vector<16xf32>
          %parallel_loop3A_836 = arith.addf %parallel_loop3A_823, %parallel_loop3A_835 : vector<16xf32>
          %parallel_loop3A_837 = arith.constant 0 : i32
          %parallel_loop3A_838 = arith.addi %parallel_loop3A_837, %parallel_loop3A_459 : i32
          %parallel_loop3A_839 = arith.index_cast %parallel_loop3A_838 : i32 to index
          %parallel_loop3A_840 = arith.constant 112 : index
          %parallel_loop3A_841 = tpu.vector_load %arg6[%parallel_loop3A_839, %parallel_loop3A_840] {strides = array<i32>} : memref<320x128xf32, #tpu.memory_space<vmem>>, vector<16xf32>,
          %parallel_loop3A_842 = arith.constant 64 : i32
          %parallel_loop3A_843 = arith.addi %parallel_loop3A_842, %parallel_loop3A_459 : i32
          %parallel_loop3A_844 = arith.index_cast %parallel_loop3A_843 : i32 to index
          %parallel_loop3A_845 = arith.constant 112 : index
          %parallel_loop3A_846 = tpu.vector_load %arg6[%parallel_loop3A_844, %parallel_loop3A_845] {strides = array<i32>} : memref<320x128xf32, #tpu.memory_space<vmem>>, vector<16xf32>,
          %parallel_loop3A_847 = arith.constant 128 : i32
          %parallel_loop3A_848 = arith.addi %parallel_loop3A_847, %parallel_loop3A_459 : i32
          %parallel_loop3A_849 = arith.index_cast %parallel_loop3A_848 : i32 to index
          %parallel_loop3A_850 = arith.constant 112 : index
          %parallel_loop3A_851 = tpu.vector_load %arg6[%parallel_loop3A_849, %parallel_loop3A_850] {strides = array<i32>} : memref<320x128xf32, #tpu.memory_space<vmem>>, vector<16xf32>,
          %parallel_loop3A_852 = arith.constant 192 : i32
          %parallel_loop3A_853 = arith.addi %parallel_loop3A_852, %parallel_loop3A_459 : i32
          %parallel_loop3A_854 = arith.index_cast %parallel_loop3A_853 : i32 to index
          %parallel_loop3A_855 = arith.constant 112 : index
          %parallel_loop3A_856 = tpu.vector_load %arg6[%parallel_loop3A_854, %parallel_loop3A_855] {strides = array<i32>} : memref<320x128xf32, #tpu.memory_space<vmem>>, vector<16xf32>,
          %parallel_loop3A_857 = arith.constant 256 : i32
          %parallel_loop3A_858 = arith.addi %parallel_loop3A_857, %parallel_loop3A_459 : i32
          %parallel_loop3A_859 = arith.index_cast %parallel_loop3A_858 : i32 to index
          %parallel_loop3A_860 = arith.constant 112 : index
          %parallel_loop3A_861 = tpu.vector_load %arg6[%parallel_loop3A_859, %parallel_loop3A_860] {strides = array<i32>} : memref<320x128xf32, #tpu.memory_space<vmem>>, vector<16xf32>,
          %parallel_loop3A_862 = arith.mulf %parallel_loop3A_841, %parallel_loop3A_846 : vector<16xf32>
          %parallel_loop3A_863 = arith.mulf %parallel_loop3A_841, %parallel_loop3A_851 : vector<16xf32>
          %parallel_loop3A_864 = arith.mulf %parallel_loop3A_841, %parallel_loop3A_856 : vector<16xf32>
          %parallel_loop3A_865 = arith.mulf %parallel_loop3A_846, %parallel_loop3A_851 : vector<16xf32>
          %parallel_loop3A_866 = arith.mulf %parallel_loop3A_846, %parallel_loop3A_856 : vector<16xf32>
          %parallel_loop3A_867 = arith.mulf %parallel_loop3A_851, %parallel_loop3A_856 : vector<16xf32>
          %parallel_loop3A_868 = arith.mulf %get3A_5, %parallel_loop3A_862 : vector<16xf32>
          %parallel_loop3A_869 = arith.mulf %parallel_loop3A_851, %parallel_loop3A_868 : vector<16xf32>
          %parallel_loop3A_870 = arith.addf %parallel_loop3A_836, %parallel_loop3A_869 : vector<16xf32>
          %parallel_loop3A_871 = arith.mulf %get3A_9, %parallel_loop3A_862 : vector<16xf32>
          %parallel_loop3A_872 = arith.mulf %get3A_17, %parallel_loop3A_863 : vector<16xf32>
          %parallel_loop3A_873 = arith.addf %parallel_loop3A_871, %parallel_loop3A_872 : vector<16xf32>
          %parallel_loop3A_874 = arith.mulf %get3A_29, %parallel_loop3A_865 : vector<16xf32>
          %parallel_loop3A_875 = arith.addf %parallel_loop3A_873, %parallel_loop3A_874 : vector<16xf32>
          %parallel_loop3A_876 = arith.mulf %parallel_loop3A_856, %parallel_loop3A_875 : vector<16xf32>
          %parallel_loop3A_877 = arith.addf %parallel_loop3A_870, %parallel_loop3A_876 : vector<16xf32>
          %parallel_loop3A_878 = arith.mulf %get3A_13, %parallel_loop3A_862 : vector<16xf32>
          %parallel_loop3A_879 = arith.mulf %get3A_21, %parallel_loop3A_863 : vector<16xf32>
          %parallel_loop3A_880 = arith.addf %parallel_loop3A_878, %parallel_loop3A_879 : vector<16xf32>
          %parallel_loop3A_881 = arith.mulf %get3A_25, %parallel_loop3A_864 : vector<16xf32>
          %parallel_loop3A_882 = arith.addf %parallel_loop3A_880, %parallel_loop3A_881 : vector<16xf32>
          %parallel_loop3A_883 = arith.mulf %get3A_33, %parallel_loop3A_865 : vector<16xf32>
          %parallel_loop3A_884 = arith.addf %parallel_loop3A_882, %parallel_loop3A_883 : vector<16xf32>
          %parallel_loop3A_885 = arith.mulf %get3A_37, %parallel_loop3A_866 : vector<16xf32>
          %parallel_loop3A_886 = arith.addf %parallel_loop3A_884, %parallel_loop3A_885 : vector<16xf32>
          %parallel_loop3A_887 = arith.mulf %get3A_41, %parallel_loop3A_867 : vector<16xf32>
          %parallel_loop3A_888 = arith.addf %parallel_loop3A_886, %parallel_loop3A_887 : vector<16xf32>
          %parallel_loop3A_889 = arith.mulf %parallel_loop3A_861, %parallel_loop3A_888 : vector<16xf32>
          %parallel_loop3A_890 = arith.addf %parallel_loop3A_877, %parallel_loop3A_889 : vector<16xf32>
          %parallel_loop3A_891 = arith.constant 16 : i32
          %parallel_loop3A_892 = arith.muli %parallel_loop3A_456, %parallel_loop3A_891 : i32
          %parallel_loop3A_893 = arith.index_cast %parallel_loop3A_892 : i32 to index
          %parallel_loop3A_894 = tpu.vector_load %arg8[%parallel_loop3A_893] {strides = array<i32>} : memref<256xf32, #tpu.memory_space<vmem>>, vector<16xf32>,
          tpu.vector_store %arg8[%parallel_loop3A_893], %parallel_loop3A_890 {strides = array<i32>} : memref<256xf32, #tpu.memory_space<vmem>>, vector<16xf32>,
        } {sc.loop_unroll_factor = 1 : i64, sc.parallel_access}
        %add3A_371 = arith.constant 0 : i32
        %add3A_372 = vector.broadcast %add3A_371 : i32 to vector<16xi32>
        %add3A_373 = arith.addi %mul3A_44, %add3A_372 : vector<16xi32>
        %gather3A = tpu.vector_load_idx %arg8[%add3A_373] : memref<256xf32, #tpu.memory_space<vmem>>[vector<16xi32>], vector<16xf32>,
        %add3A_374 = arith.constant 1 : i32
        %add3A_375 = vector.broadcast %add3A_374 : i32 to vector<16xi32>
        %add3A_376 = arith.addi %mul3A_44, %add3A_375 : vector<16xi32>
        %gather3A_377 = tpu.vector_load_idx %arg8[%add3A_376] : memref<256xf32, #tpu.memory_space<vmem>>[vector<16xi32>], vector<16xf32>,
        %add3A_378 = arith.addf %gather3A, %gather3A_377 : vector<16xf32>
        %add3A_379 = arith.constant 2 : i32
        %add3A_380 = vector.broadcast %add3A_379 : i32 to vector<16xi32>
        %add3A_381 = arith.addi %mul3A_44, %add3A_380 : vector<16xi32>
        %gather3A_382 = tpu.vector_load_idx %arg8[%add3A_381] : memref<256xf32, #tpu.memory_space<vmem>>[vector<16xi32>], vector<16xf32>,
        %add3A_383 = arith.addf %add3A_378, %gather3A_382 : vector<16xf32>
        %add3A_384 = arith.constant 3 : i32
        %add3A_385 = vector.broadcast %add3A_384 : i32 to vector<16xi32>
        %add3A_386 = arith.addi %mul3A_44, %add3A_385 : vector<16xi32>
        %gather3A_387 = tpu.vector_load_idx %arg8[%add3A_386] : memref<256xf32, #tpu.memory_space<vmem>>[vector<16xi32>], vector<16xf32>,
        %add3A_388 = arith.addf %add3A_383, %gather3A_387 : vector<16xf32>
        %add3A_389 = arith.constant 4 : i32
        %add3A_390 = vector.broadcast %add3A_389 : i32 to vector<16xi32>
        %add3A_391 = arith.addi %mul3A_44, %add3A_390 : vector<16xi32>
        %gather3A_392 = tpu.vector_load_idx %arg8[%add3A_391] : memref<256xf32, #tpu.memory_space<vmem>>[vector<16xi32>], vector<16xf32>,
        %add3A_393 = arith.addf %add3A_388, %gather3A_392 : vector<16xf32>
        %add3A_394 = arith.constant 5 : i32
        %add3A_395 = vector.broadcast %add3A_394 : i32 to vector<16xi32>
        %add3A_396 = arith.addi %mul3A_44, %add3A_395 : vector<16xi32>
        %gather3A_397 = tpu.vector_load_idx %arg8[%add3A_396] : memref<256xf32, #tpu.memory_space<vmem>>[vector<16xi32>], vector<16xf32>,
        %add3A_398 = arith.addf %add3A_393, %gather3A_397 : vector<16xf32>
        %add3A_399 = arith.constant 6 : i32
        %add3A_400 = vector.broadcast %add3A_399 : i32 to vector<16xi32>
        %add3A_401 = arith.addi %mul3A_44, %add3A_400 : vector<16xi32>
        %gather3A_402 = tpu.vector_load_idx %arg8[%add3A_401] : memref<256xf32, #tpu.memory_space<vmem>>[vector<16xi32>], vector<16xf32>,
        %add3A_403 = arith.addf %add3A_398, %gather3A_402 : vector<16xf32>
        %add3A_404 = arith.constant 7 : i32
        %add3A_405 = vector.broadcast %add3A_404 : i32 to vector<16xi32>
        %add3A_406 = arith.addi %mul3A_44, %add3A_405 : vector<16xi32>
        %gather3A_407 = tpu.vector_load_idx %arg8[%add3A_406] : memref<256xf32, #tpu.memory_space<vmem>>[vector<16xi32>], vector<16xf32>,
        %add3A_408 = arith.addf %add3A_403, %gather3A_407 : vector<16xf32>
        %add3A_409 = arith.constant 8 : i32
        %add3A_410 = vector.broadcast %add3A_409 : i32 to vector<16xi32>
        %add3A_411 = arith.addi %mul3A_44, %add3A_410 : vector<16xi32>
        %gather3A_412 = tpu.vector_load_idx %arg8[%add3A_411] : memref<256xf32, #tpu.memory_space<vmem>>[vector<16xi32>], vector<16xf32>,
        %add3A_413 = arith.addf %add3A_408, %gather3A_412 : vector<16xf32>
        %add3A_414 = arith.constant 9 : i32
        %add3A_415 = vector.broadcast %add3A_414 : i32 to vector<16xi32>
        %add3A_416 = arith.addi %mul3A_44, %add3A_415 : vector<16xi32>
        %gather3A_417 = tpu.vector_load_idx %arg8[%add3A_416] : memref<256xf32, #tpu.memory_space<vmem>>[vector<16xi32>], vector<16xf32>,
        %add3A_418 = arith.addf %add3A_413, %gather3A_417 : vector<16xf32>
        %add3A_419 = arith.constant 10 : i32
        %add3A_420 = vector.broadcast %add3A_419 : i32 to vector<16xi32>
        %add3A_421 = arith.addi %mul3A_44, %add3A_420 : vector<16xi32>
        %gather3A_422 = tpu.vector_load_idx %arg8[%add3A_421] : memref<256xf32, #tpu.memory_space<vmem>>[vector<16xi32>], vector<16xf32>,
        %add3A_423 = arith.addf %add3A_418, %gather3A_422 : vector<16xf32>
        %add3A_424 = arith.constant 11 : i32
        %add3A_425 = vector.broadcast %add3A_424 : i32 to vector<16xi32>
        %add3A_426 = arith.addi %mul3A_44, %add3A_425 : vector<16xi32>
        %gather3A_427 = tpu.vector_load_idx %arg8[%add3A_426] : memref<256xf32, #tpu.memory_space<vmem>>[vector<16xi32>], vector<16xf32>,
        %add3A_428 = arith.addf %add3A_423, %gather3A_427 : vector<16xf32>
        %add3A_429 = arith.constant 12 : i32
        %add3A_430 = vector.broadcast %add3A_429 : i32 to vector<16xi32>
        %add3A_431 = arith.addi %mul3A_44, %add3A_430 : vector<16xi32>
        %gather3A_432 = tpu.vector_load_idx %arg8[%add3A_431] : memref<256xf32, #tpu.memory_space<vmem>>[vector<16xi32>], vector<16xf32>,
        %add3A_433 = arith.addf %add3A_428, %gather3A_432 : vector<16xf32>
        %add3A_434 = arith.constant 13 : i32
        %add3A_435 = vector.broadcast %add3A_434 : i32 to vector<16xi32>
        %add3A_436 = arith.addi %mul3A_44, %add3A_435 : vector<16xi32>
        %gather3A_437 = tpu.vector_load_idx %arg8[%add3A_436] : memref<256xf32, #tpu.memory_space<vmem>>[vector<16xi32>], vector<16xf32>,
        %add3A_438 = arith.addf %add3A_433, %gather3A_437 : vector<16xf32>
        %add3A_439 = arith.constant 14 : i32
        %add3A_440 = vector.broadcast %add3A_439 : i32 to vector<16xi32>
        %add3A_441 = arith.addi %mul3A_44, %add3A_440 : vector<16xi32>
        %gather3A_442 = tpu.vector_load_idx %arg8[%add3A_441] : memref<256xf32, #tpu.memory_space<vmem>>[vector<16xi32>], vector<16xf32>,
        %add3A_443 = arith.addf %add3A_438, %gather3A_442 : vector<16xf32>
        %add3A_444 = arith.constant 15 : i32
        %add3A_445 = vector.broadcast %add3A_444 : i32 to vector<16xi32>
        %add3A_446 = arith.addi %mul3A_44, %add3A_445 : vector<16xi32>
        %gather3A_447 = tpu.vector_load_idx %arg8[%add3A_446] : memref<256xf32, #tpu.memory_space<vmem>>[vector<16xi32>], vector<16xf32>,
        %add3A_448 = arith.addf %add3A_443, %gather3A_447 : vector<16xf32>
        %mul3A_449 = arith.constant 64 : i32
        %mul3A_450 = arith.muli %add3A_276, %mul3A_449 : i32
        %mul3A_451 = arith.constant 16 : i32
        %mul3A_452 = arith.muli %scan3A_367, %mul3A_451 : i32
        %add3A_453 = arith.addi %mul3A_450, %mul3A_452 : i32
        %swap3A = arith.index_cast %add3A_453 : i32 to index
        %swap3A_454 = tpu.vector_load %arg9[%swap3A] {strides = array<i32>} : memref<512xf32, #tpu.memory_space<vmem>>, vector<16xf32>,
        tpu.vector_store %arg9[%swap3A], %add3A_448 {strides = array<i32>} : memref<512xf32, #tpu.memory_space<vmem>>, vector<16xf32>,
        %scan3A_455 = arith.constant 0 : i32
        scf.yield %scan3A_455 : i32
      }
      %scan3A_358 = arith.constant 4 : i32
      %add3A_359 = arith.constant 2 : i32
      %add3A_360 = arith.addi %add3A_276, %add3A_359 : i32
      %lt3A_361 = arith.constant 8 : i32
      %lt3A_362 = arith.cmpi slt, %add3A_360, %lt3A_361 : i32
      %convert_element_type3A_363 = arith.extui %lt3A_362 : i1 to i32
      %cond3A_364 = arith.constant 0 : i32
      %cond3A_365 = arith.cmpi ne, %convert_element_type3A_363, %cond3A_364 : i32
      scf.if %cond3A_365 {
        %mul3A_367 = arith.constant 64 : i32
        %mul3A_368 = arith.muli %add3A_360, %mul3A_367 : i32
        %add3A_369 = arith.addi %mul3A_2, %mul3A_368 : i32
        %dma_start3A_370 = arith.constant 0 : i32
        %dma_start3A_371 = arith.constant 0 : i32
        %dma_start3A_372 = arith.constant 0 : i32
        %dma_start3A_373 = tpu.memref_slice %arg6[%dma_start3A_371, %dma_start3A_372] : memref<320x128xf32, #tpu.memory_space<vmem>> -> memref<64x128xf32, #tpu.memory_space<vmem>>
        %dma_start3A_374 = arith.constant 0 : i32
        %dma_start3A_375 = tpu.memref_slice %arg2[%dma_start3A_370, %add3A_369, %dma_start3A_374] : memref<5x16384x128xf32, #tpu.memory_space<hbm>> -> memref<1x64x128xf32, #tpu.memory_space<hbm>>
        %dma_start3A_376 = tpu.memref_squeeze %dma_start3A_375 : memref<1x64x128xf32, #tpu.memory_space<hbm>> -> memref<64x128xf32, #tpu.memory_space<hbm>>
        %dma_start3A_377 = arith.constant 0 : i32
        %dma_start3A_378 = arith.constant 0 : i32
        %dma_start3A_379 = tpu.memref_slice %arg6[%dma_start3A_377, %dma_start3A_378] : memref<320x128xf32, #tpu.memory_space<vmem>> -> memref<64x128xf32, #tpu.memory_space<vmem>>
        %dma_start3A_380 = arith.constant 0 : i32
        %dma_start3A_381 = tpu.memref_slice %arg2[%dma_start3A_370, %add3A_369, %dma_start3A_380] : memref<5x16384x128xf32, #tpu.memory_space<hbm>> -> memref<1x64x128xf32, #tpu.memory_space<hbm>>
        %dma_start3A_382 = tpu.memref_squeeze %dma_start3A_381 : memref<1x64x128xf32, #tpu.memory_space<hbm>> -> memref<64x128xf32, #tpu.memory_space<hbm>>
        tpu.enqueue_dma source(%dma_start3A_382 : memref<64x128xf32, #tpu.memory_space<hbm>>) target(%dma_start3A_379 : memref<64x128xf32, #tpu.memory_space<vmem>>) target_semaphore(%arg11 : memref<!tpu.dma_semaphore, #tpu.memory_space<semaphore_mem>>)
        %dma_start3A_383 = arith.constant 1 : i32
        %dma_start3A_384 = arith.constant 64 : i32
        %dma_start3A_385 = arith.constant 0 : i32
        %dma_start3A_386 = tpu.memref_slice %arg6[%dma_start3A_384, %dma_start3A_385] : memref<320x128xf32, #tpu.memory_space<vmem>> -> memref<64x128xf32, #tpu.memory_space<vmem>>
        %dma_start3A_387 = arith.constant 0 : i32
        %dma_start3A_388 = tpu.memref_slice %arg2[%dma_start3A_383, %add3A_369, %dma_start3A_387] : memref<5x16384x128xf32, #tpu.memory_space<hbm>> -> memref<1x64x128xf32, #tpu.memory_space<hbm>>
        %dma_start3A_389 = tpu.memref_squeeze %dma_start3A_388 : memref<1x64x128xf32, #tpu.memory_space<hbm>> -> memref<64x128xf32, #tpu.memory_space<hbm>>
        %dma_start3A_390 = arith.constant 64 : i32
        %dma_start3A_391 = arith.constant 0 : i32
        %dma_start3A_392 = tpu.memref_slice %arg6[%dma_start3A_390, %dma_start3A_391] : memref<320x128xf32, #tpu.memory_space<vmem>> -> memref<64x128xf32, #tpu.memory_space<vmem>>
        %dma_start3A_393 = arith.constant 0 : i32
        %dma_start3A_394 = tpu.memref_slice %arg2[%dma_start3A_383, %add3A_369, %dma_start3A_393] : memref<5x16384x128xf32, #tpu.memory_space<hbm>> -> memref<1x64x128xf32, #tpu.memory_space<hbm>>
        %dma_start3A_395 = tpu.memref_squeeze %dma_start3A_394 : memref<1x64x128xf32, #tpu.memory_space<hbm>> -> memref<64x128xf32, #tpu.memory_space<hbm>>
        tpu.enqueue_dma source(%dma_start3A_395 : memref<64x128xf32, #tpu.memory_space<hbm>>) target(%dma_start3A_392 : memref<64x128xf32, #tpu.memory_space<vmem>>) target_semaphore(%arg11 : memref<!tpu.dma_semaphore, #tpu.memory_space<semaphore_mem>>)
        %dma_start3A_396 = arith.constant 2 : i32
        %dma_start3A_397 = arith.constant 128 : i32
        %dma_start3A_398 = arith.constant 0 : i32
        %dma_start3A_399 = tpu.memref_slice %arg6[%dma_start3A_397, %dma_start3A_398] : memref<320x128xf32, #tpu.memory_space<vmem>> -> memref<64x128xf32, #tpu.memory_space<vmem>>
        %dma_start3A_400 = arith.constant 0 : i32
        %dma_start3A_401 = tpu.memref_slice %arg2[%dma_start3A_396, %add3A_369, %dma_start3A_400] : memref<5x16384x128xf32, #tpu.memory_space<hbm>> -> memref<1x64x128xf32, #tpu.memory_space<hbm>>
        %dma_start3A_402 = tpu.memref_squeeze %dma_start3A_401 : memref<1x64x128xf32, #tpu.memory_space<hbm>> -> memref<64x128xf32, #tpu.memory_space<hbm>>
        %dma_start3A_403 = arith.constant 128 : i32
        %dma_start3A_404 = arith.constant 0 : i32
        %dma_start3A_405 = tpu.memref_slice %arg6[%dma_start3A_403, %dma_start3A_404] : memref<320x128xf32, #tpu.memory_space<vmem>> -> memref<64x128xf32, #tpu.memory_space<vmem>>
        %dma_start3A_406 = arith.constant 0 : i32
        %dma_start3A_407 = tpu.memref_slice %arg2[%dma_start3A_396, %add3A_369, %dma_start3A_406] : memref<5x16384x128xf32, #tpu.memory_space<hbm>> -> memref<1x64x128xf32, #tpu.memory_space<hbm>>
        %dma_start3A_408 = tpu.memref_squeeze %dma_start3A_407 : memref<1x64x128xf32, #tpu.memory_space<hbm>> -> memref<64x128xf32, #tpu.memory_space<hbm>>
        tpu.enqueue_dma source(%dma_start3A_408 : memref<64x128xf32, #tpu.memory_space<hbm>>) target(%dma_start3A_405 : memref<64x128xf32, #tpu.memory_space<vmem>>) target_semaphore(%arg11 : memref<!tpu.dma_semaphore, #tpu.memory_space<semaphore_mem>>)
        %dma_start3A_409 = arith.constant 3 : i32
        %dma_start3A_410 = arith.constant 192 : i32
        %dma_start3A_411 = arith.constant 0 : i32
        %dma_start3A_412 = tpu.memref_slice %arg6[%dma_start3A_410, %dma_start3A_411] : memref<320x128xf32, #tpu.memory_space<vmem>> -> memref<64x128xf32, #tpu.memory_space<vmem>>
        %dma_start3A_413 = arith.constant 0 : i32
        %dma_start3A_414 = tpu.memref_slice %arg2[%dma_start3A_409, %add3A_369, %dma_start3A_413] : memref<5x16384x128xf32, #tpu.memory_space<hbm>> -> memref<1x64x128xf32, #tpu.memory_space<hbm>>
        %dma_start3A_415 = tpu.memref_squeeze %dma_start3A_414 : memref<1x64x128xf32, #tpu.memory_space<hbm>> -> memref<64x128xf32, #tpu.memory_space<hbm>>
        %dma_start3A_416 = arith.constant 192 : i32
        %dma_start3A_417 = arith.constant 0 : i32
        %dma_start3A_418 = tpu.memref_slice %arg6[%dma_start3A_416, %dma_start3A_417] : memref<320x128xf32, #tpu.memory_space<vmem>> -> memref<64x128xf32, #tpu.memory_space<vmem>>
        %dma_start3A_419 = arith.constant 0 : i32
        %dma_start3A_420 = tpu.memref_slice %arg2[%dma_start3A_409, %add3A_369, %dma_start3A_419] : memref<5x16384x128xf32, #tpu.memory_space<hbm>> -> memref<1x64x128xf32, #tpu.memory_space<hbm>>
        %dma_start3A_421 = tpu.memref_squeeze %dma_start3A_420 : memref<1x64x128xf32, #tpu.memory_space<hbm>> -> memref<64x128xf32, #tpu.memory_space<hbm>>
        tpu.enqueue_dma source(%dma_start3A_421 : memref<64x128xf32, #tpu.memory_space<hbm>>) target(%dma_start3A_418 : memref<64x128xf32, #tpu.memory_space<vmem>>) target_semaphore(%arg11 : memref<!tpu.dma_semaphore, #tpu.memory_space<semaphore_mem>>)
        %dma_start3A_422 = arith.constant 4 : i32
        %dma_start3A_423 = arith.constant 256 : i32
        %dma_start3A_424 = arith.constant 0 : i32
        %dma_start3A_425 = tpu.memref_slice %arg6[%dma_start3A_423, %dma_start3A_424] : memref<320x128xf32, #tpu.memory_space<vmem>> -> memref<64x128xf32, #tpu.memory_space<vmem>>
        %dma_start3A_426 = arith.constant 0 : i32
        %dma_start3A_427 = tpu.memref_slice %arg2[%dma_start3A_422, %add3A_369, %dma_start3A_426] : memref<5x16384x128xf32, #tpu.memory_space<hbm>> -> memref<1x64x128xf32, #tpu.memory_space<hbm>>
        %dma_start3A_428 = tpu.memref_squeeze %dma_start3A_427 : memref<1x64x128xf32, #tpu.memory_space<hbm>> -> memref<64x128xf32, #tpu.memory_space<hbm>>
        %dma_start3A_429 = arith.constant 256 : i32
        %dma_start3A_430 = arith.constant 0 : i32
        %dma_start3A_431 = tpu.memref_slice %arg6[%dma_start3A_429, %dma_start3A_430] : memref<320x128xf32, #tpu.memory_space<vmem>> -> memref<64x128xf32, #tpu.memory_space<vmem>>
        %dma_start3A_432 = arith.constant 0 : i32
        %dma_start3A_433 = tpu.memref_slice %arg2[%dma_start3A_422, %add3A_369, %dma_start3A_432] : memref<5x16384x128xf32, #tpu.memory_space<hbm>> -> memref<1x64x128xf32, #tpu.memory_space<hbm>>
        %dma_start3A_434 = tpu.memref_squeeze %dma_start3A_433 : memref<1x64x128xf32, #tpu.memory_space<hbm>> -> memref<64x128xf32, #tpu.memory_space<hbm>>
        tpu.enqueue_dma source(%dma_start3A_434 : memref<64x128xf32, #tpu.memory_space<hbm>>) target(%dma_start3A_431 : memref<64x128xf32, #tpu.memory_space<vmem>>) target_semaphore(%arg11 : memref<!tpu.dma_semaphore, #tpu.memory_space<semaphore_mem>>)
      } else {
      }
      %scan3A_366 = arith.constant 0 : i32
      scf.yield %scan3A_366 : i32
    }
    %scan3A_183 = arith.constant 4 : i32
    "tpu.region"() ({
      %run_scoped3A = tpu.sem_alloc : memref<!tpu.dma_semaphore, #tpu.memory_space<semaphore_mem>>
      %dma_start3A_184 = tpu.memref_slice %arg4[%mul3A_2] : memref<16384xf32, #tpu.memory_space<hbm>> -> memref<512xf32, #tpu.memory_space<hbm>>
      %dma_start3A_185 = tpu.memref_slice %arg4[%mul3A_2] : memref<16384xf32, #tpu.memory_space<hbm>> -> memref<512xf32, #tpu.memory_space<hbm>>
      tpu.enqueue_dma source(%arg9 : memref<512xf32, #tpu.memory_space<vmem>>) target(%dma_start3A_185 : memref<512xf32, #tpu.memory_space<hbm>>) target_semaphore(%run_scoped3A : memref<!tpu.dma_semaphore, #tpu.memory_space<semaphore_mem>>)
      %dma_wait3A = tpu.memref_slice %arg4[%mul3A_2] : memref<16384xf32, #tpu.memory_space<hbm>> -> memref<512xf32, #tpu.memory_space<hbm>>
      %dma_wait3A_186 = tpu.memref_slice %arg4[%mul3A_2] : memref<16384xf32, #tpu.memory_space<hbm>> -> memref<512xf32, #tpu.memory_space<hbm>>
      tpu.wait_dma2 semaphore(%run_scoped3A : memref<!tpu.dma_semaphore, #tpu.memory_space<semaphore_mem>>) src(%arg9 : memref<512xf32, #tpu.memory_space<vmem>>) dst(%dma_wait3A_186 : memref<512xf32, #tpu.memory_space<hbm>>)
      tpu.yield
    }) : () -> ()
    return
  }
}

</mosaic_0001>

<sc_bundles>
// kernel: kernel.3.cloned.1.call-start
scs
__scs_entry_jumppad:
0x0: {  	(pc) =	sbr.rel $0x88, $3  }
0x1: {  	(tag) =	ssettag $0x0;
	lr =	simm.s32 $0x1  }
0x2: {  	[smem:$0x3F9F] =	sst lr;
	_ =	strace $0xD0000000  }
0x3: {  	_ = 	snop  }
0x4: {  	_ = 	snop  }
0x5: {  	_ = 	snop  }
0x6: {  	_ = 	snop  }
0x7: {  	_ = 	snop  }
__scs_overlays_trampoline_lowered:
0x8: {  	[smem:$0x3FAE] =	sst s0  }
0x9: {  	[smem:$0x3FAF] =	sst s1  }
0xa: {  	[smem:$0x3FB0] =	sst s2  }
0xb: {  	[smem:$0x3FB1] =	sst s3  }
0xc: {  	[smem:$0x3FB2] =	sst s4  }
0xd: {  	[smem:$0x3FB3] =	sst s5  }
0xe: {  	[smem:$0x3FB4] =	sst s6  }
0xf: {  	[smem:$0x3FB5] =	sst s7  }
0x10: {  	[smem:$0x3FB6] =	sst s8  }
0x11: {  	[smem:$0x3FB7] =	sst s9;
	s0 =	simm.s32 @!p0 $0x0  }
0x12: {  	s1 =	sld [smem:$0x3F9D];
	s0 =	simm.s32 @p0 $0x1  }
0x13: {  	[smem:$0x3FB8] =	sst s0;
	s0 =	simm.s32 @!p1 $0x0  }
0x14: {  	s2 =	sld [smem:$0x3F9C];
	s0 =	simm.s32 @p1 $0x1  }
0x15: {  	[smem:$0x3FB9] =	sst s0;
	s0 =	simm.s32 @!p2 $0x0  }
0x16: {  	s3 =	sld [smem:$0x3FDB];
	s0 =	simm.s32 @p2 $0x1  }
0x17: {  	s4 =	simm.s32 $0x1BF5;
	[smem:$0x3FBB] =	sst s0  }
0x18: {  	s0 =	sld [smem:$0x3F9E];
	_ =	swait.ge [sflag:s4], $0x0  }
0x19: {  	s7 =	sld [smem:$0x3F9F]  }
0x1a: {  	s8 =	sadd.s32 $0xFFFFE003, lr  }
0x1b: {  	s9 =	sadd.s32 $0xFFFFFEF7, lr;
	s5 =	simm.s32 $0xFFFFFFFF;
	p2 =	slt.u32 s8, $0xFFFFF086  }
0x1c: {  	p1 =	slt.u32 s9, $0xF7A;
	s5 =	simm.s32 @!p2 $0x0  }
0x1d: {  	s5 =	simm.s32 @p1 $0x1;
	p0 =	seq.s32 s7, s2  }
0x1e: {  	s7 =	smul.u32 @!p0 $0xF7A, s2;
	p2 =	seq.s32 @!p0 s5, $0x0  }
0x1f: {  	s9 =	smul.u32 $0xF7A, s1;
	s8 =	simm.s32 @!p0 $0x1BF5;
	p2 =	por !p2, p0  }
0x20: {  	[sflag:s8] =	ssyncset.s32 @!p0 $0xFFFFF086;
	s6 =	sadd.s32 @!p0 s3, s7;
	s7 =	simm.s32 @!p0 $0x108  }
0x21: {  	s3 =	sadd.s32 s3, s9;
	s6 =	sadd.s32 @!p0 $0x88, s6;
	s7 =	simm.s32 @p2 $0x1082  }
0x22: {  	[simem:s7], [sflag:s8] =	dma.local @!p0 [hbm:s6], $0xF7A  }
0x23: {  	s9 =	sor.u32 $0xD0000000, s2;
	s6 =	simm.s32 $0x108;
	_ =	swait.ge @!p0 [sflag:s8], $0x0  }
0x24: {  	s3 =	sadd.s32 $0x88, s3;
	s6 =	simm.s32 @!p1 $0x1082;
	[sflag:s4] =	ssyncset.s32 $0xFFFFF086  }
0x25: {  	[simem:s6], [sflag:s4] =	dma.local [hbm:s3], $0xF7A  }
0x26: {  	[smem:$0x3F9F] =	sst s1;
	(tag) =	ssettag s2;
	_ =	strace s9  }
0x27: {  	s1 =	sld [smem:$0x3FAF]  }
0x28: {  	s2 =	sld [smem:$0x3FB0]  }
0x29: {  	s4 =	sld [smem:$0x3FB2]  }
0x2a: {  	p0 =	seq.s32 s5, $0x0;
	s5 =	sld [smem:$0x3FB3]  }
0x2b: {  	s6 =	sld [smem:$0x3FB4]  }
0x2c: {  	s7 =	sld [smem:$0x3FB5]  }
0x2d: {  	s3 =	simm.s32 $0x108;
	s8 =	sld [smem:$0x3FB6]  }
0x2e: {  	s3 =	simm.s32 @!p0 $0x1082;
	s9 =	sld [smem:$0x3FB7]  }
0x2f: {  	lr =	sadd.s32 s0, s3;
	s0 =	sld [smem:$0x3FAE]  }
0x30: {  	s3 =	sld [smem:$0x3FB1]  }
0x31: {  	[smem:$0x3FBA] =	sst s10  }
0x32: {  	s10 =	sld [smem:$0x3FB8];
	_ =	sdelay $0x3  }
0x33: {  	p0 =	seq.s32 s10, $0x1;
	s10 =	sld [smem:$0x3FBA];
	_ =	sdelay $0x3  }
0x34: {  	[smem:$0x3FBA] =	sst s10  }
0x35: {  	s10 =	sld [smem:$0x3FB9];
	_ =	sdelay $0x3  }
0x36: {  	p1 =	seq.s32 s10, $0x1;
	s10 =	sld [smem:$0x3FBA];
	_ =	sdelay $0x3  }
0x37: {  	[smem:$0x3FBA] =	sst s10  }
0x38: {  	s10 =	sld [smem:$0x3FBB]  }
0x39: {  	_ = 	snop;
	(pc) =	sbr.ind lr, $3  }
0x3a: {  	_ = 	snop  }
0x3b: {  	_ = 	snop  }
0x3c: {  	p2 =	seq.s32 s10, $0x1;
	s10 =	sld [smem:$0x3FBA]  }
0x3d: {  	_ =	shalt  }
0x3e: {  	_ =	shalt  }
0x3f: {  	_ =	shalt  }
0x40: {  	_ =	shalt  }
0x41: {  	_ =	shalt  }
0x42: {  	_ =	shalt  }
0x43: {  	_ =	shalt  }
0x44: {  	_ =	shalt  }
0x45: {  	_ =	shalt  }
0x46: {  	_ =	shalt  }
0x47: {  	_ =	shalt  }
0x48: {  	_ =	shalt  }
0x49: {  	_ =	shalt  }
0x4a: {  	_ =	shalt  }
0x4b: {  	_ =	shalt  }
0x4c: {  	_ =	shalt  }
0x4d: {  	_ =	shalt  }
0x4e: {  	_ =	shalt  }
0x4f: {  	_ =	shalt  }
0x50: {  	_ =	shalt  }
0x51: {  	_ =	shalt  }
0x52: {  	_ =	shalt  }
0x53: {  	_ =	shalt  }
0x54: {  	_ =	shalt  }
0x55: {  	_ =	shalt  }
0x56: {  	_ =	shalt  }
0x57: {  	_ =	shalt  }
0x58: {  	_ =	shalt  }
0x59: {  	_ =	shalt  }
0x5a: {  	_ =	shalt  }
0x5b: {  	_ =	shalt  }
0x5c: {  	_ =	shalt  }
0x5d: {  	_ =	shalt  }
0x5e: {  	_ =	shalt  }
0x5f: {  	_ =	shalt  }
0x60: {  	_ =	shalt  }
0x61: {  	_ =	shalt  }
0x62: {  	_ =	shalt  }
0x63: {  	_ =	shalt  }
0x64: {  	_ =	shalt  }
0x65: {  	_ =	shalt  }
0x66: {  	_ =	shalt  }
0x67: {  	_ =	shalt  }
0x68: {  	_ =	shalt  }
0x69: {  	_ =	shalt  }
0x6a: {  	_ =	shalt  }
0x6b: {  	_ =	shalt  }
0x6c: {  	_ =	shalt  }
0x6d: {  	_ =	shalt  }
0x6e: {  	_ =	shalt  }
0x6f: {  	_ =	shalt  }
0x70: {  	_ =	shalt  }
0x71: {  	_ =	shalt  }
0x72: {  	_ =	shalt  }
0x73: {  	_ =	shalt  }
0x74: {  	_ =	shalt  }
0x75: {  	_ =	shalt  }
0x76: {  	_ =	shalt  }
0x77: {  	_ =	shalt  }
0x78: {  	_ =	shalt  }
0x79: {  	_ =	shalt  }
0x7a: {  	_ =	shalt  }
0x7b: {  	_ =	shalt  }
0x7c: {  	_ =	shalt  }
0x7d: {  	_ =	shalt  }
0x7e: {  	_ =	shalt  }
0x7f: {  	_ =	shalt  }
0x80: {  	_ =	shalt  }
0x81: {  	_ =	shalt  }
0x82: {  	_ =	shalt  }
0x83: {  	_ =	shalt  }
0x84: {  	_ =	shalt  }
0x85: {  	_ =	shalt  }
0x86: {  	_ =	shalt  }
0x87: {  	_ =	shalt  }
.Lfunc_end0:
.L_simem_size_0:
called_computation_lowered:
.L_overlay_start_0:
0x88: {  	s2 =	sld [smem:$0x3FD9]  }
0x89: {  	s3 =	sld [smem:$0x3FFE];
	_ =	sdelay $0x1  }
0x8a: {  	s1 =	srdreg.scid  }
0x8b: {  	s0 =	sand.u32 $0x1, s1  }
0x8c: {  	s17 =	sshll.u32 s0, $0xA;
	s2 =	sadd.s32 s3, s2  }
0x8d: {  	s2 =	sadd.s32 s2, s17  }
0x8e: {  	[smem:$0x3FC6] =	sst s2  }
0x8f: {  	_ = 	snop  }
0x90: {  	s2 =	sld [smem:$0x3FC9]  }
0x91: {  	s18 =	sld [smem:$0x3FD0];
	(tm) =	ssettm $0x1  }
0x92: {  	s4 =	sld [smem:$0x3FFB];
	_ =	sdelay $0x3  }
0x93: {  	_ =	strace s4  }
0x94: {  	s4 =	sld [smem:$0x3FFC];
	_ =	sdelay $0x3  }
0x95: {  	_ =	strace s4  }
0x96: {  	s4 =	sld [smem:$0x3FFD];
	_ =	sdelay $0x3  }
0x97: {  	_ =	strace s4  }
0x98: {  	_ =	strace $0x8FFFFFFF  }
0x99: {  	s19 =	sld [smem:$0x3FDB];
	_ =	sdelay $0x1  }
0x9a: {  	s5 =	simm.s32 $_scs_section_size  }
0x9b: {  	s6 =	simm.s32 $_size__tile_overlayer_lowered;
	s7 =	simm.s32 $_tile_overlayer_lowered  }
0x9c: {  	s22 =	simm.s32 $0x1BFF;
	s21 =	sshll.u32 s7, $0x1;
	s4 =	sadd.s32 s5, s19  }
0x9d: {  	s8 =	simm.s32 $0x0;
	s20 =	sshll.u32 s6, $0x1;
	s6 =	sadd.s32 s21, s4  }
0x9e: {  	[timem:s8], [sflag:s22] =	dma.local [hbm:s6], s20  }
0x9f: {  	_ =	swait.ge [sflag:s22], s20  }
0xa0: {  	s5 =	ssub.s32 $0x0, s20;
	[sflag:s22] =	ssyncset.done $0x0  }
0xa1: {  	[sflag:s22] =	ssyncadd.s32 s5;
	_ =	sdelay $0x1  }
0xa2: {  	s23 =	simm.s32 $0x1B8B  }
0xa3: {  	_ =	swait.ge [sflag:s23], $0x1  }
0xa4: {  	[sflag:s23] =	ssyncset.done $0x0  }
0xa5: {  	s25 =	simm.s32 $0x1B8E;
	s24 =	sld [smem:$0x3FFE];
	[sflag:s23] =	ssyncadd.s32 $0xFFFFFFFF  }
0xa6: {  	s26 =	simm.s32 $execute0_lowered;
	[smem:$0x3FD2] =	sst s25  }
0xa7: {  	s6 =	sshll.u32 s26, $0x1;
	_ =	strace $0x80000046;
	[dreg:$0x1] =	wrdreg $0xFFFFFFFF  }
0xa8: {  	s28 =	simm.s32 $_size_execute0_lowered;
	s4 =	sadd.s32 s4, s6;
	[dreg:$0x0] =	wrdreg $0x0  }
0xa9: {  	s6 =	sshll.u32 s28, $0x1;
	[dreg:$0x2] =	wrdreg s4  }
0xaa: {  	[dreg:$0x3] =	wrdreg s6  }
0xab: {  	[dreg:$0x4] =	wrdreg $0xC0  }
0xac: {  	_ =	task [dreg:s8], $0x5FFFF  }
0xad: {  	[dreg:$0x1] =	wrdreg $0xFFFFFFFF  }
0xae: {  	[dreg:$0x0] =	wrdreg $0x60  }
0xaf: {  	[dreg:$0x2] =	wrdreg s2  }
0xb0: {  	[dreg:$0x3] =	wrdreg s24  }
0xb1: {  	[dreg:$0x4] =	wrdreg s18  }
0xb2: {  	[dreg:$0x5] =	wrdreg $0x9  }
0xb3: {  	_ =	task.clear_ibuf [dreg:s8], $0x6FFFF;
	_ =	strace $0x90000046  }
0xb4: {  	s29 =	simm.s32 $0x9;
	_ =	strace $0x80000048  }
0xb5: {  	_ =	swait.ge [sflag:s29], $0x1  }
0xb6: {  	[sflag:s29] =	ssyncadd.s32 $0xFFFFFFFF  }
0xb7: {  	_ =	strace $0x90000048  }
0xb8: {  	_ =	sfence  }
0xb9: {  	s30 =	sld [smem:$0x0];
	_ =	sdelay $0x2  }
0xba: {  	s31 =	sshll.u32 s1, $0xD;
	s1 =	sshrl.u32 s1, $0x2  }
0xbb: {  	s3 =	sand.u32 $0x4000, s31;
	s1 =	sadd.s32 s1, s30  }
0xbc: {  	s0 =	sor.u32 s3, s0;
	s1 =	sshll.u32 s1, $0x11  }
0xbd: {  	s0 =	sor.u32 s1, s0  }
0xbe: {  	s0 =	sadd.s32 $0x8F2B, s0  }
0xbf: {  	[sflag:s0] =	ssyncadd.remote.s32 $0x1  }
0xc0: {  	_ =	sfence.sel $0xFFFF  }
0xc1: {  	[dreg:$0x0] =	wrdreg $0xFFFFFFFF;
	(pc) =	sbr.abs _section_cstart, $3  }
0xc2: {  	[dreg:$0x1] =	wrdreg $0xFFFFFFFF  }
0xc3: {  	_ =	task.clear_ibuf [dreg:s8], $0x2FFFF;
	_ =	strace $0x9FFFFFFF  }
0xc4: {  	(tm) =	ssettm $0x7FFFFFFF  }
0xc5: {  	_ =	shalt  }
tec
execute0_lowered:
.L_overlay_start_1:
0x0: {  	(tag) =	ssettag $0x1  }
0x1: {  	s1 =	rddreg [dreg:$0x0]  }
0x2: {  	s0 =	rddreg [dreg:$0x1]  }
0x3: {  	s2 =	rddreg [dreg:$0x2];
	s4 =	srdreg.scid  }
0x4: {  	s3 =	simm.s32 $0x0;
	s5 =	stileid.u32;
	s20 =	simm.s32 $0x3  }
0x5: {  	s28 =	simm.s32 $0xE000;
	s29 =	simm.s32 $0x10000;
	s30 =	simm.s32 $0x12000  }
0x6: {  	s31 =	simm.s32 $0x1;
	s4 =	sand.u32 $0x1, s4;
	[smem:$0x7FF] =	sst s3  }
0x7: {  	s5 =	sshll.u32 s5, $0xA;
	s0 =	sadd.s32 $0x400, s0;
	s6 =	sshll.u32 s4, $0x9  }
0x8: {  	_ =	strace $0x80000047;
	s4 =	ssub.s32 $0x2, s4;
	s6 =	sor.u32 s6, s5  }
0x9: {  	[dreg:$0x4] =	wrdreg s0;
	s21 =	sshrl.u32 s4, $0x1;
	s5 =	sshll.u32 s6, $0x4  }
0xa: {  	s0 =	ssub.s32 s4, s21;
	s22 =	sshll.u32 s6, $0x7;
	s26 =	sshrl.u32 s6, $0x3  }
0xb: {  	s21 =	simm.s32 $0x0;
	s5 =	sadd.s32 s1, s5;
	s15 =	sor.u32 $0x4000, s22  }
0xc: {  	s16 =	sor.u32 $0x6000, s22;
	s17 =	sadd.s32 s2, s26;
	s18 =	smax.u32 s0, $0x1  }
0xd: {  	s26 =	simm.s32 $0xC000;
	s0 =	simm.s32 $0x14800;
	s2 =	simm.s32 $0x2  }
.Ltmp0:
0xe: {  	s7 =	sadd.s32 $0x40000, s5;
	s23 =	sadd.s32 $0x80000, s5;
	(pc) =	sbr.rel .LBB2_1-.Ltmp0, $4  }
0xf: {  	s24 =	sadd.s32 $0xC0000, s5;
	s25 =	sadd.s32 $0x100000, s5;
	[dreg:$0x5] =	wrdreg s7  }
0x10: {  	s10 =	sadd.s32 $0x400, s5;
	s11 =	sadd.s32 $0x40400, s5;
	[dreg:$0x6] =	wrdreg s23  }
0x11: {  	v0 =	vlaneseq.u32;
	s12 =	sadd.s32 $0x80400, s5;
	s13 =	sadd.s32 $0xC0400, s5;
	[dreg:$0x7] =	wrdreg s24  }
0x12: {  	v0 =	vmul.u32 $0x10, v0;
	s14 =	sadd.s32 $0x100400, s5;
	[dreg:$0x8] =	wrdreg s25;
	s25 =	simm.s32 $0xA000  }
.LBB2_12:
0x13: {  	s21 =	sadd.s32 $0x1, s21  }
0x14: {  	p0 =	sne.s32 s21, s18  }
.Ltmp1:
0x15: {  	s4 =	simm.s32 $0x14900;
	(pc) =	sbr.rel @!p0 .LBB2_13-.Ltmp1, $4  }
0x16: {  	[hbm4b:s17+s3] =	stream.linear.scatter [tilespmem:s4], [sflag:$0x3], $0x200, $0x38;
	[tilespmem:$0x14B00] =	vst v63  }
0x17: {  	_ =	swait.ge [sflag:s20], $0x200  }
0x18: {  	[sflag:s20] =	ssyncset.done $0x0  }
0x19: {  	[sflag:s20] =	ssyncadd.s32 $0xFFFFFE00  }
.LBB2_1:
0x1a: {  	s4 =	rddreg [dreg:$0x4];
	s6 =	simm.s32 $0x14000  }
0x1b: {  	[tilespmem:s6], [sflag:$0x3] =	stream.linear.gather [hbm4b:s4+s3], $0x500, $0x38;
	[tilespmem:$0x14B00] =	vst v63  }
0x1c: {  	_ =	swait.ge [sflag:s20], $0x500  }
0x1d: {  	[sflag:s20] =	ssyncset.done $0x0  }
0x1e: {  	[sflag:s20] =	ssyncadd.s32 $0xFFFFFB00  }
0x1f: {  	v1 =	vld [tilespmem:$0x14000]  }
0x20: {  	v2 =	vld [tilespmem:$0x14080]  }
0x21: {  	v3 =	vld [tilespmem:$0x14100]  }
0x22: {  	v4 =	vld [tilespmem:$0x14180]  }
0x23: {  	v5 =	vld [tilespmem:$0x14200]  }
0x24: {  	v6 =	vld [tilespmem:$0x14280]  }
0x25: {  	v7 =	vld [tilespmem:$0x14300]  }
0x26: {  	v8 =	vld [tilespmem:$0x14380]  }
0x27: {  	v9 =	vld [tilespmem:$0x14400]  }
0x28: {  	v10 =	vld [tilespmem:$0x14480];
	[tilespmem:s3], [sflag:$0x1] =	stream.linear.gather [hbm4b:s5+s3], $0x2000, $0x38  }
0x29: {  	s7 =	simm.s32 $0x2000;
	s6 =	rddreg [dreg:$0x5]  }
0x2a: {  	[tilespmem:s7], [sflag:$0x1] =	stream.linear.gather [hbm4b:s6+s3], $0x2000, $0x38;
	[tilespmem:$0x14B00] =	vst v63  }
0x2b: {  	s9 =	simm.s32 $0x4000;
	s8 =	rddreg [dreg:$0x6]  }
0x2c: {  	[tilespmem:s9], [sflag:$0x1] =	stream.linear.gather [hbm4b:s8+s3], $0x2000, $0x38;
	[tilespmem:$0x14B00] =	vst v63  }
0x2d: {  	s22 =	simm.s32 $0x6000;
	s19 =	rddreg [dreg:$0x7]  }
0x2e: {  	[tilespmem:s22], [sflag:$0x1] =	stream.linear.gather [hbm4b:s19+s3], $0x2000, $0x38;
	[tilespmem:$0x14B00] =	vst v63  }
0x2f: {  	s24 =	simm.s32 $0x8000;
	s23 =	rddreg [dreg:$0x8]  }
0x30: {  	[tilespmem:s24], [sflag:$0x1] =	stream.linear.gather [hbm4b:s23+s3], $0x2000, $0x38;
	[tilespmem:$0x14B00] =	vst v63  }
0x31: {  	_ = 	snop  }
0x32: {  	[tilespmem:s25], [sflag:$0x2] =	stream.linear.gather [hbm4b:s10+s3], $0x2000, $0x38;
	[tilespmem:$0x14B00] =	vst v63  }
0x33: {  	_ = 	snop  }
0x34: {  	[tilespmem:s26], [sflag:$0x2] =	stream.linear.gather [hbm4b:s11+s3], $0x2000, $0x38;
	[tilespmem:$0x14B00] =	vst v63  }
0x35: {  	_ = 	snop  }
0x36: {  	[tilespmem:s28], [sflag:$0x2] =	stream.linear.gather [hbm4b:s12+s3], $0x2000, $0x38;
	[tilespmem:$0x14B00] =	vst v63  }
0x37: {  	_ = 	snop  }
0x38: {  	[tilespmem:s29], [sflag:$0x2] =	stream.linear.gather [hbm4b:s13+s3], $0x2000, $0x38;
	[tilespmem:$0x14B00] =	vst v63  }
0x39: {  	s22 =	simm.s32 $0x0  }
0x3a: {  	[tilespmem:s30], [sflag:$0x2] =	stream.linear.gather [hbm4b:s14+s3], $0x2000, $0x38;
	[tilespmem:$0x14B00] =	vst v63  }
.LBB2_2:
0x3b: {  	_ =	swait.ge [sflag:s31], $0x2000  }
0x3c: {  	[sflag:s31] =	ssyncset.done $0x0  }
0x3d: {  	[sflag:s31] =	ssyncadd.s32 $0xFFFFE000  }
0x3e: {  	_ =	swait.ge [sflag:s31], $0x2000  }
0x3f: {  	[sflag:s31] =	ssyncset.done $0x0  }
0x40: {  	[sflag:s31] =	ssyncadd.s32 $0xFFFFE000  }
0x41: {  	_ =	swait.ge [sflag:s31], $0x2000  }
0x42: {  	[sflag:s31] =	ssyncset.done $0x0  }
0x43: {  	[sflag:s31] =	ssyncadd.s32 $0xFFFFE000  }
0x44: {  	_ =	swait.ge [sflag:s31], $0x2000  }
0x45: {  	[sflag:s31] =	ssyncset.done $0x0  }
0x46: {  	s4 =	sshll.u32 s22, $0x7;
	[sflag:s31] =	ssyncadd.s32 $0xFFFFE000  }
0x47: {  	s23 =	sand.u32 $0x3FFFFF80, s4;
	_ =	swait.ge [sflag:s31], $0x2000  }
0x48: {  	s4 =	sadd.s32 $0x14900, s23;
	[sflag:s31] =	ssyncset.done $0x0  }
0x49: {  	s24 =	simm.s32 $0x0;
	s19 =	simm.s32 $0x0;
	v26 =	vmov s4;
	[sflag:s31] =	ssyncadd.s32 $0xFFFFE000  }
.LBB2_3:
0x4a: {  	v11 =	vmov s24;
	_ =	sdelay $0x3  }
0x4b: {  	s4 =	simm.s32 $0x0  }
0x4c: {  	v12 =	vld.idx.msk [tilespmem:v11+s4+$0x6000 ss:$0x1], $0xffff  }
0x4d: {  	v13 =	vld.idx.msk [tilespmem:v11+s4+$0x4000 ss:$0x1], $0xffff  }
0x4e: {  	v14 =	vld.idx.msk [tilespmem:v11+s4+$0x0 ss:$0x1], $0xffff  }
0x4f: {  	v15 =	vld.idx.msk [tilespmem:v11+s4+$0x2000 ss:$0x1], $0xffff  }
0x50: {  	v16 =	vld.idx.msk [tilespmem:v11+s4+$0x2010 ss:$0x1], $0xffff  }
0x51: {  	v18 =	vld.idx.msk [tilespmem:v11+s4+$0x6010 ss:$0x1], $0xffff  }
0x52: {  	v20 =	vld.idx.msk [tilespmem:v11+s4+$0x10 ss:$0x1], $0xffff  }
0x53: {  	v22 =	vld.idx.msk [tilespmem:v11+s4+$0x4010 ss:$0x1], $0xffff  }
0x54: {  	v29 =	vld.idx.msk [tilespmem:v11+s4+$0x4020 ss:$0x1], $0xffff;
	v17 =	vmul.f32 v12, v13  }
0x55: {  	v31 =	vld.idx.msk [tilespmem:v11+s4+$0x6020 ss:$0x1], $0xffff;
	v19 =	vmul.f32 v13, v14;
	v21 =	vmul.f32 v15, v14  }
0x56: {  	v14 =	vmul.f32 v12, v14;
	v23 =	vmul.f32 v13, v15  }
0x57: {  	v28 =	vmul.f32 v18, v16;
	v15 =	vmul.f32 v12, v15  }
0x58: {  	v30 =	vmul.f32 v22, v20;
	v33 =	vmul.f32 v18, v22  }
0x59: {  	v35 =	vmul.f32 v16, v20;
	v16 =	vmul.f32 v22, v16  }
0x5a: {  	v20 =	vmul.f32 v18, v20;
	v36 =	vmul.f32 v31, v29  }
0x5b: {  	v24 =	vmul.f32 v19, v5;
	v25 =	vmul.f32 v21, v3  }
0x5c: {  	v17 =	vmul.f32 v17, v10;
	v14 =	vmul.f32 v14, v6  }
0x5d: {  	v19 =	vmul.f32 v19, v4;
	v27 =	vmul.f32 v23, v7  }
0x5e: {  	v23 =	vmul.f32 v23, v8;
	v32 =	vmul.f32 v21, v1  }
0x5f: {  	v15 =	vmul.f32 v15, v9;
	v21 =	vmul.f32 v21, v2  }
0x60: {  	v34 =	vmul.f32 v30, v4;
	v24 =	vadd.f32 v24, v25;
	v25 =	vmul.f32 v30, v5;
	v30 =	vld.idx.msk [tilespmem:v11+s4+$0x20 ss:$0x1], $0xffff  }
0x61: {  	v61 =	vmul.f32 v16, v7;
	v20 =	vmul.f32 v20, v6;
	v19 =	vadd.f32 v19, v21  }
0x62: {  	v16 =	vmul.f32 v16, v8;
	v37 =	vmul.f32 v35, v3;
	v14 =	vadd.f32 v14, v24;
	v24 =	vld.idx.msk [tilespmem:v11+s4+$0x2020 ss:$0x1], $0xffff  }
0x63: {  	v50 =	vmul.f32 v36, v10;
	v13 =	vmul.f32 v32, v13;
	v19 =	vadd.f32 v19, v27  }
0x64: {  	v46 =	vld.idx.msk [tilespmem:v11+s4+$0x30 ss:$0x1], $0xffff;
	v21 =	vmul.f32 v28, v9;
	v14 =	vadd.f32 v14, v23;
	v23 =	vmul.f32 v35, v2  }
0x65: {  	v25 =	vadd.f32 v25, v37;
	v27 =	vld.idx.msk [tilespmem:v11+s4+$0x4030 ss:$0x1], $0xffff;
	v12 =	vmul.f32 v19, v12;
	v62 =	vmul.f32 v29, v30  }
0x66: {  	v28 =	vmul.f32 v31, v30;
	v14 =	vadd.f32 v14, v15;
	v15 =	vmul.f32 v35, v1  }
0x67: {  	v63 =	vmul.f32 v31, v24;
	v39 =	vmul.f32 v62, v5  }
0x68: {  	v20 =	vadd.f32 v20, v25;
	v44 =	vmul.f32 v29, v24;
	v24 =	vmul.f32 v24, v30  }
0x69: {  	v12 =	vadd.f32 v12, v13;
	v25 =	vmul.f32 v28, v6;
	v30 =	vmul.f32 v62, v4  }
0x6a: {  	v38 =	vld.idx.msk [tilespmem:v11+s4+$0x8000 ss:$0x1], $0xffff;
	v13 =	vmul.f32 v27, v46;
	v14 =	vadd.f32 v14, v17;
	v17 =	vmul.f32 v33, v10  }
0x6b: {  	v40 =	vld.idx.msk [tilespmem:v11+s4+$0x6030 ss:$0x1], $0xffff;
	v16 =	vadd.f32 v20, v16;
	v15 =	vmul.f32 v15, v22;
	v45 =	vmul.f32 v44, v8  }
0x6c: {  	v23 =	vadd.f32 v34, v23;
	v28 =	vld.idx.msk [tilespmem:v11+s4+$0x2030 ss:$0x1], $0xffff;
	v20 =	vmul.f32 v24, v2;
	v19 =	vmul.f32 v24, v3  }
0x6d: {  	v47 =	vld.idx.msk [tilespmem:v11+s4+$0x8010 ss:$0x1], $0xffff;
	v16 =	vadd.f32 v16, v21;
	v21 =	vmul.f32 v24, v1;
	v24 =	vmul.f32 v44, v7  }
0x6e: {  	v23 =	vadd.f32 v23, v61;
	v49 =	vmul.f32 v13, v5;
	v13 =	vmul.f32 v13, v4  }
0x6f: {  	v51 =	vmul.f32 v63, v9;
	v14 =	vmul.f32 v14, v38  }
0x70: {  	v16 =	vadd.f32 v16, v17;
	v18 =	vmul.f32 v23, v18;
	v21 =	vmul.f32 v21, v29  }
0x71: {  	v20 =	vadd.f32 v30, v20;
	v22 =	vmul.f32 v40, v28;
	v23 =	vmul.f32 v28, v46  }
0x72: {  	v48 =	vld.idx.msk [tilespmem:v11+s4+$0x6040 ss:$0x1], $0xffff;
	v17 =	vmul.f32 v27, v28;
	v28 =	vmul.f32 v16, v47;
	v16 =	vadd.f32 v39, v19  }
0x73: {  	v52 =	vld.idx.msk [tilespmem:v11+s4+$0x4040 ss:$0x1], $0xffff;
	v20 =	vadd.f32 v20, v24;
	v24 =	vmul.f32 v40, v46;
	v29 =	vmul.f32 v23, v2  }
0x74: {  	v19 =	vld.idx.msk [tilespmem:v11+s4+$0x2040 ss:$0x1], $0xffff;
	v12 =	vadd.f32 v14, v12;
	v30 =	vmul.f32 v23, v3;
	v14 =	vmul.f32 v17, v8  }
0x75: {  	v25 =	vadd.f32 v25, v16;
	v17 =	vmul.f32 v17, v7;
	v23 =	vmul.f32 v23, v1  }
0x76: {  	v16 =	vld.idx.msk [tilespmem:v11+s4+$0x40 ss:$0x1], $0xffff;
	v22 =	vmul.f32 v22, v9;
	v12 =	vadd.f32 v12, v15;
	v24 =	vmul.f32 v24, v6  }
0x77: {  	v20 =	vmul.f32 v20, v31;
	v30 =	vadd.f32 v49, v30;
	v13 =	vadd.f32 v13, v29  }
0x78: {  	v53 =	vmul.f32 v23, v27;
	v12 =	vadd.f32 v18, v12;
	v18 =	vadd.f32 v25, v45  }
0x79: {  	v29 =	vmul.f32 v48, v19;
	v15 =	vmul.f32 v52, v19;
	v24 =	vadd.f32 v24, v30  }
0x7a: {  	v55 =	vld.idx.msk [tilespmem:v11+s4+$0x4050 ss:$0x1], $0xffff;
	v30 =	vmul.f32 v40, v27;
	v17 =	vadd.f32 v13, v17;
	v27 =	vmul.f32 v48, v52  }
0x7b: {  	v23 =	vld.idx.msk [tilespmem:v11+s4+$0x2050 ss:$0x1], $0xffff;
	v12 =	vadd.f32 v28, v12;
	v31 =	vmul.f32 v48, v16;
	v13 =	vmul.f32 v29, v9  }
0x7c: {  	v19 =	vmul.f32 v19, v16;
	v54 =	vmul.f32 v52, v16;
	v14 =	vadd.f32 v24, v14;
	v24 =	vld.idx.msk [tilespmem:v11+s4+$0x8030 ss:$0x1], $0xffff  }
0x7d: {  	v56 =	vmul.f32 v15, v8;
	v29 =	vmul.f32 v30, v10;
	v30 =	vld.idx.msk [tilespmem:v11+s4+$0x50 ss:$0x1], $0xffff;
	v12 =	vadd.f32 v12, v21  }
0x7e: {  	v16 =	vmul.f32 v17, v40;
	v25 =	vmul.f32 v31, v6;
	v22 =	vadd.f32 v14, v22;
	v14 =	vld.idx.msk [tilespmem:v11+s4+$0x6050 ss:$0x1], $0xffff  }
0x7f: {  	v28 =	vmul.f32 v19, v2;
	v21 =	vmul.f32 v54, v5;
	v12 =	vadd.f32 v20, v12  }
0x80: {  	v20 =	vmul.f32 v27, v10;
	v17 =	vadd.f32 v22, v29;
	v22 =	vmul.f32 v15, v7  }
0x81: {  	v35 =	vadd.f32 v18, v51;
	v31 =	vld.idx.msk [tilespmem:v11+s4+$0x8020 ss:$0x1], $0xffff;
	v29 =	vmul.f32 v19, v1;
	v19 =	vmul.f32 v19, v3  }
0x82: {  	v57 =	vmul.f32 v55, v30;
	v17 =	vmul.f32 v17, v24  }
0x83: {  	v34 =	vadd.f32 v35, v50;
	v24 =	vmul.f32 v54, v4;
	v18 =	vmul.f32 v14, v23  }
0x84: {  	v19 =	vadd.f32 v21, v19;
	v15 =	vmul.f32 v14, v30;
	v30 =	vmul.f32 v23, v30  }
0x85: {  	v59 =	vmul.f32 v57, v5;
	v24 =	vadd.f32 v24, v28;
	v28 =	vmul.f32 v55, v23  }
0x86: {  	v23 =	vmul.f32 v34, v31;
	v31 =	vmul.f32 v57, v4  }
0x87: {  	v19 =	vadd.f32 v25, v19;
	v27 =	vmul.f32 v30, v2;
	v61 =	vmul.f32 v30, v1  }
0x88: {  	v25 =	vld.idx.msk [tilespmem:v11+s4+$0x60 ss:$0x1], $0xffff;
	v41 =	vmul.f32 v30, v3;
	v58 =	vadd.f32 v24, v22;
	v22 =	vmul.f32 v15, v6  }
0x89: {  	v15 =	vld.idx.msk [tilespmem:v11+s4+$0x4060 ss:$0x1], $0xffff;
	v60 =	vadd.f32 v23, v12;
	v24 =	vmul.f32 v29, v52;
	v63 =	vmul.f32 v28, v7  }
0x8a: {  	v23 =	vld.idx.msk [tilespmem:v11+s4+$0x2060 ss:$0x1], $0xffff;
	v30 =	vadd.f32 v19, v56;
	v62 =	vadd.f32 v31, v27;
	v27 =	vmul.f32 v28, v8  }
0x8b: {  	v12 =	vld.idx.msk [tilespmem:v11+s4+$0x6060 ss:$0x1], $0xffff;
	v31 =	vmul.f32 v14, v55;
	v29 =	vadd.f32 v59, v41;
	v19 =	vmul.f32 v61, v55  }
0x8c: {  	s7 =	simm.s32 $0x14800;
	s8 =	simm.s32 $0x200;
	s6 =	simm.s32 $0x14800;
	v28 =	vld.idx.msk [tilespmem:v11+s4+$0x8040 ss:$0x1], $0xffff;
	v21 =	vmul.f32 v58, v48;
	v32 =	vadd.f32 v60, v53;
	v33 =	vadd.f32 v62, v63  }
.LBB2_4:
0x8d: {  	p0 =	sne.s32 s8, $0x1E00  }
0x8e: {  	v13 =	vadd.f32 v30, v13;
	v30 =	vmul.f32 v31, v10;
	s7 =	sadd.s32 $0x10, s7;
	s9 =	smov.u32 s8;
	s8 =	sadd.s32 $0x200, s8  }
0x8f: {  	v31 =	vmul.f32 v15, v23;
	v16 =	vadd.f32 v16, v32;
	v14 =	vmul.f32 v33, v14  }
0x90: {  	v18 =	vmul.f32 v18, v9;
	v13 =	vadd.f32 v13, v20;
	v20 =	vmul.f32 v12, v23  }
0x91: {  	v16 =	vadd.f32 v17, v16;
	v17 =	vadd.f32 v22, v29;
	v22 =	vmul.f32 v31, v8  }
0x92: {  	v13 =	vmul.f32 v13, v28;
	v28 =	vmul.f32 v12, v25  }
0x93: {  	v23 =	vmul.f32 v23, v25;
	v16 =	vadd.f32 v16, v24;
	v24 =	vld.idx.msk [tilespmem:v11+s4+$0x8050 ss:$0x1], $0xffff;
	v17 =	vadd.f32 v17, v27  }
0x94: {  	v25 =	vmul.f32 v15, v25;
	v27 =	vmul.f32 v12, v15;
	v29 =	vld.idx.msk [tilespmem:v11+s4+$0x4070 ss:$0x1], $0xffff  }
0x95: {  	v16 =	vadd.f32 v21, v16;
	v17 =	vadd.f32 v17, v18;
	v18 =	vmul.f32 v23, v1;
	v21 =	vld.idx.msk [tilespmem:v11+s4+$0x2070 ss:$0x1], $0xffff  }
0x96: {  	v32 =	vmul.f32 v25, v4;
	v28 =	vmul.f32 v28, v6;
	v33 =	vld.idx.msk [tilespmem:v11+s4+$0x70 ss:$0x1], $0xffff  }
0x97: {  	v13 =	vadd.f32 v13, v16;
	v16 =	vadd.f32 v17, v30;
	v17 =	vmul.f32 v23, v2  }
0x98: {  	v30 =	vmul.f32 v31, v7;
	v23 =	vmul.f32 v23, v3  }
0x99: {  	v13 =	vadd.f32 v13, v19;
	v16 =	vmul.f32 v16, v24;
	v19 =	vmul.f32 v25, v5  }
0x9a: {  	v15 =	vmul.f32 v18, v15;
	v18 =	vmul.f32 v20, v9;
	v17 =	vadd.f32 v32, v17;
	v20 =	vld.idx.msk [tilespmem:v11+s4+$0x6070 ss:$0x1], $0xffff  }
0x9b: {  	v13 =	vadd.f32 v14, v13;
	v14 =	vadd.f32 v19, v23;
	v19 =	vmul.f32 v29, v21  }
0x9c: {  	v17 =	vadd.f32 v17, v30;
	v23 =	vmul.f32 v21, v33;
	v24 =	vmul.f32 v29, v33  }
0x9d: {  	v13 =	vadd.f32 v16, v13;
	v14 =	vadd.f32 v28, v14;
	v16 =	vmul.f32 v19, v7  }
0x9e: {  	v17 =	vmul.f32 v17, v12;
	v12 =	vmul.f32 v24, v4  }
0x9f: {  	v24 =	vmul.f32 v24, v5;
	v25 =	vld.idx.msk [tilespmem:v11+s4+$0x8060 ss:$0x1], $0xffff;
	v14 =	vadd.f32 v14, v22;
	v22 =	vmul.f32 v23, v2  }
0xa0: {  	v13 =	vadd.f32 v13, v15;
	v15 =	vmul.f32 v27, v10;
	v27 =	vmul.f32 v20, v33  }
0xa1: {  	s9 =	sshra.s32 s9, $0x2;
	v14 =	vadd.f32 v14, v18;
	v18 =	vadd.f32 v12, v22;
	v22 =	vmul.f32 v23, v3  }
0xa2: {  	v23 =	vmul.f32 v23, v1;
	v27 =	vmul.f32 v27, v6;
	v12 =	vld.idx.msk [tilespmem:v11+s9+$0x6000 ss:$0x1], $0xffff  }
0xa3: {  	v28 =	vld.idx.msk [tilespmem:v11+s9+$0x4000 ss:$0x1], $0xffff;
	v14 =	vadd.f32 v14, v15;
	v15 =	vmul.f32 v20, v21;
	v21 =	vadd.f32 v24, v22  }
0xa4: {  	v13 =	vadd.f32 v17, v13;
	v17 =	vmul.f32 v19, v8;
	v16 =	vadd.f32 v18, v16;
	v22 =	vld.idx.msk [tilespmem:v11+s9+$0x0 ss:$0x1], $0xffff  }
0xa5: {  	v18 =	vld.idx.msk [tilespmem:v11+s9+$0x2000 ss:$0x1], $0xffff;
	v14 =	vmul.f32 v14, v25;
	v19 =	vadd.f32 v27, v21;
	v15 =	vmul.f32 v15, v9  }
0xa6: {  	v23 =	vmul.f32 v23, v29;
	v21 =	vmul.f32 v20, v29  }
0xa7: {  	v13 =	vadd.f32 v14, v13;
	v14 =	vld.idx.msk [tilespmem:v11+s4+$0x8070 ss:$0x1], $0xffff;
	v17 =	vadd.f32 v19, v17;
	s4 =	smov.u32 s9  }
0xa8: {  	v16 =	vmul.f32 v16, v20;
	v20 =	vmul.f32 v21, v10;
	v19 =	vld.idx.msk [tilespmem:v11+s4+$0x2010 ss:$0x1], $0xffff  }
0xa9: {  	v21 =	vmul.f32 v12, v28;
	v24 =	vld.idx.msk [tilespmem:v11+s4+$0x6010 ss:$0x1], $0xffff;
	v13 =	vadd.f32 v13, v23;
	v15 =	vadd.f32 v17, v15  }
0xaa: {  	v17 =	vmul.f32 v28, v22;
	v23 =	vmul.f32 v12, v22;
	v25 =	vld.idx.msk [tilespmem:v11+s4+$0x10 ss:$0x1], $0xffff  }
0xab: {  	v22 =	vmul.f32 v18, v22;
	v27 =	vld.idx.msk [tilespmem:v11+s4+$0x4010 ss:$0x1], $0xffff;
	v13 =	vadd.f32 v16, v13;
	v15 =	vadd.f32 v15, v20  }
0xac: {  	v16 =	vmul.f32 v28, v18;
	v20 =	vmul.f32 v17, v5  }
0xad: {  	v21 =	vmul.f32 v21, v10;
	v29 =	vmul.f32 v22, v3  }
0xae: {  	v23 =	vmul.f32 v23, v6;
	v14 =	vmul.f32 v15, v14  }
0xaf: {  	v15 =	vmul.f32 v17, v4;
	v17 =	vmul.f32 v16, v7;
	v20 =	vadd.f32 v20, v29  }
0xb0: {  	v16 =	vmul.f32 v16, v8;
	v29 =	vmul.f32 v24, v19;
	v13 =	vadd.f32 v14, v13;
	v30 =	vld.idx.msk [tilespmem:v11+s4+$0x4020 ss:$0x1], $0xffff  }
0xb1: {  	v14 =	vmul.f32 v12, v18;
	v18 =	vadd.f32 v23, v20;
	v20 =	vmul.f32 v27, v25;
	v23 =	vld.idx.msk [tilespmem:v11+s4+$0x6020 ss:$0x1], $0xffff  }
0xb2: {  	v31 =	vmul.f32 v22, v1;
	v32 =	vmul.f32 v24, v27;
	v33 =	vld.idx.msk [tilespmem:v11+s4+$0x20 ss:$0x1], $0xffff;
	[tilespmem:s6+$0x0] =	vst v13;
	s6 =	smov.u32 s7  }
0xb3: {  	v14 =	vmul.f32 v14, v9;
	v16 =	vadd.f32 v18, v16;
	v18 =	vmul.f32 v20, v4;
	v13 =	vld.idx.msk [tilespmem:v11+s4+$0x8000 ss:$0x1], $0xffff  }
0xb4: {  	v22 =	vmul.f32 v22, v2;
	v20 =	vmul.f32 v20, v5;
	v34 =	vld.idx.msk [tilespmem:v11+s4+$0x2020 ss:$0x1], $0xffff  }
0xb5: {  	v14 =	vadd.f32 v16, v14;
	v16 =	vmul.f32 v19, v25;
	v19 =	vmul.f32 v27, v19  }
0xb6: {  	v28 =	vmul.f32 v31, v28;
	v15 =	vadd.f32 v15, v22;
	v22 =	vmul.f32 v24, v25  }
0xb7: {  	v14 =	vadd.f32 v14, v21;
	v21 =	vmul.f32 v19, v7;
	v25 =	vmul.f32 v23, v30  }
0xb8: {  	v15 =	vadd.f32 v15, v17;
	v17 =	vmul.f32 v22, v6;
	v19 =	vmul.f32 v19, v8  }
0xb9: {  	v22 =	vmul.f32 v16, v2;
	v31 =	vmul.f32 v16, v3  }
0xba: {  	v16 =	vmul.f32 v16, v1;
	v35 =	vmul.f32 v30, v33  }
0xbb: {  	v29 =	vmul.f32 v29, v9;
	v20 =	vadd.f32 v20, v31;
	v31 =	vmul.f32 v23, v33  }
0xbc: {  	v18 =	vadd.f32 v18, v22;
	v22 =	vmul.f32 v23, v34;
	v36 =	vmul.f32 v35, v5;
	v37 =	vld.idx.msk [tilespmem:v11+s4+$0x4030 ss:$0x1], $0xffff  }
0xbd: {  	v17 =	vadd.f32 v17, v20;
	v20 =	vmul.f32 v32, v10;
	v32 =	vmul.f32 v30, v34;
	v38 =	vld.idx.msk [tilespmem:v11+s4+$0x6030 ss:$0x1], $0xffff  }
0xbe: {  	v18 =	vadd.f32 v18, v21;
	v21 =	vmul.f32 v34, v33;
	v31 =	vmul.f32 v31, v6;
	v33 =	vld.idx.msk [tilespmem:v11+s4+$0x2030 ss:$0x1], $0xffff  }
0xbf: {  	v17 =	vadd.f32 v17, v19;
	v19 =	vmul.f32 v35, v4;
	v35 =	vmul.f32 v32, v8;
	v34 =	vld.idx.msk [tilespmem:v11+s4+$0x8010 ss:$0x1], $0xffff  }
0xc0: {  	v13 =	vmul.f32 v14, v13;
	v14 =	vmul.f32 v21, v2;
	v39 =	vld.idx.msk [tilespmem:v11+s4+$0x30 ss:$0x1], $0xffff  }
0xc1: {  	v12 =	vmul.f32 v15, v12;
	v15 =	vadd.f32 v17, v29;
	v17 =	vmul.f32 v21, v3  }
0xc2: {  	v21 =	vmul.f32 v21, v1;
	v29 =	vmul.f32 v32, v7  }
0xc3: {  	v16 =	vmul.f32 v16, v27;
	v14 =	vadd.f32 v19, v14;
	v15 =	vadd.f32 v15, v20  }
0xc4: {  	v12 =	vadd.f32 v12, v28;
	v17 =	vadd.f32 v36, v17;
	v19 =	vmul.f32 v38, v33  }
0xc5: {  	v20 =	vmul.f32 v21, v30;
	v14 =	vadd.f32 v14, v29;
	v21 =	vmul.f32 v37, v33  }
0xc6: {  	v18 =	vmul.f32 v18, v24;
	v17 =	vadd.f32 v31, v17;
	v24 =	vmul.f32 v33, v39;
	v27 =	vld.idx.msk [tilespmem:v11+s4+$0x2040 ss:$0x1], $0xffff  }
0xc7: {  	v12 =	vadd.f32 v13, v12;
	v13 =	vmul.f32 v15, v34;
	v15 =	vmul.f32 v37, v39;
	v28 =	vld.idx.msk [tilespmem:v11+s4+$0x6040 ss:$0x1], $0xffff  }
0xc8: {  	v17 =	vadd.f32 v17, v35;
	v29 =	vmul.f32 v24, v2;
	v30 =	vmul.f32 v24, v3;
	v31 =	vld.idx.msk [tilespmem:v11+s4+$0x40 ss:$0x1], $0xffff  }
0xc9: {  	v25 =	vmul.f32 v25, v10;
	v12 =	vadd.f32 v12, v16;
	v16 =	vmul.f32 v38, v39;
	v32 =	vld.idx.msk [tilespmem:v11+s4+$0x4040 ss:$0x1], $0xffff  }
0xca: {  	v33 =	vmul.f32 v15, v4;
	v15 =	vmul.f32 v15, v5  }
0xcb: {  	v12 =	vadd.f32 v18, v12;
	v18 =	vmul.f32 v22, v9;
	v16 =	vmul.f32 v16, v6  }
0xcc: {  	v22 =	vmul.f32 v14, v23;
	v14 =	vadd.f32 v15, v30;
	v15 =	vmul.f32 v21, v8  }
0xcd: {  	v12 =	vadd.f32 v13, v12;
	v13 =	vadd.f32 v33, v29;
	v21 =	vmul.f32 v21, v7;
	v23 =	vld.idx.msk [tilespmem:v11+s4+$0x8020 ss:$0x1], $0xffff  }
0xce: {  	v24 =	vmul.f32 v24, v1;
	v14 =	vadd.f32 v16, v14;
	v16 =	vmul.f32 v28, v27  }
0xcf: {  	v29 =	vmul.f32 v38, v37;
	v21 =	vadd.f32 v13, v21;
	v30 =	vmul.f32 v28, v31;
	v33 =	vld.idx.msk [tilespmem:v11+s4+$0x2050 ss:$0x1], $0xffff  }
0xd0: {  	v19 =	vmul.f32 v19, v9;
	v15 =	vadd.f32 v14, v15;
	v13 =	vmul.f32 v16, v9;
	v34 =	vld.idx.msk [tilespmem:v11+s4+$0x8030 ss:$0x1], $0xffff  }
0xd1: {  	v17 =	vadd.f32 v17, v18;
	v35 =	vmul.f32 v24, v37;
	v24 =	vmul.f32 v28, v32;
	v14 =	vld.idx.msk [tilespmem:v11+s4+$0x6050 ss:$0x1], $0xffff  }
0xd2: {  	v18 =	vmul.f32 v29, v10;
	v15 =	vadd.f32 v15, v19;
	v19 =	vmul.f32 v32, v27;
	v29 =	vld.idx.msk [tilespmem:v11+s4+$0x50 ss:$0x1], $0xffff  }
0xd3: {  	v12 =	vadd.f32 v12, v20;
	v20 =	vmul.f32 v27, v31;
	v27 =	vmul.f32 v32, v31;
	v36 =	vld.idx.msk [tilespmem:v11+s4+$0x4050 ss:$0x1], $0xffff  }
0xd4: {  	v16 =	vmul.f32 v21, v38;
	v15 =	vadd.f32 v15, v18;
	v21 =	vmul.f32 v19, v7  }
0xd5: {  	v12 =	vadd.f32 v22, v12;
	v31 =	vmul.f32 v20, v1;
	v30 =	vmul.f32 v30, v6  }
0xd6: {  	v22 =	vadd.f32 v17, v25;
	v17 =	vmul.f32 v15, v34;
	v15 =	vmul.f32 v27, v4  }
0xd7: {  	v25 =	vmul.f32 v20, v2;
	v18 =	vmul.f32 v14, v33  }
0xd8: {  	v19 =	vmul.f32 v19, v8;
	v34 =	vmul.f32 v14, v29  }
0xd9: {  	v15 =	vadd.f32 v15, v25;
	v25 =	vmul.f32 v27, v5;
	v27 =	vmul.f32 v36, v29  }
0xda: {  	v29 =	vmul.f32 v33, v29;
	v33 =	vmul.f32 v36, v33  }
0xdb: {  	v37 =	vmul.f32 v20, v3;
	v20 =	vmul.f32 v24, v10  }
0xdc: {  	v21 =	vadd.f32 v15, v21;
	v38 =	vmul.f32 v29, v2  }
0xdd: {  	v23 =	vmul.f32 v22, v23;
	v22 =	vmul.f32 v34, v6  }
0xde: {  	v25 =	vadd.f32 v25, v37;
	v34 =	vmul.f32 v27, v4;
	v37 =	vmul.f32 v27, v5;
	v15 =	vld.idx.msk [tilespmem:v11+s4+$0x4060 ss:$0x1], $0xffff  }
.Ltmp2:
0xdf: {  	v39 =	vadd.f32 v23, v12;
	v40 =	vmul.f32 v29, v1;
	v29 =	vmul.f32 v29, v3;
	v23 =	vld.idx.msk [tilespmem:v11+s4+$0x2060 ss:$0x1], $0xffff;
	(pc) =	sbr.rel @p0 .LBB2_4-.Ltmp2, $4  }
0xe0: {  	v24 =	vmul.f32 v31, v32;
	v21 =	vmul.f32 v21, v28;
	v30 =	vadd.f32 v30, v25;
	v12 =	vld.idx.msk [tilespmem:v11+s4+$0x6060 ss:$0x1], $0xffff  }
0xe1: {  	v27 =	vmul.f32 v33, v8;
	v34 =	vadd.f32 v34, v38;
	v38 =	vmul.f32 v33, v7;
	v25 =	vld.idx.msk [tilespmem:v11+s4+$0x60 ss:$0x1], $0xffff  }
0xe2: {  	v31 =	vmul.f32 v14, v36;
	v29 =	vadd.f32 v37, v29;
	v30 =	vadd.f32 v30, v19;
	v28 =	vld.idx.msk [tilespmem:v11+s4+$0x8040 ss:$0x1], $0xffff  }
0xe3: {  	v32 =	vadd.f32 v39, v35;
	v19 =	vmul.f32 v40, v36;
	v33 =	vadd.f32 v34, v38  }
0xe4: {  	_ = 	snop  }
0xe5: {  	v13 =	vadd.f32 v30, v13;
	v50 =	vmul.f32 v31, v10;
	v16 =	vadd.f32 v16, v32  }
0xe6: {  	v51 =	vmul.f32 v15, v23;
	v14 =	vmul.f32 v33, v14  }
0xe7: {  	v13 =	vadd.f32 v13, v20;
	v20 =	vmul.f32 v12, v23;
	v16 =	vadd.f32 v17, v16  }
0xe8: {  	v23 =	vmul.f32 v23, v25;
	v17 =	vmul.f32 v18, v9;
	v18 =	vadd.f32 v22, v29  }
0xe9: {  	v56 =	vmul.f32 v51, v7;
	v22 =	vmul.f32 v51, v8;
	v16 =	vadd.f32 v16, v24  }
0xea: {  	v53 =	vld.idx.msk [tilespmem:v11+s4+$0x2070 ss:$0x1], $0xffff;
	v13 =	vmul.f32 v13, v28;
	v20 =	vmul.f32 v20, v9;
	v18 =	vadd.f32 v18, v27  }
0xeb: {  	v55 =	vld.idx.msk [tilespmem:v11+s4+$0x70 ss:$0x1], $0xffff;
	v27 =	vmul.f32 v12, v25;
	v25 =	vmul.f32 v15, v25;
	v16 =	vadd.f32 v21, v16  }
0xec: {  	v24 =	vld.idx.msk [tilespmem:v11+s4+$0x8050 ss:$0x1], $0xffff;
	v21 =	vmul.f32 v12, v15;
	v17 =	vadd.f32 v18, v17;
	v18 =	vmul.f32 v23, v1  }
0xed: {  	v52 =	vld.idx.msk [tilespmem:v11+s4+$0x4070 ss:$0x1], $0xffff;
	v54 =	vmul.f32 v25, v4;
	v25 =	vmul.f32 v25, v5  }
0xee: {  	v13 =	vadd.f32 v13, v16;
	v16 =	vadd.f32 v17, v50;
	v17 =	vmul.f32 v23, v3  }
0xef: {  	v27 =	vmul.f32 v27, v6;
	v23 =	vmul.f32 v23, v2  }
0xf0: {  	v15 =	vmul.f32 v18, v15;
	v18 =	vld.idx.msk [tilespmem:v11+s4+$0x6070 ss:$0x1], $0xffff;
	v13 =	vadd.f32 v13, v19;
	v17 =	vadd.f32 v25, v17  }
0xf1: {  	v16 =	vmul.f32 v16, v24;
	v19 =	vadd.f32 v54, v23;
	v24 =	vmul.f32 v53, v55  }
0xf2: {  	v13 =	vadd.f32 v14, v13;
	v14 =	vmul.f32 v52, v55;
	v17 =	vadd.f32 v27, v17  }
0xf3: {  	v21 =	vmul.f32 v21, v10;
	v23 =	vmul.f32 v52, v53;
	v19 =	vadd.f32 v19, v56  }
0xf4: {  	v57 =	vmul.f32 v24, v3;
	v27 =	vmul.f32 v14, v4;
	v17 =	vadd.f32 v17, v22  }
0xf5: {  	v14 =	vmul.f32 v14, v5;
	v13 =	vadd.f32 v16, v13;
	v16 =	vld.idx.msk [tilespmem:v11+s4+$0x8060 ss:$0x1], $0xffff;
	v22 =	vmul.f32 v18, v55  }
0xf6: {  	v25 =	vmul.f32 v23, v7;
	v58 =	vmul.f32 v24, v2;
	v17 =	vadd.f32 v17, v20  }
0xf7: {  	v13 =	vadd.f32 v13, v15;
	v15 =	vmul.f32 v22, v6;
	v14 =	vadd.f32 v14, v57  }
0xf8: {  	v12 =	vmul.f32 v19, v12;
	v19 =	vadd.f32 v27, v58;
	v17 =	vadd.f32 v17, v21  }
0xf9: {  	v20 =	vmul.f32 v18, v53;
	v21 =	vmul.f32 v23, v8;
	v14 =	vadd.f32 v15, v14  }
0xfa: {  	v15 =	vmul.f32 v24, v1;
	v12 =	vadd.f32 v12, v13;
	v13 =	vmul.f32 v17, v16  }
0xfb: {  	v16 =	vmul.f32 v20, v9;
	v17 =	vmul.f32 v18, v52;
	v14 =	vadd.f32 v14, v21  }
0xfc: {  	v11 =	vld.idx.msk [tilespmem:v11+s4+$0x8070 ss:$0x1], $0xffff;
	v19 =	vadd.f32 v19, v25;
	v15 =	vmul.f32 v15, v52  }
0xfd: {  	v12 =	vadd.f32 v13, v12;
	v13 =	vmul.f32 v17, v10;
	v14 =	vadd.f32 v14, v16;
	_ =	sdelay $0x1  }
0xfe: {  	v16 =	vmul.f32 v19, v18;
	v12 =	vadd.f32 v12, v15;
	v13 =	vadd.f32 v14, v13;
	_ =	sdelay $0x1  }
0xff: {  	v12 =	vadd.f32 v16, v12;
	v13 =	vmul.f32 v13, v11  }
0x100: {  	v11 =	vor.u32 $0x1, v0  }
0x101: {  	v13 =	vadd.f32 v13, v12  }
0x102: {  	v12 =	vor.u32 $0x2, v0  }
0x103: {  	[tilespmem:s6+$0x0] =	vst v13  }
0x104: {  	v13 =	vor.u32 $0x3, v0;
	v16 =	vld.idx.msk [tilespmem:v0+s0+$0x0], $0xffff  }
0x105: {  	v17 =	vld.idx.msk [tilespmem:v11+s0+$0x0], $0xffff  }
0x106: {  	v14 =	vor.u32 $0x4, v0  }
0x107: {  	v18 =	vld.idx.msk [tilespmem:v12+s0+$0x0], $0xffff  }
0x108: {  	v15 =	vor.u32 $0x5, v0  }
0x109: {  	v19 =	vld.idx.msk [tilespmem:v13+s0+$0x0], $0xffff  }
0x10a: {  	v17 =	vadd.f32 v17, v16;
	v16 =	vor.u32 $0x6, v0  }
0x10b: {  	v20 =	vld.idx.msk [tilespmem:v14+s0+$0x0], $0xffff  }
0x10c: {  	v18 =	vadd.f32 v18, v17;
	v17 =	vor.u32 $0x7, v0  }
0x10d: {  	v21 =	vld.idx.msk [tilespmem:v15+s0+$0x0], $0xffff  }
0x10e: {  	v19 =	vadd.f32 v19, v18;
	v18 =	vor.u32 $0x8, v0  }
0x10f: {  	v22 =	vld.idx.msk [tilespmem:v16+s0+$0x0], $0xffff  }
0x110: {  	v20 =	vadd.f32 v20, v19;
	v19 =	vor.u32 $0x9, v0  }
0x111: {  	v23 =	vld.idx.msk [tilespmem:v17+s0+$0x0], $0xffff  }
0x112: {  	v21 =	vadd.f32 v21, v20;
	v20 =	vor.u32 $0xA, v0  }
0x113: {  	v24 =	vld.idx.msk [tilespmem:v18+s0+$0x0], $0xffff  }
0x114: {  	v22 =	vadd.f32 v22, v21;
	v21 =	vor.u32 $0xB, v0  }
0x115: {  	v25 =	vld.idx.msk [tilespmem:v19+s0+$0x0], $0xffff  }
0x116: {  	v23 =	vadd.f32 v23, v22;
	v22 =	vor.u32 $0xC, v0  }
0x117: {  	v27 =	vld.idx.msk [tilespmem:v20+s0+$0x0], $0xffff  }
0x118: {  	v24 =	vadd.f32 v24, v23;
	v23 =	vor.u32 $0xD, v0  }
0x119: {  	v59 =	vld.idx.msk [tilespmem:v21+s0+$0x0], $0xffff  }
0x11a: {  	v25 =	vadd.f32 v25, v24;
	v24 =	vor.u32 $0xE, v0  }
0x11b: {  	v60 =	vld.idx.msk [tilespmem:v22+s0+$0x0], $0xffff  }
0x11c: {  	v27 =	vadd.f32 v27, v25;
	v25 =	vor.u32 $0xF, v0  }
0x11d: {  	v61 =	vld.idx.msk [tilespmem:v23+s0+$0x0], $0xffff  }
0x11e: {  	v27 =	vadd.f32 v59, v27  }
0x11f: {  	v62 =	vld.idx.msk [tilespmem:v24+s0+$0x0], $0xffff  }
0x120: {  	v27 =	vadd.f32 v60, v27  }
0x121: {  	v63 =	vld.idx.msk [tilespmem:v25+s0+$0x0], $0xffff  }
0x122: {  	s9 =	sshll.u32 s19, $0x4;
	s19 =	sadd.s32 $0x1, s19;
	v27 =	vadd.f32 v61, v27  }
0x123: {  	p0 =	sne.s32 s19, $0x4  }
.Ltmp3:
0x124: {  	v27 =	vadd.f32 v62, v27;
	(pc) =	sbr.rel @p0 .LBB2_3-.Ltmp3, $4  }
0x125: {  	_ = 	snop  }
0x126: {  	v27 =	vadd.f32 v63, v27  }
0x127: {  	s4 =	sand.u32 $0x3FFFFFF0, s9  }
0x128: {  	s24 =	sadd.s32 $0x800, s24;
	[tilespmem:v26+s4+$0x0 ss:$0x1] =	vst.idx.msk $0xffff, v27  }
0x129: {  	s24 =	sshll.u32 s22, $0xE;
	p0 =	seq.s32 s22, $0x3  }
0x12a: {  	s4 =	sadd.s32 @!p0 s24, s15  }
0x12b: {  	s4 =	sshrl.u32 @!p0 s4, $0x3  }
0x12c: {  	s7 =	simm.s32 @!p0 $0x0;
	s6 =	sadd.s32 @!p0 s1, s4  }
0x12d: {  	[tilespmem:s7], [sflag:$0x1] =	stream.linear.gather @!p0 [hbm4b:s6+s7], $0x2000, $0x38;
	[tilespmem:$0x14B00] =	vst v63  }
0x12e: {  	s9 =	simm.s32 @!p0 $0x2000;
	s8 =	sadd.s32 @!p0 $0x40000, s6  }
0x12f: {  	[tilespmem:s9], [sflag:$0x1] =	stream.linear.gather @!p0 [hbm4b:s8+s7], $0x2000, $0x38;
	[tilespmem:$0x14B00] =	vst v63  }
0x130: {  	s8 =	sor.u32 @!p0 $0x80000, s4  }
0x131: {  	s9 =	simm.s32 @!p0 $0x4000;
	s8 =	sadd.s32 @!p0 s1, s8  }
0x132: {  	[tilespmem:s9], [sflag:$0x1] =	stream.linear.gather @!p0 [hbm4b:s8+s7], $0x2000, $0x38;
	[tilespmem:$0x14B00] =	vst v63  }
0x133: {  	s6 =	sadd.s32 @!p0 $0xC0000, s6;
	s4 =	sor.u32 @!p0 $0x100000, s4;
	s8 =	simm.s32 @!p0 $0x6000  }
0x134: {  	[tilespmem:s8], [sflag:$0x1] =	stream.linear.gather @!p0 [hbm4b:s6+s7], $0x2000, $0x38;
	[tilespmem:$0x14B00] =	vst v63  }
0x135: {  	s4 =	sadd.s32 @!p0 s1, s4;
	s6 =	simm.s32 @!p0 $0x8000  }
0x136: {  	[tilespmem:s6], [sflag:$0x1] =	stream.linear.gather @!p0 [hbm4b:s4+s7], $0x2000, $0x38;
	[tilespmem:$0x14B00] =	vst v63  }
0x137: {  	_ =	swait.ge [sflag:s2], $0x2000  }
0x138: {  	[sflag:s2] =	ssyncset.done $0x0  }
0x139: {  	[sflag:s2] =	ssyncadd.s32 $0xFFFFE000  }
0x13a: {  	_ =	swait.ge [sflag:s2], $0x2000  }
0x13b: {  	[sflag:s2] =	ssyncset.done $0x0  }
0x13c: {  	[sflag:s2] =	ssyncadd.s32 $0xFFFFE000  }
0x13d: {  	_ =	swait.ge [sflag:s2], $0x2000  }
0x13e: {  	[sflag:s2] =	ssyncset.done $0x0  }
0x13f: {  	[sflag:s2] =	ssyncadd.s32 $0xFFFFE000  }
0x140: {  	_ =	swait.ge [sflag:s2], $0x2000  }
0x141: {  	[sflag:s2] =	ssyncset.done $0x0  }
0x142: {  	[sflag:s2] =	ssyncadd.s32 $0xFFFFE000  }
0x143: {  	_ =	swait.ge [sflag:s2], $0x2000  }
0x144: {  	s9 =	sadd.s32 $0x14940, s23;
	[sflag:s2] =	ssyncset.done $0x0  }
0x145: {  	s19 =	simm.s32 $0x0;
	s23 =	simm.s32 $0xA000;
	v26 =	vmov s9;
	[sflag:s2] =	ssyncadd.s32 $0xFFFFE000  }
.LBB2_7:
0x146: {  	v27 =	vmov s23;
	_ =	sdelay $0x3  }
0x147: {  	s4 =	simm.s32 $0x0  }
0x148: {  	v28 =	vld.idx.msk [tilespmem:v27+s4+$0x6000 ss:$0x1], $0xffff  }
0x149: {  	v29 =	vld.idx.msk [tilespmem:v27+s4+$0x4000 ss:$0x1], $0xffff  }
0x14a: {  	v30 =	vld.idx.msk [tilespmem:v27+s4+$0x0 ss:$0x1], $0xffff  }
0x14b: {  	v31 =	vld.idx.msk [tilespmem:v27+s4+$0x2000 ss:$0x1], $0xffff  }
0x14c: {  	v32 =	vld.idx.msk [tilespmem:v27+s4+$0x2010 ss:$0x1], $0xffff  }
0x14d: {  	v34 =	vld.idx.msk [tilespmem:v27+s4+$0x6010 ss:$0x1], $0xffff  }
0x14e: {  	v36 =	vld.idx.msk [tilespmem:v27+s4+$0x10 ss:$0x1], $0xffff  }
0x14f: {  	v38 =	vld.idx.msk [tilespmem:v27+s4+$0x4010 ss:$0x1], $0xffff  }
0x150: {  	v44 =	vld.idx.msk [tilespmem:v27+s4+$0x4020 ss:$0x1], $0xffff  }
0x151: {  	v46 =	vld.idx.msk [tilespmem:v27+s4+$0x6020 ss:$0x1], $0xffff;
	v33 =	vmul.f32 v28, v29;
	v35 =	vmul.f32 v29, v30  }
0x152: {  	v60 =	vld.idx.msk [tilespmem:v27+s4+$0x20 ss:$0x1], $0xffff;
	v37 =	vmul.f32 v31, v30;
	v30 =	vmul.f32 v28, v30  }
0x153: {  	v61 =	vld.idx.msk [tilespmem:v27+s4+$0x2020 ss:$0x1], $0xffff;
	v39 =	vmul.f32 v29, v31;
	v43 =	vmul.f32 v34, v32  }
0x154: {  	v31 =	vmul.f32 v28, v31;
	v45 =	vmul.f32 v38, v36  }
0x155: {  	v48 =	vmul.f32 v34, v38;
	v50 =	vmul.f32 v32, v36  }
0x156: {  	v32 =	vmul.f32 v38, v32;
	v36 =	vmul.f32 v34, v36  }
0x157: {  	v51 =	vmul.f32 v46, v44;
	v63 =	vmul.f32 v44, v60  }
0x158: {  	v57 =	vmul.f32 v46, v60;
	v58 =	vmul.f32 v44, v61  }
0x159: {  	v40 =	vmul.f32 v35, v5;
	v41 =	vmul.f32 v37, v3  }
0x15a: {  	v33 =	vmul.f32 v33, v10;
	v30 =	vmul.f32 v30, v6  }
0x15b: {  	v35 =	vmul.f32 v35, v4;
	v42 =	vmul.f32 v39, v7  }
0x15c: {  	v39 =	vmul.f32 v39, v8;
	v47 =	vmul.f32 v37, v1  }
0x15d: {  	v31 =	vmul.f32 v31, v9;
	v49 =	vmul.f32 v45, v4  }
0x15e: {  	v37 =	vmul.f32 v37, v2;
	v59 =	vmul.f32 v45, v5  }
0x15f: {  	v36 =	vmul.f32 v36, v6;
	v52 =	vmul.f32 v50, v3  }
0x160: {  	v62 =	vmul.f32 v50, v2;
	v54 =	vmul.f32 v63, v5;
	v40 =	vadd.f32 v40, v41  }
0x161: {  	v29 =	vmul.f32 v47, v29;
	v47 =	vmul.f32 v32, v7;
	v41 =	vadd.f32 v59, v52  }
0x162: {  	v32 =	vmul.f32 v32, v8;
	v35 =	vadd.f32 v35, v37;
	v37 =	vmul.f32 v43, v9  }
0x163: {  	v52 =	vmul.f32 v46, v61;
	v30 =	vadd.f32 v30, v40;
	v36 =	vadd.f32 v36, v41  }
0x164: {  	v53 =	vld.idx.msk [tilespmem:v27+s4+$0x8000 ss:$0x1], $0xffff;
	v40 =	vmul.f32 v61, v60;
	v41 =	vmul.f32 v57, v6;
	v35 =	vadd.f32 v35, v42  }
0x165: {  	v59 =	vld.idx.msk [tilespmem:v27+s4+$0x2030 ss:$0x1], $0xffff;
	v60 =	vmul.f32 v63, v4;
	v57 =	vmul.f32 v58, v7;
	v30 =	vadd.f32 v30, v39  }
0x166: {  	v42 =	vld.idx.msk [tilespmem:v27+s4+$0x4030 ss:$0x1], $0xffff;
	v32 =	vadd.f32 v36, v32;
	v61 =	vmul.f32 v40, v2;
	v28 =	vmul.f32 v35, v28  }
0x167: {  	v55 =	vld.idx.msk [tilespmem:v27+s4+$0x6030 ss:$0x1], $0xffff;
	v39 =	vadd.f32 v49, v62;
	v63 =	vmul.f32 v40, v3;
	v56 =	vmul.f32 v40, v1  }
0x168: {  	v62 =	vld.idx.msk [tilespmem:v27+s4+$0x8010 ss:$0x1], $0xffff;
	v49 =	vmul.f32 v51, v10;
	v51 =	vmul.f32 v52, v9;
	v30 =	vadd.f32 v30, v31  }
0x169: {  	v35 =	vld.idx.msk [tilespmem:v27+s4+$0x2040 ss:$0x1], $0xffff;
	v31 =	vmul.f32 v50, v1;
	v50 =	vmul.f32 v58, v8;
	v32 =	vadd.f32 v32, v37  }
0x16a: {  	v39 =	vadd.f32 v39, v47;
	v37 =	vmul.f32 v56, v44;
	v36 =	vadd.f32 v60, v61;
	v47 =	vld.idx.msk [tilespmem:v27+s4+$0x6040 ss:$0x1], $0xffff  }
0x16b: {  	v56 =	vld.idx.msk [tilespmem:v27+s4+$0x40 ss:$0x1], $0xffff;
	v58 =	vmul.f32 v42, v59;
	v30 =	vadd.f32 v30, v33;
	v33 =	vmul.f32 v48, v10  }
0x16c: {  	v31 =	vmul.f32 v31, v38;
	v38 =	vmul.f32 v55, v59;
	v36 =	vadd.f32 v36, v57;
	v48 =	vld.idx.msk [tilespmem:v27+s4+$0x4040 ss:$0x1], $0xffff  }
0x16d: {  	v28 =	vadd.f32 v28, v29;
	v34 =	vmul.f32 v39, v34;
	v30 =	vmul.f32 v30, v53;
	v53 =	vld.idx.msk [tilespmem:v27+s4+$0x30 ss:$0x1], $0xffff  }
0x16e: {  	v32 =	vadd.f32 v32, v33;
	v36 =	vmul.f32 v36, v46;
	v33 =	vmul.f32 v58, v7  }
0x16f: {  	v38 =	vmul.f32 v38, v9;
	v57 =	vmul.f32 v47, v35;
	v28 =	vadd.f32 v30, v28  }
0x170: {  	v43 =	vmul.f32 v32, v62;
	v30 =	vmul.f32 v58, v8  }
0x171: {  	v58 =	vmul.f32 v55, v42;
	v28 =	vadd.f32 v28, v31;
	v31 =	vmul.f32 v48, v35  }
0x172: {  	v35 =	vmul.f32 v35, v56;
	v59 =	vmul.f32 v59, v53  }
0x173: {  	v60 =	vadd.f32 v54, v63;
	v29 =	vmul.f32 v42, v53;
	v63 =	vmul.f32 v55, v53  }
0x174: {  	v44 =	vmul.f32 v35, v1;
	v61 =	vmul.f32 v59, v2  }
0x175: {  	v28 =	vadd.f32 v34, v28;
	v62 =	vmul.f32 v59, v3;
	v54 =	vmul.f32 v29, v5  }
0x176: {  	v41 =	vadd.f32 v41, v60;
	v29 =	vmul.f32 v29, v4;
	v39 =	vmul.f32 v59, v1  }
0x177: {  	v40 =	vmul.f32 v63, v6;
	v59 =	vmul.f32 v47, v56;
	v28 =	vadd.f32 v43, v28  }
0x178: {  	v45 =	vadd.f32 v54, v62;
	v52 =	vmul.f32 v39, v42;
	v42 =	vmul.f32 v47, v48  }
0x179: {  	v29 =	vadd.f32 v29, v61;
	v61 =	vmul.f32 v58, v10;
	v62 =	vmul.f32 v48, v56  }
0x17a: {  	v39 =	vld.idx.msk [tilespmem:v27+s4+$0x2050 ss:$0x1], $0xffff;
	v56 =	vadd.f32 v41, v50;
	v41 =	vmul.f32 v59, v6;
	v40 =	vadd.f32 v40, v45  }
0x17b: {  	v54 =	vld.idx.msk [tilespmem:v27+s4+$0x4050 ss:$0x1], $0xffff;
	v58 =	vmul.f32 v35, v2;
	v35 =	vmul.f32 v35, v3;
	v33 =	vadd.f32 v29, v33  }
0x17c: {  	v29 =	vmul.f32 v57, v9;
	v45 =	vld.idx.msk [tilespmem:v27+s4+$0x50 ss:$0x1], $0xffff;
	v57 =	vmul.f32 v62, v4;
	v30 =	vadd.f32 v40, v30  }
0x17d: {  	v60 =	vld.idx.msk [tilespmem:v27+s4+$0x8030 ss:$0x1], $0xffff;
	v28 =	vadd.f32 v28, v37;
	v50 =	vadd.f32 v56, v51;
	v32 =	vmul.f32 v33, v55  }
0x17e: {  	v59 =	vld.idx.msk [tilespmem:v27+s4+$0x8020 ss:$0x1], $0xffff;
	v55 =	vmul.f32 v31, v7;
	v40 =	vadd.f32 v57, v58;
	v38 =	vadd.f32 v30, v38  }
0x17f: {  	v51 =	vmul.f32 v31, v8;
	v28 =	vadd.f32 v36, v28;
	v36 =	vmul.f32 v42, v10  }
0x180: {  	v43 =	vmul.f32 v54, v39;
	v30 =	vld.idx.msk [tilespmem:v27+s4+$0x6050 ss:$0x1], $0xffff;
	v53 =	vadd.f32 v40, v55;
	v63 =	vadd.f32 v38, v61  }
0x181: {  	v49 =	vadd.f32 v50, v49;
	v40 =	vmul.f32 v44, v48;
	v61 =	vmul.f32 v54, v45  }
0x182: {  	v37 =	vmul.f32 v53, v47;
	v33 =	vmul.f32 v63, v60  }
0x183: {  	v60 =	vmul.f32 v62, v5;
	v62 =	vmul.f32 v49, v59  }
0x184: {  	v63 =	vmul.f32 v61, v4;
	v49 =	vmul.f32 v61, v5  }
0x185: {  	v31 =	vmul.f32 v30, v45;
	v45 =	vmul.f32 v39, v45  }
0x186: {  	v34 =	vmul.f32 v30, v39;
	v46 =	vmul.f32 v30, v54  }
0x187: {  	v39 =	vld.idx.msk [tilespmem:v27+s4+$0x2060 ss:$0x1], $0xffff;
	v35 =	vadd.f32 v60, v35;
	v42 =	vmul.f32 v45, v2;
	v38 =	vmul.f32 v31, v6  }
0x188: {  	v60 =	vadd.f32 v62, v28;
	v28 =	vld.idx.msk [tilespmem:v27+s4+$0x6060 ss:$0x1], $0xffff;
	v61 =	vmul.f32 v45, v1;
	v56 =	vmul.f32 v45, v3  }
0x189: {  	v31 =	vld.idx.msk [tilespmem:v27+s4+$0x4060 ss:$0x1], $0xffff;
	v35 =	vadd.f32 v41, v35;
	v62 =	vadd.f32 v63, v42;
	v63 =	vmul.f32 v43, v7  }
0x18a: {  	v41 =	vld.idx.msk [tilespmem:v27+s4+$0x60 ss:$0x1], $0xffff;
	v47 =	vadd.f32 v60, v52;
	v42 =	vmul.f32 v43, v8;
	v44 =	vadd.f32 v49, v56  }
0x18b: {  	s7 =	simm.s32 $0x14800;
	s8 =	simm.s32 $0x200;
	s6 =	simm.s32 $0x14800;
	v43 =	vld.idx.msk [tilespmem:v27+s4+$0x8040 ss:$0x1], $0xffff;
	v45 =	vadd.f32 v35, v51;
	v35 =	vmul.f32 v61, v54;
	v48 =	vadd.f32 v62, v63  }
.LBB2_8:
0x18c: {  	p1 =	sne.s32 s8, $0x1E00  }
0x18d: {  	v29 =	vadd.f32 v45, v29;
	v45 =	vmul.f32 v46, v10;
	s7 =	sadd.s32 $0x10, s7;
	s9 =	smov.u32 s8;
	s8 =	sadd.s32 $0x200, s8  }
0x18e: {  	v46 =	vmul.f32 v31, v39;
	v32 =	vadd.f32 v32, v47;
	v30 =	vmul.f32 v48, v30  }
0x18f: {  	v34 =	vmul.f32 v34, v9;
	v29 =	vadd.f32 v29, v36;
	v36 =	vmul.f32 v28, v39  }
0x190: {  	v32 =	vadd.f32 v33, v32;
	v33 =	vadd.f32 v38, v44;
	v38 =	vmul.f32 v46, v8  }
0x191: {  	v29 =	vmul.f32 v29, v43;
	v43 =	vmul.f32 v28, v41  }
0x192: {  	v39 =	vmul.f32 v39, v41;
	v32 =	vadd.f32 v32, v40;
	v40 =	vld.idx.msk [tilespmem:v27+s4+$0x8050 ss:$0x1], $0xffff;
	v33 =	vadd.f32 v33, v42  }
0x193: {  	v41 =	vmul.f32 v31, v41;
	v42 =	vmul.f32 v28, v31;
	v44 =	vld.idx.msk [tilespmem:v27+s4+$0x4070 ss:$0x1], $0xffff  }
0x194: {  	v32 =	vadd.f32 v37, v32;
	v33 =	vadd.f32 v33, v34;
	v34 =	vmul.f32 v39, v1;
	v37 =	vld.idx.msk [tilespmem:v27+s4+$0x2070 ss:$0x1], $0xffff  }
0x195: {  	v47 =	vmul.f32 v41, v4;
	v43 =	vmul.f32 v43, v6;
	v48 =	vld.idx.msk [tilespmem:v27+s4+$0x70 ss:$0x1], $0xffff  }
0x196: {  	v29 =	vadd.f32 v29, v32;
	v32 =	vadd.f32 v33, v45;
	v33 =	vmul.f32 v39, v2  }
0x197: {  	v45 =	vmul.f32 v46, v7;
	v39 =	vmul.f32 v39, v3  }
0x198: {  	v29 =	vadd.f32 v29, v35;
	v32 =	vmul.f32 v32, v40;
	v35 =	vmul.f32 v41, v5  }
0x199: {  	v31 =	vmul.f32 v34, v31;
	v34 =	vmul.f32 v36, v9;
	v33 =	vadd.f32 v47, v33;
	v36 =	vld.idx.msk [tilespmem:v27+s4+$0x6070 ss:$0x1], $0xffff  }
0x19a: {  	v29 =	vadd.f32 v30, v29;
	v30 =	vadd.f32 v35, v39;
	v35 =	vmul.f32 v44, v37  }
0x19b: {  	v33 =	vadd.f32 v33, v45;
	v39 =	vmul.f32 v37, v48;
	v40 =	vmul.f32 v44, v48  }
0x19c: {  	v29 =	vadd.f32 v32, v29;
	v30 =	vadd.f32 v43, v30;
	v32 =	vmul.f32 v35, v7  }
0x19d: {  	v33 =	vmul.f32 v33, v28;
	v28 =	vmul.f32 v40, v4  }
0x19e: {  	v40 =	vmul.f32 v40, v5;
	v41 =	vld.idx.msk [tilespmem:v27+s4+$0x8060 ss:$0x1], $0xffff;
	v30 =	vadd.f32 v30, v38;
	v38 =	vmul.f32 v39, v2  }
0x19f: {  	v29 =	vadd.f32 v29, v31;
	v31 =	vmul.f32 v42, v10;
	v42 =	vmul.f32 v36, v48  }
0x1a0: {  	s9 =	sshra.s32 s9, $0x2;
	v30 =	vadd.f32 v30, v34;
	v34 =	vadd.f32 v28, v38;
	v38 =	vmul.f32 v39, v3  }
0x1a1: {  	v39 =	vmul.f32 v39, v1;
	v42 =	vmul.f32 v42, v6;
	v28 =	vld.idx.msk [tilespmem:v27+s9+$0x6000 ss:$0x1], $0xffff  }
0x1a2: {  	v43 =	vld.idx.msk [tilespmem:v27+s9+$0x4000 ss:$0x1], $0xffff;
	v30 =	vadd.f32 v30, v31;
	v31 =	vmul.f32 v36, v37;
	v37 =	vadd.f32 v40, v38  }
0x1a3: {  	v29 =	vadd.f32 v33, v29;
	v33 =	vmul.f32 v35, v8;
	v32 =	vadd.f32 v34, v32;
	v38 =	vld.idx.msk [tilespmem:v27+s9+$0x0 ss:$0x1], $0xffff  }
0x1a4: {  	v34 =	vld.idx.msk [tilespmem:v27+s9+$0x2000 ss:$0x1], $0xffff;
	v30 =	vmul.f32 v30, v41;
	v35 =	vadd.f32 v42, v37;
	v31 =	vmul.f32 v31, v9  }
0x1a5: {  	v39 =	vmul.f32 v39, v44;
	v37 =	vmul.f32 v36, v44  }
0x1a6: {  	v29 =	vadd.f32 v30, v29;
	v30 =	vld.idx.msk [tilespmem:v27+s4+$0x8070 ss:$0x1], $0xffff;
	v33 =	vadd.f32 v35, v33;
	s4 =	smov.u32 s9  }
0x1a7: {  	v32 =	vmul.f32 v32, v36;
	v36 =	vmul.f32 v37, v10;
	v35 =	vld.idx.msk [tilespmem:v27+s4+$0x2010 ss:$0x1], $0xffff  }
0x1a8: {  	v37 =	vmul.f32 v28, v43;
	v40 =	vld.idx.msk [tilespmem:v27+s4+$0x6010 ss:$0x1], $0xffff;
	v29 =	vadd.f32 v29, v39;
	v31 =	vadd.f32 v33, v31  }
0x1a9: {  	v33 =	vmul.f32 v43, v38;
	v39 =	vmul.f32 v28, v38;
	v41 =	vld.idx.msk [tilespmem:v27+s4+$0x10 ss:$0x1], $0xffff  }
0x1aa: {  	v38 =	vmul.f32 v34, v38;
	v42 =	vld.idx.msk [tilespmem:v27+s4+$0x4010 ss:$0x1], $0xffff;
	v29 =	vadd.f32 v32, v29;
	v31 =	vadd.f32 v31, v36  }
0x1ab: {  	v32 =	vmul.f32 v43, v34;
	v36 =	vmul.f32 v33, v5  }
0x1ac: {  	v37 =	vmul.f32 v37, v10;
	v44 =	vmul.f32 v38, v3  }
0x1ad: {  	v39 =	vmul.f32 v39, v6;
	v30 =	vmul.f32 v31, v30  }
0x1ae: {  	v31 =	vmul.f32 v33, v4;
	v33 =	vmul.f32 v32, v7;
	v36 =	vadd.f32 v36, v44  }
0x1af: {  	v32 =	vmul.f32 v32, v8;
	v44 =	vmul.f32 v40, v35;
	v29 =	vadd.f32 v30, v29;
	v45 =	vld.idx.msk [tilespmem:v27+s4+$0x4020 ss:$0x1], $0xffff  }
0x1b0: {  	v30 =	vmul.f32 v28, v34;
	v34 =	vadd.f32 v39, v36;
	v36 =	vmul.f32 v42, v41;
	v39 =	vld.idx.msk [tilespmem:v27+s4+$0x6020 ss:$0x1], $0xffff  }
0x1b1: {  	v46 =	vmul.f32 v38, v1;
	v47 =	vmul.f32 v40, v42;
	v48 =	vld.idx.msk [tilespmem:v27+s4+$0x20 ss:$0x1], $0xffff;
	[tilespmem:s6+$0x0] =	vst v29;
	s6 =	smov.u32 s7  }
0x1b2: {  	v30 =	vmul.f32 v30, v9;
	v32 =	vadd.f32 v34, v32;
	v34 =	vmul.f32 v36, v4;
	v29 =	vld.idx.msk [tilespmem:v27+s4+$0x8000 ss:$0x1], $0xffff  }
0x1b3: {  	v38 =	vmul.f32 v38, v2;
	v36 =	vmul.f32 v36, v5;
	v49 =	vld.idx.msk [tilespmem:v27+s4+$0x2020 ss:$0x1], $0xffff  }
0x1b4: {  	v30 =	vadd.f32 v32, v30;
	v32 =	vmul.f32 v35, v41;
	v35 =	vmul.f32 v42, v35  }
0x1b5: {  	v43 =	vmul.f32 v46, v43;
	v31 =	vadd.f32 v31, v38;
	v38 =	vmul.f32 v40, v41  }
0x1b6: {  	v30 =	vadd.f32 v30, v37;
	v37 =	vmul.f32 v35, v7;
	v41 =	vmul.f32 v39, v45  }
0x1b7: {  	v31 =	vadd.f32 v31, v33;
	v33 =	vmul.f32 v38, v6;
	v35 =	vmul.f32 v35, v8  }
0x1b8: {  	v38 =	vmul.f32 v32, v2;
	v46 =	vmul.f32 v32, v3  }
0x1b9: {  	v32 =	vmul.f32 v32, v1;
	v50 =	vmul.f32 v45, v48  }
0x1ba: {  	v44 =	vmul.f32 v44, v9;
	v36 =	vadd.f32 v36, v46;
	v46 =	vmul.f32 v39, v48  }
0x1bb: {  	v34 =	vadd.f32 v34, v38;
	v38 =	vmul.f32 v39, v49;
	v51 =	vmul.f32 v50, v5;
	v52 =	vld.idx.msk [tilespmem:v27+s4+$0x4030 ss:$0x1], $0xffff  }
0x1bc: {  	v33 =	vadd.f32 v33, v36;
	v36 =	vmul.f32 v47, v10;
	v47 =	vmul.f32 v45, v49;
	v53 =	vld.idx.msk [tilespmem:v27+s4+$0x6030 ss:$0x1], $0xffff  }
0x1bd: {  	v34 =	vadd.f32 v34, v37;
	v37 =	vmul.f32 v49, v48;
	v46 =	vmul.f32 v46, v6;
	v48 =	vld.idx.msk [tilespmem:v27+s4+$0x2030 ss:$0x1], $0xffff  }
0x1be: {  	v33 =	vadd.f32 v33, v35;
	v35 =	vmul.f32 v50, v4;
	v50 =	vmul.f32 v47, v8;
	v49 =	vld.idx.msk [tilespmem:v27+s4+$0x8010 ss:$0x1], $0xffff  }
0x1bf: {  	v29 =	vmul.f32 v30, v29;
	v30 =	vmul.f32 v37, v2;
	v54 =	vld.idx.msk [tilespmem:v27+s4+$0x30 ss:$0x1], $0xffff  }
0x1c0: {  	v28 =	vmul.f32 v31, v28;
	v31 =	vadd.f32 v33, v44;
	v33 =	vmul.f32 v37, v3  }
0x1c1: {  	v37 =	vmul.f32 v37, v1;
	v44 =	vmul.f32 v47, v7  }
0x1c2: {  	v32 =	vmul.f32 v32, v42;
	v30 =	vadd.f32 v35, v30;
	v31 =	vadd.f32 v31, v36  }
0x1c3: {  	v28 =	vadd.f32 v28, v43;
	v33 =	vadd.f32 v51, v33;
	v35 =	vmul.f32 v53, v48  }
0x1c4: {  	v36 =	vmul.f32 v37, v45;
	v30 =	vadd.f32 v30, v44;
	v37 =	vmul.f32 v52, v48  }
0x1c5: {  	v34 =	vmul.f32 v34, v40;
	v33 =	vadd.f32 v46, v33;
	v40 =	vmul.f32 v48, v54;
	v42 =	vld.idx.msk [tilespmem:v27+s4+$0x2040 ss:$0x1], $0xffff  }
0x1c6: {  	v28 =	vadd.f32 v29, v28;
	v29 =	vmul.f32 v31, v49;
	v31 =	vmul.f32 v52, v54;
	v43 =	vld.idx.msk [tilespmem:v27+s4+$0x6040 ss:$0x1], $0xffff  }
0x1c7: {  	v33 =	vadd.f32 v33, v50;
	v44 =	vmul.f32 v40, v2;
	v45 =	vmul.f32 v40, v3;
	v46 =	vld.idx.msk [tilespmem:v27+s4+$0x40 ss:$0x1], $0xffff  }
0x1c8: {  	v41 =	vmul.f32 v41, v10;
	v28 =	vadd.f32 v28, v32;
	v32 =	vmul.f32 v53, v54;
	v47 =	vld.idx.msk [tilespmem:v27+s4+$0x4040 ss:$0x1], $0xffff  }
0x1c9: {  	v48 =	vmul.f32 v31, v4;
	v31 =	vmul.f32 v31, v5  }
0x1ca: {  	v28 =	vadd.f32 v34, v28;
	v34 =	vmul.f32 v38, v9;
	v32 =	vmul.f32 v32, v6  }
0x1cb: {  	v38 =	vmul.f32 v30, v39;
	v30 =	vadd.f32 v31, v45;
	v31 =	vmul.f32 v37, v8  }
0x1cc: {  	v28 =	vadd.f32 v29, v28;
	v29 =	vadd.f32 v48, v44;
	v37 =	vmul.f32 v37, v7;
	v39 =	vld.idx.msk [tilespmem:v27+s4+$0x8020 ss:$0x1], $0xffff  }
0x1cd: {  	v40 =	vmul.f32 v40, v1;
	v30 =	vadd.f32 v32, v30;
	v32 =	vmul.f32 v43, v42  }
0x1ce: {  	v44 =	vmul.f32 v53, v52;
	v37 =	vadd.f32 v29, v37;
	v45 =	vmul.f32 v43, v46;
	v48 =	vld.idx.msk [tilespmem:v27+s4+$0x2050 ss:$0x1], $0xffff  }
0x1cf: {  	v35 =	vmul.f32 v35, v9;
	v31 =	vadd.f32 v30, v31;
	v29 =	vmul.f32 v32, v9;
	v49 =	vld.idx.msk [tilespmem:v27+s4+$0x8030 ss:$0x1], $0xffff  }
0x1d0: {  	v33 =	vadd.f32 v33, v34;
	v50 =	vmul.f32 v40, v52;
	v40 =	vmul.f32 v43, v47;
	v30 =	vld.idx.msk [tilespmem:v27+s4+$0x6050 ss:$0x1], $0xffff  }
0x1d1: {  	v34 =	vmul.f32 v44, v10;
	v31 =	vadd.f32 v31, v35;
	v35 =	vmul.f32 v47, v42;
	v44 =	vld.idx.msk [tilespmem:v27+s4+$0x50 ss:$0x1], $0xffff  }
0x1d2: {  	v28 =	vadd.f32 v28, v36;
	v36 =	vmul.f32 v42, v46;
	v42 =	vmul.f32 v47, v46;
	v51 =	vld.idx.msk [tilespmem:v27+s4+$0x4050 ss:$0x1], $0xffff  }
0x1d3: {  	v32 =	vmul.f32 v37, v53;
	v31 =	vadd.f32 v31, v34;
	v37 =	vmul.f32 v35, v7  }
0x1d4: {  	v28 =	vadd.f32 v38, v28;
	v46 =	vmul.f32 v36, v1;
	v45 =	vmul.f32 v45, v6  }
0x1d5: {  	v38 =	vadd.f32 v33, v41;
	v33 =	vmul.f32 v31, v49;
	v31 =	vmul.f32 v42, v4  }
0x1d6: {  	v41 =	vmul.f32 v36, v2;
	v34 =	vmul.f32 v30, v48  }
0x1d7: {  	v35 =	vmul.f32 v35, v8;
	v49 =	vmul.f32 v30, v44  }
0x1d8: {  	v31 =	vadd.f32 v31, v41;
	v41 =	vmul.f32 v42, v5;
	v42 =	vmul.f32 v51, v44  }
0x1d9: {  	v44 =	vmul.f32 v48, v44;
	v48 =	vmul.f32 v51, v48  }
0x1da: {  	v52 =	vmul.f32 v36, v3;
	v36 =	vmul.f32 v40, v10  }
0x1db: {  	v37 =	vadd.f32 v31, v37;
	v53 =	vmul.f32 v44, v2  }
0x1dc: {  	v39 =	vmul.f32 v38, v39;
	v38 =	vmul.f32 v49, v6  }
0x1dd: {  	v41 =	vadd.f32 v41, v52;
	v49 =	vmul.f32 v42, v4;
	v52 =	vmul.f32 v42, v5;
	v31 =	vld.idx.msk [tilespmem:v27+s4+$0x4060 ss:$0x1], $0xffff  }
.Ltmp4:
0x1de: {  	v54 =	vadd.f32 v39, v28;
	v55 =	vmul.f32 v44, v1;
	v44 =	vmul.f32 v44, v3;
	v39 =	vld.idx.msk [tilespmem:v27+s4+$0x2060 ss:$0x1], $0xffff;
	(pc) =	sbr.rel @p1 .LBB2_8-.Ltmp4, $4  }
0x1df: {  	v40 =	vmul.f32 v46, v47;
	v37 =	vmul.f32 v37, v43;
	v45 =	vadd.f32 v45, v41;
	v28 =	vld.idx.msk [tilespmem:v27+s4+$0x6060 ss:$0x1], $0xffff  }
0x1e0: {  	v42 =	vmul.f32 v48, v8;
	v49 =	vadd.f32 v49, v53;
	v53 =	vmul.f32 v48, v7;
	v41 =	vld.idx.msk [tilespmem:v27+s4+$0x60 ss:$0x1], $0xffff  }
0x1e1: {  	v46 =	vmul.f32 v30, v51;
	v44 =	vadd.f32 v52, v44;
	v45 =	vadd.f32 v45, v35;
	v43 =	vld.idx.msk [tilespmem:v27+s4+$0x8040 ss:$0x1], $0xffff  }
0x1e2: {  	v47 =	vadd.f32 v54, v50;
	v35 =	vmul.f32 v55, v51;
	v48 =	vadd.f32 v49, v53  }
0x1e3: {  	_ =	sdelay $0x1  }
0x1e4: {  	v29 =	vadd.f32 v45, v29;
	v62 =	vmul.f32 v46, v10;
	v63 =	vmul.f32 v31, v39  }
0x1e5: {  	v50 =	vmul.f32 v34, v9;
	v51 =	vadd.f32 v38, v44;
	v30 =	vmul.f32 v48, v30  }
0x1e6: {  	v44 =	vld.idx.msk [tilespmem:v27+s4+$0x2070 ss:$0x1], $0xffff;
	v32 =	vadd.f32 v32, v47;
	v52 =	vmul.f32 v28, v39;
	v38 =	vmul.f32 v63, v8  }
0x1e7: {  	v59 =	vld.idx.msk [tilespmem:v27+s4+$0x70 ss:$0x1], $0xffff;
	v29 =	vadd.f32 v29, v36;
	v54 =	vmul.f32 v39, v41;
	v55 =	vmul.f32 v28, v41  }
0x1e8: {  	v34 =	vadd.f32 v51, v42;
	v56 =	vmul.f32 v31, v41;
	v36 =	vmul.f32 v52, v9  }
0x1e9: {  	v32 =	vadd.f32 v33, v32;
	v29 =	vmul.f32 v29, v43;
	v57 =	vmul.f32 v54, v1  }
0x1ea: {  	v33 =	vadd.f32 v34, v50;
	v58 =	vmul.f32 v56, v4;
	v42 =	vmul.f32 v55, v6  }
0x1eb: {  	v53 =	vld.idx.msk [tilespmem:v27+s4+$0x8050 ss:$0x1], $0xffff;
	v61 =	vmul.f32 v54, v3;
	v41 =	vmul.f32 v56, v5;
	v32 =	vadd.f32 v32, v40  }
0x1ec: {  	v43 =	vld.idx.msk [tilespmem:v27+s4+$0x4070 ss:$0x1], $0xffff;
	v39 =	vmul.f32 v54, v2;
	v52 =	vmul.f32 v44, v59;
	v60 =	vadd.f32 v33, v62  }
0x1ed: {  	v34 =	vld.idx.msk [tilespmem:v27+s4+$0x6070 ss:$0x1], $0xffff;
	v62 =	vmul.f32 v63, v7;
	v63 =	vmul.f32 v57, v31;
	v32 =	vadd.f32 v37, v32  }
0x1ee: {  	v33 =	vadd.f32 v41, v61;
	v49 =	vadd.f32 v58, v39;
	v37 =	vmul.f32 v28, v31  }
0x1ef: {  	v57 =	vmul.f32 v52, v3;
	v58 =	vmul.f32 v52, v2;
	v29 =	vadd.f32 v29, v32  }
0x1f0: {  	v33 =	vadd.f32 v42, v33;
	v42 =	vmul.f32 v52, v1;
	v32 =	vmul.f32 v60, v53  }
0x1f1: {  	v50 =	vmul.f32 v43, v44;
	v51 =	vmul.f32 v43, v59;
	v29 =	vadd.f32 v29, v35  }
0x1f2: {  	v56 =	vmul.f32 v34, v59;
	v37 =	vmul.f32 v37, v10;
	v33 =	vadd.f32 v33, v38  }
0x1f3: {  	v46 =	vmul.f32 v34, v43;
	v29 =	vadd.f32 v30, v29;
	v30 =	vmul.f32 v51, v5  }
0x1f4: {  	v55 =	vld.idx.msk [tilespmem:v27+s4+$0x8060 ss:$0x1], $0xffff;
	v35 =	vadd.f32 v49, v62;
	v54 =	vmul.f32 v51, v4;
	v33 =	vadd.f32 v33, v36  }
0x1f5: {  	v59 =	vmul.f32 v56, v6;
	v29 =	vadd.f32 v32, v29;
	v30 =	vadd.f32 v30, v57  }
0x1f6: {  	v62 =	vmul.f32 v34, v44;
	v60 =	vmul.f32 v35, v28;
	v33 =	vadd.f32 v33, v37  }
0x1f7: {  	v29 =	vadd.f32 v29, v63;
	v63 =	vmul.f32 v50, v8;
	v30 =	vadd.f32 v59, v30  }
0x1f8: {  	v53 =	vmul.f32 v50, v7;
	v61 =	vadd.f32 v54, v58;
	v45 =	vmul.f32 v62, v9  }
0x1f9: {  	v44 =	vmul.f32 v33, v55;
	v28 =	vadd.f32 v60, v29;
	v30 =	vadd.f32 v30, v63  }
0x1fa: {  	v27 =	vld.idx.msk [tilespmem:v27+s4+$0x8070 ss:$0x1], $0xffff;
	v31 =	vmul.f32 v42, v43;
	v35 =	vadd.f32 v61, v53  }
0x1fb: {  	v47 =	vmul.f32 v46, v10;
	v28 =	vadd.f32 v44, v28;
	v30 =	vadd.f32 v30, v45;
	_ =	sdelay $0x1  }
0x1fc: {  	v48 =	vmul.f32 v35, v34;
	v28 =	vadd.f32 v28, v31;
	v29 =	vadd.f32 v30, v47;
	_ =	sdelay $0x1  }
0x1fd: {  	v28 =	vadd.f32 v48, v28;
	v27 =	vmul.f32 v29, v27;
	_ =	sdelay $0x1  }
0x1fe: {  	v27 =	vadd.f32 v27, v28;
	_ =	sdelay $0x1  }
0x1ff: {  	[tilespmem:s6+$0x0] =	vst v27  }
0x200: {  	v27 =	vld.idx.msk [tilespmem:v0+s0+$0x0], $0xffff  }
0x201: {  	v49 =	vld.idx.msk [tilespmem:v11+s0+$0x0], $0xffff;
	_ =	sdelay $0x1  }
0x202: {  	v50 =	vld.idx.msk [tilespmem:v12+s0+$0x0], $0xffff;
	_ =	sdelay $0x1  }
0x203: {  	v51 =	vld.idx.msk [tilespmem:v13+s0+$0x0], $0xffff  }
0x204: {  	v27 =	vadd.f32 v49, v27  }
0x205: {  	v52 =	vld.idx.msk [tilespmem:v14+s0+$0x0], $0xffff  }
0x206: {  	v27 =	vadd.f32 v50, v27  }
0x207: {  	v53 =	vld.idx.msk [tilespmem:v15+s0+$0x0], $0xffff  }
0x208: {  	v27 =	vadd.f32 v51, v27  }
0x209: {  	v54 =	vld.idx.msk [tilespmem:v16+s0+$0x0], $0xffff  }
0x20a: {  	v27 =	vadd.f32 v52, v27  }
0x20b: {  	v55 =	vld.idx.msk [tilespmem:v17+s0+$0x0], $0xffff  }
0x20c: {  	v27 =	vadd.f32 v53, v27  }
0x20d: {  	v56 =	vld.idx.msk [tilespmem:v18+s0+$0x0], $0xffff  }
0x20e: {  	v27 =	vadd.f32 v54, v27  }
0x20f: {  	v57 =	vld.idx.msk [tilespmem:v19+s0+$0x0], $0xffff  }
0x210: {  	v27 =	vadd.f32 v55, v27  }
0x211: {  	v58 =	vld.idx.msk [tilespmem:v20+s0+$0x0], $0xffff  }
0x212: {  	v27 =	vadd.f32 v56, v27  }
0x213: {  	v59 =	vld.idx.msk [tilespmem:v21+s0+$0x0], $0xffff  }
0x214: {  	v27 =	vadd.f32 v57, v27  }
0x215: {  	v60 =	vld.idx.msk [tilespmem:v22+s0+$0x0], $0xffff  }
0x216: {  	v27 =	vadd.f32 v58, v27  }
0x217: {  	v61 =	vld.idx.msk [tilespmem:v23+s0+$0x0], $0xffff  }
0x218: {  	v27 =	vadd.f32 v59, v27  }
0x219: {  	v62 =	vld.idx.msk [tilespmem:v24+s0+$0x0], $0xffff  }
0x21a: {  	v27 =	vadd.f32 v60, v27  }
0x21b: {  	v63 =	vld.idx.msk [tilespmem:v25+s0+$0x0], $0xffff  }
0x21c: {  	s9 =	sshll.u32 s19, $0x4;
	s19 =	sadd.s32 $0x1, s19;
	v27 =	vadd.f32 v61, v27  }
0x21d: {  	p1 =	sne.s32 s19, $0x4  }
.Ltmp5:
0x21e: {  	v27 =	vadd.f32 v62, v27;
	(pc) =	sbr.rel @p1 .LBB2_7-.Ltmp5, $4  }
0x21f: {  	_ = 	snop  }
0x220: {  	v27 =	vadd.f32 v63, v27  }
0x221: {  	s4 =	sand.u32 $0x3FFFFFF0, s9  }
0x222: {  	s23 =	sadd.s32 $0x800, s23;
	[tilespmem:v26+s4+$0x0 ss:$0x1] =	vst.idx.msk $0xffff, v27  }
.Ltmp6:
0x223: {  	(pc) =	sbr.rel @p0 .LBB2_12-.Ltmp6, $1  }
0x224: {  	_ =	sdelay $0x3  }
0x225: {  	s4 =	sadd.s32 s24, s16  }
0x226: {  	s4 =	sshrl.u32 s4, $0x3  }
0x227: {  	s6 =	sadd.s32 s1, s4  }
0x228: {  	[tilespmem:s25], [sflag:$0x2] =	stream.linear.gather [hbm4b:s6+s3], $0x2000, $0x38;
	[tilespmem:$0x14B00] =	vst v63  }
0x229: {  	s24 =	sor.u32 $0x80000, s4;
	s7 =	sadd.s32 $0x40000, s6  }
0x22a: {  	[tilespmem:s26], [sflag:$0x2] =	stream.linear.gather [hbm4b:s7+s3], $0x2000, $0x38;
	[tilespmem:$0x14B00] =	vst v63  }
0x22b: {  	s7 =	sadd.s32 s1, s24  }
0x22c: {  	[tilespmem:s28], [sflag:$0x2] =	stream.linear.gather [hbm4b:s7+s3], $0x2000, $0x38;
	[tilespmem:$0x14B00] =	vst v63  }
.Ltmp7:
0x22d: {  	_ = 	snop;
	(pc) =	sbr.rel .LBB2_2-.Ltmp7, $4  }
0x22e: {  	s4 =	sor.u32 $0x100000, s4;
	s6 =	sadd.s32 $0xC0000, s6  }
0x22f: {  	[tilespmem:s29], [sflag:$0x2] =	stream.linear.gather [hbm4b:s6+s3], $0x2000, $0x38;
	[tilespmem:$0x14B00] =	vst v63  }
0x230: {  	s22 =	sadd.s32 $0x1, s22;
	s4 =	sadd.s32 s1, s4  }
0x231: {  	[tilespmem:s30], [sflag:$0x2] =	stream.linear.gather [hbm4b:s4+s3], $0x2000, $0x38;
	[tilespmem:$0x14B00] =	vst v63  }
.LBB2_13:
0x232: {  	_ =	sfence.sel $0x180000  }
0x233: {  	[bflag:$0x0] =	sbarrier.arrive $0xFFFF  }
0x234: {  	_ =	strace $0x90000047  }
0x235: {  	s0 =	stileid.u32;
	[bflag:$0x2] =	sbarrier.arrive $0xFFFF  }
0x236: {  	p0 =	sne.s32 s0, $0x0;
	s0 =	rddreg [dreg:$0x3]  }
0x237: {  	s0 =	sadd.s32 @!p0 $0x100000, s0  }
0x238: {  	[sflag:s0] =	ssyncadd.tile.s32 @!p0 $0x1;
	_ =	shalt  }
.Lfunc_end2:
_tile_overlayer_lowered:
.L_overlay_start_2:
0x239: {  	(tag) =	ssettag $0x2  }
0x23a: {  	s0 =	rddreg [dreg:$0x0];
	s2 =	stileid.u32  }
0x23b: {  	s1 =	rddreg [dreg:$0x1];
	p0 =	sne.s32 s2, $0x0  }
0x23c: {  	s3 =	rddreg [dreg:$0x2];
	[bflag:$0x3] =	sbarrier.arrive $0xFFFF;
	s2 =	simm.s32 @!p0 $0x1C03  }
0x23d: {  	[timem:s3], [sflag:s2] =	dma.local @!p0 [hbm:s0], s1  }
0x23e: {  	s0 =	simm.s32 @!p0 $0x3  }
0x23f: {  	_ =	swait.ge @!p0 [sflag:s0], s1  }
0x240: {  	s1 =	ssub.s32 @!p0 $0x0, s1;
	[sflag:s0] =	ssyncset.done @!p0 $0x0  }
0x241: {  	[sflag:s0] =	ssyncadd.s32 @!p0 s1  }
0x242: {  	[bflag:$0x3] =	sbarrier.arrive $0xFFFF  }
0x243: {  	_ =	shalt  }

</sc_bundles>
